<compile_context>
chip_gen: v7x
topology: tpu7x:2x2x1
jax: 0.10.2.dev20260603
libtpu: 0.0.44.dev20260713+nightly
codegen_flags: <defaults>
</compile_context>

<pallas_src>
import functools

import jax
import jax.numpy as jnp
from jax import lax
from jax.experimental import pallas as pl
from jax.experimental.pallas import tpu as pltpu
from jax.experimental.pallas import tpu_sc as plsc

N = 10000
E = 160000
NP = 10240
EP = 163840
H1 = 32
H2 = 16

NC, NS = 2, 16
NW = NC * NS
ROWS = EP // 128
RPW = ROWS // NW
CH = 8
NCHUNK = RPW // CH
EPW = EP // NW
ZR = NP // NS

_SC_MESH = plsc.VectorSubcoreMesh(
    core_axis_name="c", subcore_axis_name="s", num_cores=NC, num_subcores=NS)
_SC_PARAMS = pltpu.CompilerParams(needs_layout_passes=False)
_SC_PARAMS_NOTILE = pltpu.CompilerParams(
    needs_layout_passes=False, use_tc_tiling_on_sc=False)



def _deg_body(src_hbm, dst_hbm, zero_hbm, out_hbm, dacc, sidx, didx):
    c = lax.axis_index("c")
    s = lax.axis_index("s")
    wid = s * NC + c
    base = wid * EPW
    pltpu.sync_copy(zero_hbm, dacc)
    pltpu.sync_copy(src_hbm.at[pl.ds(base, EPW)], sidx)
    pltpu.sync_copy(dst_hbm.at[pl.ds(base, EPW)], didx)
    ones_f = jnp.ones((16,), jnp.float32)
    off = jnp.full((16,), NP, jnp.int32)

    def step(i, carry):
        iv = sidx[pl.ds(i * 16, 16)]
        plsc.addupdate_scatter(dacc, [iv], ones_f)
        jv = didx[pl.ds(i * 16, 16)] + off
        plsc.addupdate_scatter(dacc, [jv], ones_f)
        return carry

    lax.fori_loop(0, EPW // 16, step, 0)
    pltpu.sync_copy(dacc, out_hbm.at[wid])


_deg_call = pl.kernel(
    _deg_body,
    out_type=jax.ShapeDtypeStruct((NW, 2 * NP), jnp.float32),
    mesh=_SC_MESH,
    compiler_params=_SC_PARAMS,
    scratch_types=[
        pltpu.VMEM((2 * NP,), jnp.float32),
        pltpu.VMEM((EPW,), jnp.int32),
        pltpu.VMEM((EPW,), jnp.int32),
    ],
)


def _agg_body(tbl_hbm, s2_hbm, d2_hbm, zrow_hbm, out_hbm,
              acc, sidx2, didx2, rows3, zbuf, gsem, ssem):
    c = lax.axis_index("c")
    s = lax.axis_index("s")
    wid = s * NC + c
    pltpu.sync_copy(zrow_hbm, zbuf)
    pltpu.sync_copy(zbuf, acc.at[pl.ds(s * ZR, ZR)])
    plsc.subcore_barrier()

    def chunk(i, carry):
        rb = wid * RPW + i * CH
        pltpu.sync_copy(s2_hbm.at[pl.ds(rb, CH)], sidx2)
        pltpu.sync_copy(d2_hbm.at[pl.ds(rb, CH)], didx2)
        gathers = [
            pltpu.async_copy(tbl_hbm.at[sidx2.at[j]], rows3.at[j], gsem)
            for j in range(CH)
        ]
        for g in gathers:
            g.wait()
        scatters = [
            pltpu.async_copy(rows3.at[j], acc.at[didx2.at[j]], ssem, add=True)
            for j in range(CH)
        ]
        for sc in scatters:
            sc.wait()
        return carry

    lax.fori_loop(0, NCHUNK, chunk, 0)
    plsc.subcore_barrier()
    pltpu.sync_copy(acc.at[pl.ds(s * ZR, ZR)], zbuf)
    pltpu.sync_copy(zbuf, out_hbm.at[c, pl.ds(s * ZR, ZR)])


_agg_call = pl.kernel(
    _agg_body,
    out_type=jax.ShapeDtypeStruct((NC, NP, H1), jnp.float32),
    mesh=_SC_MESH,
    compiler_params=_SC_PARAMS_NOTILE,
    scratch_types=[
        pltpu.VMEM_SHARED((NP, H1), jnp.float32),
        pltpu.VMEM((CH, 128), jnp.int32),
        pltpu.VMEM((CH, 128), jnp.int32),
        pltpu.VMEM((CH, 128, H1), jnp.float32),
        pltpu.VMEM((ZR, H1), jnp.float32),
        pltpu.SemaphoreType.DMA,
        pltpu.SemaphoreType.DMA,
    ],
)



_BR = 1280


def _tca_body(dp_ref, feat_ref, w1_ref, xwn_ref, norms_ref):
    deg = jnp.sum(dp_ref[...], axis=0)
    no = lax.rsqrt(jnp.maximum(deg[0], 1.0))
    ni = lax.rsqrt(jnp.maximum(deg[1], 1.0))
    xw = jnp.dot(feat_ref[...], w1_ref[...], preferred_element_type=jnp.float32)
    xwn_ref[...] = xw * no[:, None]
    norms_ref[...] = jnp.stack([no, ni])


def _tcb_body(ap_ref, norms_ref, b1_ref, hn_ref):
    a = ap_ref[0] + ap_ref[1]
    ni = norms_ref[1][:, None]
    no = norms_ref[0][:, None]
    hn_ref[...] = jnp.maximum(a * ni + b1_ref[...], 0.0) * no


def _tcc_body(ap_ref, norms_ref, noise_ref, w2_ref, b2_ref, w3_ref, b3_ref,
              z_ref):
    g = (ap_ref[0] + ap_ref[1]) * norms_ref[1][:, None]
    mean = jnp.dot(g, w2_ref[...], preferred_element_type=jnp.float32)
    log_std = jnp.dot(g, w3_ref[...], preferred_element_type=jnp.float32)
    z_ref[...] = (mean + b2_ref[...]
                  + noise_ref[...] * jnp.exp(log_std + b3_ref[...]))


_DR, _DC = 1000, 1280


def _tcd_body(z_ref, zt_ref, out_ref):
    x = jnp.dot(z_ref[...], zt_ref[...], preferred_element_type=jnp.float32)
    out_ref[...] = 0.5 * jnp.tanh(0.5 * x) + 0.5


def _tca(degp, featp, W1):
    grid = NP // _BR
    return pl.pallas_call(
        _tca_body,
        grid=(grid,),
        in_specs=[
            pl.BlockSpec((NW, 2, _BR), lambda i: (0, 0, i)),
            pl.BlockSpec((_BR, 128), lambda i: (i, 0)),
            pl.BlockSpec((128, H1), lambda i: (0, 0)),
        ],
        out_specs=[
            pl.BlockSpec((_BR, H1), lambda i: (i, 0)),
            pl.BlockSpec((2, _BR), lambda i: (0, i)),
        ],
        out_shape=[
            jax.ShapeDtypeStruct((NP, H1), jnp.float32),
            jax.ShapeDtypeStruct((2, NP), jnp.float32),
        ],
    )(degp, featp, W1)


def _tcb(aggp, norms, b1):
    grid = NP // _BR
    return pl.pallas_call(
        _tcb_body,
        grid=(grid,),
        in_specs=[
            pl.BlockSpec((NC, _BR, H1), lambda i: (0, i, 0)),
            pl.BlockSpec((2, _BR), lambda i: (0, i)),
            pl.BlockSpec((1, H1), lambda i: (0, 0)),
        ],
        out_specs=pl.BlockSpec((_BR, H1), lambda i: (i, 0)),
        out_shape=jax.ShapeDtypeStruct((NP, H1), jnp.float32),
    )(aggp, norms, b1)


def _tcc(aggp, norms, noisep, W2, b2, W3, b3):
    grid = NP // _BR
    return pl.pallas_call(
        _tcc_body,
        grid=(grid,),
        in_specs=[
            pl.BlockSpec((NC, _BR, H1), lambda i: (0, i, 0)),
            pl.BlockSpec((2, _BR), lambda i: (0, i)),
            pl.BlockSpec((_BR, H2), lambda i: (i, 0)),
            pl.BlockSpec((H1, H2), lambda i: (0, 0)),
            pl.BlockSpec((1, H2), lambda i: (0, 0)),
            pl.BlockSpec((H1, H2), lambda i: (0, 0)),
            pl.BlockSpec((1, H2), lambda i: (0, 0)),
        ],
        out_specs=pl.BlockSpec((_BR, H2), lambda i: (i, 0)),
        out_shape=jax.ShapeDtypeStruct((NP, H2), jnp.float32),
    )(aggp, norms, noisep, W2, b2, W3, b3)


def _tcd(zf, zt):
    return pl.pallas_call(
        _tcd_body,
        grid=(N // _DR, (N + _DC - 1) // _DC),
        in_specs=[
            pl.BlockSpec((_DR, H2), lambda i, j: (i, 0)),
            pl.BlockSpec((H2, _DC), lambda i, j: (0, j)),
        ],
        out_specs=pl.BlockSpec((_DR, _DC), lambda i, j: (i, j)),
        out_shape=jax.ShapeDtypeStruct((N, N), jnp.float32),
    )(zf, zt)



def kernel(features, edge_index, noise, W1, b1, W2, b2, W3, b3):
    src = edge_index[0]
    dst = edge_index[1]
    pad = EP - E
    srcp = jnp.concatenate([src, jnp.full((pad,), N, jnp.int32)])
    dstp = jnp.concatenate([dst, jnp.full((pad,), N, jnp.int32)])
    s2 = srcp.reshape(ROWS, 128)
    d2 = dstp.reshape(ROWS, 128)
    featp = jnp.pad(features, ((0, NP - N), (0, 0)))
    noisep = jnp.pad(noise, ((0, NP - N), (0, 0)))
    dzeros = jnp.zeros((2 * NP,), jnp.float32)
    zrows = jnp.zeros((ZR, H1), jnp.float32)

    degp = _deg_call(srcp, dstp, dzeros).reshape(NW, 2, NP)
    xwn, norms = _tca(degp, featp, W1)
    agg1 = _agg_call(xwn, s2, d2, zrows)
    hn = _tcb(agg1, norms, b1.reshape(1, H1))
    agg2 = _agg_call(hn, s2, d2, zrows)
    zf = _tcc(agg2, norms, noisep, W2, b2.reshape(1, H2),
              W3, b3.reshape(1, H2))
    zt = zf.T
    return _tcd(zf, zt)

# --- scband reference (transcript-rebuilt; emitter-appended) ---
"""Pipeline reference for scband-vgaemodel-10024453669132 (READ-ONLY COPY).

The authoritative reference and input builder live on the scoring server;
editing this copy changes nothing except your own understanding.
"""

import jax, jax.numpy as jnp
import numpy as np

N = 10000
E = 160000
IN_DIM = 128
H1 = 32
H2 = 16


def _glorot(key, shape):
    limit = np.sqrt(6.0 / (shape[0] + shape[1]))
    return jax.random.uniform(key, shape, dtype=jnp.float32, minval=-limit, maxval=limit)


def setup_inputs(seed: int = 0) -> dict:
    key = jax.random.key(seed)
    ks = jax.random.split(key, 9)
    features = jax.random.normal(ks[0], (N, IN_DIM), dtype=jnp.float32)
    edge_index = jax.random.randint(ks[1], (2, E), 0, N, dtype=jnp.int32)
    noise = jax.random.normal(ks[2], (N, H2), dtype=jnp.float32)
    W1 = _glorot(ks[3], (IN_DIM, H1))
    b1 = jnp.zeros((H1,), dtype=jnp.float32)
    W2 = _glorot(ks[4], (H1, H2))
    b2 = jnp.zeros((H2,), dtype=jnp.float32)
    W3 = _glorot(ks[5], (H1, H2))
    b3 = jnp.zeros((H2,), dtype=jnp.float32)
    return {"features": features, "edge_index": edge_index, "noise": noise,
            "W1": W1, "b1": b1, "W2": W2, "b2": b2, "W3": W3, "b3": b3}


def _graph_conv(x, src, dst, norm_out, norm_in, W, b):
    # DGL GraphConv, norm='both': D_out^{-1/2} on src feats, scatter-add over edges,
    # D_in^{-1/2} on aggregated feats, then linear.
    h = x * norm_out[:, None]
    msg = jnp.take(h, src, axis=0)
    agg = jnp.zeros((N, h.shape[1]), dtype=x.dtype).at[dst].add(msg)
    agg = agg * norm_in[:, None]
    return agg @ W + b


def reference(features, edge_index, noise, W1, b1, W2, b2, W3, b3):
    src = edge_index[0]
    dst = edge_index[1]
    deg_out = jnp.clip(jnp.bincount(src, length=N).astype(jnp.float32), 1.0, None)
    deg_in = jnp.clip(jnp.bincount(dst, length=N).astype(jnp.float32), 1.0, None)
    norm_out = deg_out ** -0.5
    norm_in = deg_in ** -0.5

    h = jax.nn.relu(_graph_conv(features, src, dst, norm_out, norm_in, W1, b1))
    mean = _graph_conv(h, src, dst, norm_out, norm_in, W2, b2)
    log_std = _graph_conv(h, src, dst, norm_out, norm_in, W3, b3)
    z = mean + noise * jnp.exp(log_std)
    adj_rec = jax.nn.sigmoid(z @ z.T)
    return adj_rec

if __name__ == "__main__":
    import jax
    _d = setup_inputs()
    print(jax.jit(kernel)(*tuple(_d.values())))

</pallas_src>

<mosaic_0001>
#map = affine_map<(d0, d1) -> (0)>
#map1 = affine_map<(d0, d1) -> (0, 0)>
module attributes {stable_mosaic.version = 14 : i64} {
  func.func @_deg_body(%arg0: i32, %arg1: i32, %arg2: memref<163840xi32, #tpu.memory_space<hbm>>, %arg3: memref<163840xi32, #tpu.memory_space<hbm>>, %arg4: memref<20480xf32, #tpu.memory_space<hbm>>, %arg5: memref<32x20480xf32, #tpu.memory_space<hbm>>, %arg6: memref<20480xf32, #tpu.memory_space<vmem>>, %arg7: memref<5120xi32, #tpu.memory_space<vmem>>, %arg8: memref<5120xi32, #tpu.memory_space<vmem>>) attributes {dimension_semantics = [#tpu.dimension_semantics<core_parallel>, #tpu.dimension_semantics<subcore_parallel>], iteration_bounds = array<i64: 2, 16>, scalar_prefetch = 0 : i64, scratch_operands = 3 : i64, tpu.core_type = #tpu.core_type<sc_vector_subcore>, window_params = [{transform_indices = #map}, {transform_indices = #map}, {transform_indices = #map}, {transform_indices = #map1}]} {
    %mul3A = arith.constant 2 : i32
    %mul3A_0 = arith.muli %arg1, %mul3A : i32
    %add3A = arith.addi %mul3A_0, %arg0 : i32
    %mul3A_1 = arith.constant 5120 : i32
    %mul3A_2 = arith.muli %add3A, %mul3A_1 : i32
    "tpu.region"() ({
      %run_scoped3A = tpu.sem_alloc : memref<!tpu.dma_semaphore, #tpu.memory_space<semaphore_mem>>
      tpu.enqueue_dma source(%arg4 : memref<20480xf32, #tpu.memory_space<hbm>>) target(%arg6 : memref<20480xf32, #tpu.memory_space<vmem>>) target_semaphore(%run_scoped3A : memref<!tpu.dma_semaphore, #tpu.memory_space<semaphore_mem>>)
      tpu.wait_dma2 semaphore(%run_scoped3A : memref<!tpu.dma_semaphore, #tpu.memory_space<semaphore_mem>>) src(%arg4 : memref<20480xf32, #tpu.memory_space<hbm>>) dst(%arg6 : memref<20480xf32, #tpu.memory_space<vmem>>)
      tpu.yield
    }) : () -> ()
    "tpu.region"() ({
      %run_scoped3A = tpu.sem_alloc : memref<!tpu.dma_semaphore, #tpu.memory_space<semaphore_mem>>
      %dma_start3A = tpu.memref_slice %arg2[%mul3A_2] : memref<163840xi32, #tpu.memory_space<hbm>> -> memref<5120xi32, #tpu.memory_space<hbm>>
      %dma_start3A_11 = tpu.memref_slice %arg2[%mul3A_2] : memref<163840xi32, #tpu.memory_space<hbm>> -> memref<5120xi32, #tpu.memory_space<hbm>>
      tpu.enqueue_dma source(%dma_start3A_11 : memref<5120xi32, #tpu.memory_space<hbm>>) target(%arg7 : memref<5120xi32, #tpu.memory_space<vmem>>) target_semaphore(%run_scoped3A : memref<!tpu.dma_semaphore, #tpu.memory_space<semaphore_mem>>)
      %dma_wait3A = tpu.memref_slice %arg2[%mul3A_2] : memref<163840xi32, #tpu.memory_space<hbm>> -> memref<5120xi32, #tpu.memory_space<hbm>>
      %dma_wait3A_12 = tpu.memref_slice %arg2[%mul3A_2] : memref<163840xi32, #tpu.memory_space<hbm>> -> memref<5120xi32, #tpu.memory_space<hbm>>
      tpu.wait_dma2 semaphore(%run_scoped3A : memref<!tpu.dma_semaphore, #tpu.memory_space<semaphore_mem>>) src(%dma_wait3A_12 : memref<5120xi32, #tpu.memory_space<hbm>>) dst(%arg7 : memref<5120xi32, #tpu.memory_space<vmem>>)
      tpu.yield
    }) : () -> ()
    "tpu.region"() ({
      %run_scoped3A = tpu.sem_alloc : memref<!tpu.dma_semaphore, #tpu.memory_space<semaphore_mem>>
      %dma_start3A = tpu.memref_slice %arg3[%mul3A_2] : memref<163840xi32, #tpu.memory_space<hbm>> -> memref<5120xi32, #tpu.memory_space<hbm>>
      %dma_start3A_11 = tpu.memref_slice %arg3[%mul3A_2] : memref<163840xi32, #tpu.memory_space<hbm>> -> memref<5120xi32, #tpu.memory_space<hbm>>
      tpu.enqueue_dma source(%dma_start3A_11 : memref<5120xi32, #tpu.memory_space<hbm>>) target(%arg8 : memref<5120xi32, #tpu.memory_space<vmem>>) target_semaphore(%run_scoped3A : memref<!tpu.dma_semaphore, #tpu.memory_space<semaphore_mem>>)
      %dma_wait3A = tpu.memref_slice %arg3[%mul3A_2] : memref<163840xi32, #tpu.memory_space<hbm>> -> memref<5120xi32, #tpu.memory_space<hbm>>
      %dma_wait3A_12 = tpu.memref_slice %arg3[%mul3A_2] : memref<163840xi32, #tpu.memory_space<hbm>> -> memref<5120xi32, #tpu.memory_space<hbm>>
      tpu.wait_dma2 semaphore(%run_scoped3A : memref<!tpu.dma_semaphore, #tpu.memory_space<semaphore_mem>>) src(%dma_wait3A_12 : memref<5120xi32, #tpu.memory_space<hbm>>) dst(%arg8 : memref<5120xi32, #tpu.memory_space<vmem>>)
      tpu.yield
    }) : () -> ()
    %broadcast_in_dim3A = arith.constant 1.000000e+00 : f32
    %broadcast_in_dim3A_3 = vector.broadcast %broadcast_in_dim3A : f32 to vector<16xf32>
    %broadcast_in_dim3A_4 = arith.constant 10240 : i32
    %broadcast_in_dim3A_5 = vector.broadcast %broadcast_in_dim3A_4 : i32 to vector<16xi32>
    %scan3A = arith.constant 0 : i32
    %scan3A_6 = arith.constant 0 : i32
    %scan3A_7 = arith.constant 320 : i32
    %scan3A_8 = arith.addi %scan3A_6, %scan3A_7 : i32
    %scan3A_9 = arith.constant 1 : i32
    scf.for %scan3A_11 = %scan3A_6 to %scan3A_8 step %scan3A_9  : i32 {
      %mul3A_12 = arith.constant 16 : i32
      %mul3A_13 = arith.muli %scan3A_11, %mul3A_12 : i32
      %get3A = arith.index_cast %mul3A_13 : i32 to index
      %get3A_14 = tpu.vector_load %arg7[%get3A] {strides = array<i32>} : memref<5120xi32, #tpu.memory_space<vmem>>, vector<16xi32>,
      tpu.vector_store_idx %arg6[%get3A_14], %broadcast_in_dim3A_3 {add = true} : memref<20480xf32, #tpu.memory_space<vmem>>[vector<16xi32>], vector<16xf32>,
      %mul3A_15 = arith.constant 16 : i32
      %mul3A_16 = arith.muli %scan3A_11, %mul3A_15 : i32
      %get3A_17 = arith.index_cast %mul3A_16 : i32 to index
      %get3A_18 = tpu.vector_load %arg8[%get3A_17] {strides = array<i32>} : memref<5120xi32, #tpu.memory_space<vmem>>, vector<16xi32>,
      %add3A_19 = arith.addi %get3A_18, %broadcast_in_dim3A_5 : vector<16xi32>
      tpu.vector_store_idx %arg6[%add3A_19], %broadcast_in_dim3A_3 {add = true} : memref<20480xf32, #tpu.memory_space<vmem>>[vector<16xi32>], vector<16xf32>,
    }
    %scan3A_10 = arith.constant 320 : i32
    "tpu.region"() ({
      %run_scoped3A = tpu.sem_alloc : memref<!tpu.dma_semaphore, #tpu.memory_space<semaphore_mem>>
      %dma_start3A = arith.constant 0 : i32
      %dma_start3A_11 = tpu.memref_slice %arg5[%add3A, %dma_start3A] : memref<32x20480xf32, #tpu.memory_space<hbm>> -> memref<1x20480xf32, #tpu.memory_space<hbm>>
      %dma_start3A_12 = tpu.memref_squeeze %dma_start3A_11 : memref<1x20480xf32, #tpu.memory_space<hbm>> -> memref<20480xf32, #tpu.memory_space<hbm>>
      %dma_start3A_13 = arith.constant 0 : i32
      %dma_start3A_14 = tpu.memref_slice %arg5[%add3A, %dma_start3A_13] : memref<32x20480xf32, #tpu.memory_space<hbm>> -> memref<1x20480xf32, #tpu.memory_space<hbm>>
      %dma_start3A_15 = tpu.memref_squeeze %dma_start3A_14 : memref<1x20480xf32, #tpu.memory_space<hbm>> -> memref<20480xf32, #tpu.memory_space<hbm>>
      tpu.enqueue_dma source(%arg6 : memref<20480xf32, #tpu.memory_space<vmem>>) target(%dma_start3A_15 : memref<20480xf32, #tpu.memory_space<hbm>>) target_semaphore(%run_scoped3A : memref<!tpu.dma_semaphore, #tpu.memory_space<semaphore_mem>>)
      %dma_wait3A = arith.constant 0 : i32
      %dma_wait3A_16 = tpu.memref_slice %arg5[%add3A, %dma_wait3A] : memref<32x20480xf32, #tpu.memory_space<hbm>> -> memref<1x20480xf32, #tpu.memory_space<hbm>>
      %dma_wait3A_17 = tpu.memref_squeeze %dma_wait3A_16 : memref<1x20480xf32, #tpu.memory_space<hbm>> -> memref<20480xf32, #tpu.memory_space<hbm>>
      %dma_wait3A_18 = arith.constant 0 : i32
      %dma_wait3A_19 = tpu.memref_slice %arg5[%add3A, %dma_wait3A_18] : memref<32x20480xf32, #tpu.memory_space<hbm>> -> memref<1x20480xf32, #tpu.memory_space<hbm>>
      %dma_wait3A_20 = tpu.memref_squeeze %dma_wait3A_19 : memref<1x20480xf32, #tpu.memory_space<hbm>> -> memref<20480xf32, #tpu.memory_space<hbm>>
      tpu.wait_dma2 semaphore(%run_scoped3A : memref<!tpu.dma_semaphore, #tpu.memory_space<semaphore_mem>>) src(%arg6 : memref<20480xf32, #tpu.memory_space<vmem>>) dst(%dma_wait3A_20 : memref<20480xf32, #tpu.memory_space<hbm>>)
      tpu.yield
    }) : () -> ()
    return
  }
}

#map = affine_map<(d0, d1) -> (0, 0)>
#map1 = affine_map<(d0, d1) -> (0, 0, 0)>
module attributes {stable_mosaic.version = 14 : i64} {
  func.func @_agg_body(%arg0: i32, %arg1: i32, %arg2: memref<10240x32xf32, #tpu.memory_space<hbm>>, %arg3: memref<1280x128xi32, #tpu.memory_space<hbm>>, %arg4: memref<1280x128xi32, #tpu.memory_space<hbm>>, %arg5: memref<640x32xf32, #tpu.memory_space<hbm>>, %arg6: memref<2x10240x32xf32, #tpu.memory_space<hbm>>, %arg7: memref<10240x32xf32, #tpu.memory_space<vmem_shared>>, %arg8: memref<8x128xi32, #tpu.memory_space<vmem>>, %arg9: memref<8x128xi32, #tpu.memory_space<vmem>>, %arg10: memref<8x128x32xf32, #tpu.memory_space<vmem>>, %arg11: memref<640x32xf32, #tpu.memory_space<vmem>>, %arg12: memref<!tpu.dma_semaphore, #tpu.memory_space<semaphore_mem>>, %arg13: memref<!tpu.dma_semaphore, #tpu.memory_space<semaphore_mem>>) attributes {dimension_semantics = [#tpu.dimension_semantics<core_parallel>, #tpu.dimension_semantics<subcore_parallel>], iteration_bounds = array<i64: 2, 16>, scalar_prefetch = 0 : i64, scratch_operands = 7 : i64, tpu.core_type = #tpu.core_type<sc_vector_subcore>, window_params = [{transform_indices = #map}, {transform_indices = #map}, {transform_indices = #map}, {transform_indices = #map}, {transform_indices = #map1}]} {
    %mul3A = arith.constant 2 : i32
    %mul3A_0 = arith.muli %arg1, %mul3A : i32
    %add3A = arith.addi %mul3A_0, %arg0 : i32
    "tpu.region"() ({
      %run_scoped3A = tpu.sem_alloc : memref<!tpu.dma_semaphore, #tpu.memory_space<semaphore_mem>>
      tpu.enqueue_dma source(%arg5 : memref<640x32xf32, #tpu.memory_space<hbm>>) target(%arg11 : memref<640x32xf32, #tpu.memory_space<vmem>>) target_semaphore(%run_scoped3A : memref<!tpu.dma_semaphore, #tpu.memory_space<semaphore_mem>>)
      tpu.wait_dma2 semaphore(%run_scoped3A : memref<!tpu.dma_semaphore, #tpu.memory_space<semaphore_mem>>) src(%arg5 : memref<640x32xf32, #tpu.memory_space<hbm>>) dst(%arg11 : memref<640x32xf32, #tpu.memory_space<vmem>>)
      tpu.yield
    }) : () -> ()
    %mul3A_1 = arith.constant 640 : i32
    %mul3A_2 = arith.muli %arg1, %mul3A_1 : i32
    "tpu.region"() ({
      %run_scoped3A = tpu.sem_alloc : memref<!tpu.dma_semaphore, #tpu.memory_space<semaphore_mem>>
      %dma_start3A = arith.constant 0 : i32
      %dma_start3A_13 = tpu.memref_slice %arg7[%mul3A_2, %dma_start3A] : memref<10240x32xf32, #tpu.memory_space<vmem_shared>> -> memref<640x32xf32, #tpu.memory_space<vmem_shared>>
      %dma_start3A_14 = arith.constant 0 : i32
      %dma_start3A_15 = tpu.memref_slice %arg7[%mul3A_2, %dma_start3A_14] : memref<10240x32xf32, #tpu.memory_space<vmem_shared>> -> memref<640x32xf32, #tpu.memory_space<vmem_shared>>
      tpu.enqueue_dma source(%arg11 : memref<640x32xf32, #tpu.memory_space<vmem>>) target(%dma_start3A_15 : memref<640x32xf32, #tpu.memory_space<vmem_shared>>) target_semaphore(%run_scoped3A : memref<!tpu.dma_semaphore, #tpu.memory_space<semaphore_mem>>)
      %dma_wait3A = arith.constant 0 : i32
      %dma_wait3A_16 = tpu.memref_slice %arg7[%mul3A_2, %dma_wait3A] : memref<10240x32xf32, #tpu.memory_space<vmem_shared>> -> memref<640x32xf32, #tpu.memory_space<vmem_shared>>
      %dma_wait3A_17 = arith.constant 0 : i32
      %dma_wait3A_18 = tpu.memref_slice %arg7[%mul3A_2, %dma_wait3A_17] : memref<10240x32xf32, #tpu.memory_space<vmem_shared>> -> memref<640x32xf32, #tpu.memory_space<vmem_shared>>
      tpu.wait_dma2 semaphore(%run_scoped3A : memref<!tpu.dma_semaphore, #tpu.memory_space<semaphore_mem>>) src(%arg11 : memref<640x32xf32, #tpu.memory_space<vmem>>) dst(%dma_wait3A_18 : memref<640x32xf32, #tpu.memory_space<vmem_shared>>)
      tpu.yield
    }) : () -> ()
    %barrier3A = arith.constant 0 : index
    tpu.barrier barrier_id(%barrier3A)
    %scan3A = arith.constant 0 : i32
    %scan3A_3 = arith.constant 0 : i32
    %scan3A_4 = arith.constant 5 : i32
    %scan3A_5 = arith.addi %scan3A_3, %scan3A_4 : i32
    %scan3A_6 = arith.constant 1 : i32
    scf.for %scan3A_13 = %scan3A_3 to %scan3A_5 step %scan3A_6  : i32 {
      %mul3A_14 = arith.constant 40 : i32
      %mul3A_15 = arith.muli %add3A, %mul3A_14 : i32
      %mul3A_16 = arith.constant 8 : i32
      %mul3A_17 = arith.muli %scan3A_13, %mul3A_16 : i32
      %add3A_18 = arith.addi %mul3A_15, %mul3A_17 : i32
      "tpu.region"() ({
        %run_scoped3A = tpu.sem_alloc : memref<!tpu.dma_semaphore, #tpu.memory_space<semaphore_mem>>
        %dma_start3A_401 = arith.constant 0 : i32
        %dma_start3A_402 = tpu.memref_slice %arg3[%add3A_18, %dma_start3A_401] : memref<1280x128xi32, #tpu.memory_space<hbm>> -> memref<8x128xi32, #tpu.memory_space<hbm>>
        %dma_start3A_403 = arith.constant 0 : i32
        %dma_start3A_404 = tpu.memref_slice %arg3[%add3A_18, %dma_start3A_403] : memref<1280x128xi32, #tpu.memory_space<hbm>> -> memref<8x128xi32, #tpu.memory_space<hbm>>
        tpu.enqueue_dma source(%dma_start3A_404 : memref<8x128xi32, #tpu.memory_space<hbm>>) target(%arg8 : memref<8x128xi32, #tpu.memory_space<vmem>>) target_semaphore(%run_scoped3A : memref<!tpu.dma_semaphore, #tpu.memory_space<semaphore_mem>>)
        %dma_wait3A_405 = arith.constant 0 : i32
        %dma_wait3A_406 = tpu.memref_slice %arg3[%add3A_18, %dma_wait3A_405] : memref<1280x128xi32, #tpu.memory_space<hbm>> -> memref<8x128xi32, #tpu.memory_space<hbm>>
        %dma_wait3A_407 = arith.constant 0 : i32
        %dma_wait3A_408 = tpu.memref_slice %arg3[%add3A_18, %dma_wait3A_407] : memref<1280x128xi32, #tpu.memory_space<hbm>> -> memref<8x128xi32, #tpu.memory_space<hbm>>
        tpu.wait_dma2 semaphore(%run_scoped3A : memref<!tpu.dma_semaphore, #tpu.memory_space<semaphore_mem>>) src(%dma_wait3A_408 : memref<8x128xi32, #tpu.memory_space<hbm>>) dst(%arg8 : memref<8x128xi32, #tpu.memory_space<vmem>>)
        tpu.yield
      }) : () -> ()
      "tpu.region"() ({
        %run_scoped3A = tpu.sem_alloc : memref<!tpu.dma_semaphore, #tpu.memory_space<semaphore_mem>>
        %dma_start3A_401 = arith.constant 0 : i32
        %dma_start3A_402 = tpu.memref_slice %arg4[%add3A_18, %dma_start3A_401] : memref<1280x128xi32, #tpu.memory_space<hbm>> -> memref<8x128xi32, #tpu.memory_space<hbm>>
        %dma_start3A_403 = arith.constant 0 : i32
        %dma_start3A_404 = tpu.memref_slice %arg4[%add3A_18, %dma_start3A_403] : memref<1280x128xi32, #tpu.memory_space<hbm>> -> memref<8x128xi32, #tpu.memory_space<hbm>>
        tpu.enqueue_dma source(%dma_start3A_404 : memref<8x128xi32, #tpu.memory_space<hbm>>) target(%arg9 : memref<8x128xi32, #tpu.memory_space<vmem>>) target_semaphore(%run_scoped3A : memref<!tpu.dma_semaphore, #tpu.memory_space<semaphore_mem>>)
        %dma_wait3A_405 = arith.constant 0 : i32
        %dma_wait3A_406 = tpu.memref_slice %arg4[%add3A_18, %dma_wait3A_405] : memref<1280x128xi32, #tpu.memory_space<hbm>> -> memref<8x128xi32, #tpu.memory_space<hbm>>
        %dma_wait3A_407 = arith.constant 0 : i32
        %dma_wait3A_408 = tpu.memref_slice %arg4[%add3A_18, %dma_wait3A_407] : memref<1280x128xi32, #tpu.memory_space<hbm>> -> memref<8x128xi32, #tpu.memory_space<hbm>>
        tpu.wait_dma2 semaphore(%run_scoped3A : memref<!tpu.dma_semaphore, #tpu.memory_space<semaphore_mem>>) src(%dma_wait3A_408 : memref<8x128xi32, #tpu.memory_space<hbm>>) dst(%arg9 : memref<8x128xi32, #tpu.memory_space<vmem>>)
        tpu.yield
      }) : () -> ()
      %dma_start3A = arith.constant 0 : i32
      %dma_start3A_19 = arith.constant 0 : i32
      %dma_start3A_20 = arith.constant 0 : i32
      %dma_start3A_21 = arith.constant 0 : i32
      %dma_start3A_22 = tpu.memref_slice %arg10[%dma_start3A_19, %dma_start3A_20, %dma_start3A_21] : memref<8x128x32xf32, #tpu.memory_space<vmem>> -> memref<1x128x32xf32, #tpu.memory_space<vmem>>
      %dma_start3A_23 = tpu.memref_squeeze %dma_start3A_22 : memref<1x128x32xf32, #tpu.memory_space<vmem>> -> memref<128x32xf32, #tpu.memory_space<vmem>>
      %dma_start3A_24 = arith.constant 0 : i32
      %dma_start3A_25 = tpu.memref_slice %arg8[%dma_start3A, %dma_start3A_24] : memref<8x128xi32, #tpu.memory_space<vmem>> -> memref<1x128xi32, #tpu.memory_space<vmem>>
      %dma_start3A_26 = tpu.memref_squeeze %dma_start3A_25 : memref<1x128xi32, #tpu.memory_space<vmem>> -> memref<128xi32, #tpu.memory_space<vmem>>
      %dma_start3A_27 = arith.constant 0 : i32
      %dma_start3A_28 = arith.constant 0 : i32
      %dma_start3A_29 = tpu.memref_slice %arg2[%dma_start3A_27, %dma_start3A_28] : memref<10240x32xf32, #tpu.memory_space<hbm>> -> memref<10240x32xf32, #tpu.memory_space<hbm>>
      tpu.enqueue_indirect_dma source(%dma_start3A_29 : memref<10240x32xf32, #tpu.memory_space<hbm>>) target(%dma_start3A_23 : memref<128x32xf32, #tpu.memory_space<vmem>>) offsets(%dma_start3A_26 : memref<128xi32, #tpu.memory_space<vmem>>) semaphore(%arg12 : memref<!tpu.dma_semaphore, #tpu.memory_space<semaphore_mem>>)
      %dma_start3A_30 = arith.constant 1 : i32
      %dma_start3A_31 = arith.constant 1 : i32
      %dma_start3A_32 = arith.constant 0 : i32
      %dma_start3A_33 = arith.constant 0 : i32
      %dma_start3A_34 = tpu.memref_slice %arg10[%dma_start3A_31, %dma_start3A_32, %dma_start3A_33] : memref<8x128x32xf32, #tpu.memory_space<vmem>> -> memref<1x128x32xf32, #tpu.memory_space<vmem>>
      %dma_start3A_35 = tpu.memref_squeeze %dma_start3A_34 : memref<1x128x32xf32, #tpu.memory_space<vmem>> -> memref<128x32xf32, #tpu.memory_space<vmem>>
      %dma_start3A_36 = arith.constant 0 : i32
      %dma_start3A_37 = tpu.memref_slice %arg8[%dma_start3A_30, %dma_start3A_36] : memref<8x128xi32, #tpu.memory_space<vmem>> -> memref<1x128xi32, #tpu.memory_space<vmem>>
      %dma_start3A_38 = tpu.memref_squeeze %dma_start3A_37 : memref<1x128xi32, #tpu.memory_space<vmem>> -> memref<128xi32, #tpu.memory_space<vmem>>
      %dma_start3A_39 = arith.constant 0 : i32
      %dma_start3A_40 = arith.constant 0 : i32
      %dma_start3A_41 = tpu.memref_slice %arg2[%dma_start3A_39, %dma_start3A_40] : memref<10240x32xf32, #tpu.memory_space<hbm>> -> memref<10240x32xf32, #tpu.memory_space<hbm>>
      tpu.enqueue_indirect_dma source(%dma_start3A_41 : memref<10240x32xf32, #tpu.memory_space<hbm>>) target(%dma_start3A_35 : memref<128x32xf32, #tpu.memory_space<vmem>>) offsets(%dma_start3A_38 : memref<128xi32, #tpu.memory_space<vmem>>) semaphore(%arg12 : memref<!tpu.dma_semaphore, #tpu.memory_space<semaphore_mem>>)
      %dma_start3A_42 = arith.constant 2 : i32
      %dma_start3A_43 = arith.constant 2 : i32
      %dma_start3A_44 = arith.constant 0 : i32
      %dma_start3A_45 = arith.constant 0 : i32
      %dma_start3A_46 = tpu.memref_slice %arg10[%dma_start3A_43, %dma_start3A_44, %dma_start3A_45] : memref<8x128x32xf32, #tpu.memory_space<vmem>> -> memref<1x128x32xf32, #tpu.memory_space<vmem>>
      %dma_start3A_47 = tpu.memref_squeeze %dma_start3A_46 : memref<1x128x32xf32, #tpu.memory_space<vmem>> -> memref<128x32xf32, #tpu.memory_space<vmem>>
      %dma_start3A_48 = arith.constant 0 : i32
      %dma_start3A_49 = tpu.memref_slice %arg8[%dma_start3A_42, %dma_start3A_48] : memref<8x128xi32, #tpu.memory_space<vmem>> -> memref<1x128xi32, #tpu.memory_space<vmem>>
      %dma_start3A_50 = tpu.memref_squeeze %dma_start3A_49 : memref<1x128xi32, #tpu.memory_space<vmem>> -> memref<128xi32, #tpu.memory_space<vmem>>
      %dma_start3A_51 = arith.constant 0 : i32
      %dma_start3A_52 = arith.constant 0 : i32
      %dma_start3A_53 = tpu.memref_slice %arg2[%dma_start3A_51, %dma_start3A_52] : memref<10240x32xf32, #tpu.memory_space<hbm>> -> memref<10240x32xf32, #tpu.memory_space<hbm>>
      tpu.enqueue_indirect_dma source(%dma_start3A_53 : memref<10240x32xf32, #tpu.memory_space<hbm>>) target(%dma_start3A_47 : memref<128x32xf32, #tpu.memory_space<vmem>>) offsets(%dma_start3A_50 : memref<128xi32, #tpu.memory_space<vmem>>) semaphore(%arg12 : memref<!tpu.dma_semaphore, #tpu.memory_space<semaphore_mem>>)
      %dma_start3A_54 = arith.constant 3 : i32
      %dma_start3A_55 = arith.constant 3 : i32
      %dma_start3A_56 = arith.constant 0 : i32
      %dma_start3A_57 = arith.constant 0 : i32
      %dma_start3A_58 = tpu.memref_slice %arg10[%dma_start3A_55, %dma_start3A_56, %dma_start3A_57] : memref<8x128x32xf32, #tpu.memory_space<vmem>> -> memref<1x128x32xf32, #tpu.memory_space<vmem>>
      %dma_start3A_59 = tpu.memref_squeeze %dma_start3A_58 : memref<1x128x32xf32, #tpu.memory_space<vmem>> -> memref<128x32xf32, #tpu.memory_space<vmem>>
      %dma_start3A_60 = arith.constant 0 : i32
      %dma_start3A_61 = tpu.memref_slice %arg8[%dma_start3A_54, %dma_start3A_60] : memref<8x128xi32, #tpu.memory_space<vmem>> -> memref<1x128xi32, #tpu.memory_space<vmem>>
      %dma_start3A_62 = tpu.memref_squeeze %dma_start3A_61 : memref<1x128xi32, #tpu.memory_space<vmem>> -> memref<128xi32, #tpu.memory_space<vmem>>
      %dma_start3A_63 = arith.constant 0 : i32
      %dma_start3A_64 = arith.constant 0 : i32
      %dma_start3A_65 = tpu.memref_slice %arg2[%dma_start3A_63, %dma_start3A_64] : memref<10240x32xf32, #tpu.memory_space<hbm>> -> memref<10240x32xf32, #tpu.memory_space<hbm>>
      tpu.enqueue_indirect_dma source(%dma_start3A_65 : memref<10240x32xf32, #tpu.memory_space<hbm>>) target(%dma_start3A_59 : memref<128x32xf32, #tpu.memory_space<vmem>>) offsets(%dma_start3A_62 : memref<128xi32, #tpu.memory_space<vmem>>) semaphore(%arg12 : memref<!tpu.dma_semaphore, #tpu.memory_space<semaphore_mem>>)
      %dma_start3A_66 = arith.constant 4 : i32
      %dma_start3A_67 = arith.constant 4 : i32
      %dma_start3A_68 = arith.constant 0 : i32
      %dma_start3A_69 = arith.constant 0 : i32
      %dma_start3A_70 = tpu.memref_slice %arg10[%dma_start3A_67, %dma_start3A_68, %dma_start3A_69] : memref<8x128x32xf32, #tpu.memory_space<vmem>> -> memref<1x128x32xf32, #tpu.memory_space<vmem>>
      %dma_start3A_71 = tpu.memref_squeeze %dma_start3A_70 : memref<1x128x32xf32, #tpu.memory_space<vmem>> -> memref<128x32xf32, #tpu.memory_space<vmem>>
      %dma_start3A_72 = arith.constant 0 : i32
      %dma_start3A_73 = tpu.memref_slice %arg8[%dma_start3A_66, %dma_start3A_72] : memref<8x128xi32, #tpu.memory_space<vmem>> -> memref<1x128xi32, #tpu.memory_space<vmem>>
      %dma_start3A_74 = tpu.memref_squeeze %dma_start3A_73 : memref<1x128xi32, #tpu.memory_space<vmem>> -> memref<128xi32, #tpu.memory_space<vmem>>
      %dma_start3A_75 = arith.constant 0 : i32
      %dma_start3A_76 = arith.constant 0 : i32
      %dma_start3A_77 = tpu.memref_slice %arg2[%dma_start3A_75, %dma_start3A_76] : memref<10240x32xf32, #tpu.memory_space<hbm>> -> memref<10240x32xf32, #tpu.memory_space<hbm>>
      tpu.enqueue_indirect_dma source(%dma_start3A_77 : memref<10240x32xf32, #tpu.memory_space<hbm>>) target(%dma_start3A_71 : memref<128x32xf32, #tpu.memory_space<vmem>>) offsets(%dma_start3A_74 : memref<128xi32, #tpu.memory_space<vmem>>) semaphore(%arg12 : memref<!tpu.dma_semaphore, #tpu.memory_space<semaphore_mem>>)
      %dma_start3A_78 = arith.constant 5 : i32
      %dma_start3A_79 = arith.constant 5 : i32
      %dma_start3A_80 = arith.constant 0 : i32
      %dma_start3A_81 = arith.constant 0 : i32
      %dma_start3A_82 = tpu.memref_slice %arg10[%dma_start3A_79, %dma_start3A_80, %dma_start3A_81] : memref<8x128x32xf32, #tpu.memory_space<vmem>> -> memref<1x128x32xf32, #tpu.memory_space<vmem>>
      %dma_start3A_83 = tpu.memref_squeeze %dma_start3A_82 : memref<1x128x32xf32, #tpu.memory_space<vmem>> -> memref<128x32xf32, #tpu.memory_space<vmem>>
      %dma_start3A_84 = arith.constant 0 : i32
      %dma_start3A_85 = tpu.memref_slice %arg8[%dma_start3A_78, %dma_start3A_84] : memref<8x128xi32, #tpu.memory_space<vmem>> -> memref<1x128xi32, #tpu.memory_space<vmem>>
      %dma_start3A_86 = tpu.memref_squeeze %dma_start3A_85 : memref<1x128xi32, #tpu.memory_space<vmem>> -> memref<128xi32, #tpu.memory_space<vmem>>
      %dma_start3A_87 = arith.constant 0 : i32
      %dma_start3A_88 = arith.constant 0 : i32
      %dma_start3A_89 = tpu.memref_slice %arg2[%dma_start3A_87, %dma_start3A_88] : memref<10240x32xf32, #tpu.memory_space<hbm>> -> memref<10240x32xf32, #tpu.memory_space<hbm>>
      tpu.enqueue_indirect_dma source(%dma_start3A_89 : memref<10240x32xf32, #tpu.memory_space<hbm>>) target(%dma_start3A_83 : memref<128x32xf32, #tpu.memory_space<vmem>>) offsets(%dma_start3A_86 : memref<128xi32, #tpu.memory_space<vmem>>) semaphore(%arg12 : memref<!tpu.dma_semaphore, #tpu.memory_space<semaphore_mem>>)
      %dma_start3A_90 = arith.constant 6 : i32
      %dma_start3A_91 = arith.constant 6 : i32
      %dma_start3A_92 = arith.constant 0 : i32
      %dma_start3A_93 = arith.constant 0 : i32
      %dma_start3A_94 = tpu.memref_slice %arg10[%dma_start3A_91, %dma_start3A_92, %dma_start3A_93] : memref<8x128x32xf32, #tpu.memory_space<vmem>> -> memref<1x128x32xf32, #tpu.memory_space<vmem>>
      %dma_start3A_95 = tpu.memref_squeeze %dma_start3A_94 : memref<1x128x32xf32, #tpu.memory_space<vmem>> -> memref<128x32xf32, #tpu.memory_space<vmem>>
      %dma_start3A_96 = arith.constant 0 : i32
      %dma_start3A_97 = tpu.memref_slice %arg8[%dma_start3A_90, %dma_start3A_96] : memref<8x128xi32, #tpu.memory_space<vmem>> -> memref<1x128xi32, #tpu.memory_space<vmem>>
      %dma_start3A_98 = tpu.memref_squeeze %dma_start3A_97 : memref<1x128xi32, #tpu.memory_space<vmem>> -> memref<128xi32, #tpu.memory_space<vmem>>
      %dma_start3A_99 = arith.constant 0 : i32
      %dma_start3A_100 = arith.constant 0 : i32
      %dma_start3A_101 = tpu.memref_slice %arg2[%dma_start3A_99, %dma_start3A_100] : memref<10240x32xf32, #tpu.memory_space<hbm>> -> memref<10240x32xf32, #tpu.memory_space<hbm>>
      tpu.enqueue_indirect_dma source(%dma_start3A_101 : memref<10240x32xf32, #tpu.memory_space<hbm>>) target(%dma_start3A_95 : memref<128x32xf32, #tpu.memory_space<vmem>>) offsets(%dma_start3A_98 : memref<128xi32, #tpu.memory_space<vmem>>) semaphore(%arg12 : memref<!tpu.dma_semaphore, #tpu.memory_space<semaphore_mem>>)
      %dma_start3A_102 = arith.constant 7 : i32
      %dma_start3A_103 = arith.constant 7 : i32
      %dma_start3A_104 = arith.constant 0 : i32
      %dma_start3A_105 = arith.constant 0 : i32
      %dma_start3A_106 = tpu.memref_slice %arg10[%dma_start3A_103, %dma_start3A_104, %dma_start3A_105] : memref<8x128x32xf32, #tpu.memory_space<vmem>> -> memref<1x128x32xf32, #tpu.memory_space<vmem>>
      %dma_start3A_107 = tpu.memref_squeeze %dma_start3A_106 : memref<1x128x32xf32, #tpu.memory_space<vmem>> -> memref<128x32xf32, #tpu.memory_space<vmem>>
      %dma_start3A_108 = arith.constant 0 : i32
      %dma_start3A_109 = tpu.memref_slice %arg8[%dma_start3A_102, %dma_start3A_108] : memref<8x128xi32, #tpu.memory_space<vmem>> -> memref<1x128xi32, #tpu.memory_space<vmem>>
      %dma_start3A_110 = tpu.memref_squeeze %dma_start3A_109 : memref<1x128xi32, #tpu.memory_space<vmem>> -> memref<128xi32, #tpu.memory_space<vmem>>
      %dma_start3A_111 = arith.constant 0 : i32
      %dma_start3A_112 = arith.constant 0 : i32
      %dma_start3A_113 = tpu.memref_slice %arg2[%dma_start3A_111, %dma_start3A_112] : memref<10240x32xf32, #tpu.memory_space<hbm>> -> memref<10240x32xf32, #tpu.memory_space<hbm>>
      tpu.enqueue_indirect_dma source(%dma_start3A_113 : memref<10240x32xf32, #tpu.memory_space<hbm>>) target(%dma_start3A_107 : memref<128x32xf32, #tpu.memory_space<vmem>>) offsets(%dma_start3A_110 : memref<128xi32, #tpu.memory_space<vmem>>) semaphore(%arg12 : memref<!tpu.dma_semaphore, #tpu.memory_space<semaphore_mem>>)
      %dma_wait3A = arith.constant 0 : i32
      %dma_wait3A_114 = arith.constant 0 : i32
      %dma_wait3A_115 = arith.constant 0 : i32
      %dma_wait3A_116 = arith.constant 0 : i32
      %dma_wait3A_117 = tpu.memref_slice %arg10[%dma_wait3A_114, %dma_wait3A_115, %dma_wait3A_116] : memref<8x128x32xf32, #tpu.memory_space<vmem>> -> memref<1x128x32xf32, #tpu.memory_space<vmem>>
      %dma_wait3A_118 = tpu.memref_squeeze %dma_wait3A_117 : memref<1x128x32xf32, #tpu.memory_space<vmem>> -> memref<128x32xf32, #tpu.memory_space<vmem>>
      %dma_wait3A_119 = arith.constant 0 : i32
      %dma_wait3A_120 = tpu.memref_slice %arg8[%dma_wait3A, %dma_wait3A_119] : memref<8x128xi32, #tpu.memory_space<vmem>> -> memref<1x128xi32, #tpu.memory_space<vmem>>
      %dma_wait3A_121 = tpu.memref_squeeze %dma_wait3A_120 : memref<1x128xi32, #tpu.memory_space<vmem>> -> memref<128xi32, #tpu.memory_space<vmem>>
      %dma_wait3A_122 = arith.constant 0 : i32
      %dma_wait3A_123 = arith.constant 0 : i32
      %dma_wait3A_124 = tpu.memref_slice %arg2[%dma_wait3A_122, %dma_wait3A_123] : memref<10240x32xf32, #tpu.memory_space<hbm>> -> memref<10240x32xf32, #tpu.memory_space<hbm>>
      tpu.wait_indirect_dma semaphore(%arg12 : memref<!tpu.dma_semaphore, #tpu.memory_space<semaphore_mem>>) src(%dma_wait3A_124 : memref<10240x32xf32, #tpu.memory_space<hbm>>) dst(%dma_wait3A_118 : memref<128x32xf32, #tpu.memory_space<vmem>>)
      %dma_wait3A_125 = arith.constant 1 : i32
      %dma_wait3A_126 = arith.constant 1 : i32
      %dma_wait3A_127 = arith.constant 0 : i32
      %dma_wait3A_128 = arith.constant 0 : i32
      %dma_wait3A_129 = tpu.memref_slice %arg10[%dma_wait3A_126, %dma_wait3A_127, %dma_wait3A_128] : memref<8x128x32xf32, #tpu.memory_space<vmem>> -> memref<1x128x32xf32, #tpu.memory_space<vmem>>
      %dma_wait3A_130 = tpu.memref_squeeze %dma_wait3A_129 : memref<1x128x32xf32, #tpu.memory_space<vmem>> -> memref<128x32xf32, #tpu.memory_space<vmem>>
      %dma_wait3A_131 = arith.constant 0 : i32
      %dma_wait3A_132 = tpu.memref_slice %arg8[%dma_wait3A_125, %dma_wait3A_131] : memref<8x128xi32, #tpu.memory_space<vmem>> -> memref<1x128xi32, #tpu.memory_space<vmem>>
      %dma_wait3A_133 = tpu.memref_squeeze %dma_wait3A_132 : memref<1x128xi32, #tpu.memory_space<vmem>> -> memref<128xi32, #tpu.memory_space<vmem>>
      %dma_wait3A_134 = arith.constant 0 : i32
      %dma_wait3A_135 = arith.constant 0 : i32
      %dma_wait3A_136 = tpu.memref_slice %arg2[%dma_wait3A_134, %dma_wait3A_135] : memref<10240x32xf32, #tpu.memory_space<hbm>> -> memref<10240x32xf32, #tpu.memory_space<hbm>>
      tpu.wait_indirect_dma semaphore(%arg12 : memref<!tpu.dma_semaphore, #tpu.memory_space<semaphore_mem>>) src(%dma_wait3A_136 : memref<10240x32xf32, #tpu.memory_space<hbm>>) dst(%dma_wait3A_130 : memref<128x32xf32, #tpu.memory_space<vmem>>)
      %dma_wait3A_137 = arith.constant 2 : i32
      %dma_wait3A_138 = arith.constant 2 : i32
      %dma_wait3A_139 = arith.constant 0 : i32
      %dma_wait3A_140 = arith.constant 0 : i32
      %dma_wait3A_141 = tpu.memref_slice %arg10[%dma_wait3A_138, %dma_wait3A_139, %dma_wait3A_140] : memref<8x128x32xf32, #tpu.memory_space<vmem>> -> memref<1x128x32xf32, #tpu.memory_space<vmem>>
      %dma_wait3A_142 = tpu.memref_squeeze %dma_wait3A_141 : memref<1x128x32xf32, #tpu.memory_space<vmem>> -> memref<128x32xf32, #tpu.memory_space<vmem>>
      %dma_wait3A_143 = arith.constant 0 : i32
      %dma_wait3A_144 = tpu.memref_slice %arg8[%dma_wait3A_137, %dma_wait3A_143] : memref<8x128xi32, #tpu.memory_space<vmem>> -> memref<1x128xi32, #tpu.memory_space<vmem>>
      %dma_wait3A_145 = tpu.memref_squeeze %dma_wait3A_144 : memref<1x128xi32, #tpu.memory_space<vmem>> -> memref<128xi32, #tpu.memory_space<vmem>>
      %dma_wait3A_146 = arith.constant 0 : i32
      %dma_wait3A_147 = arith.constant 0 : i32
      %dma_wait3A_148 = tpu.memref_slice %arg2[%dma_wait3A_146, %dma_wait3A_147] : memref<10240x32xf32, #tpu.memory_space<hbm>> -> memref<10240x32xf32, #tpu.memory_space<hbm>>
      tpu.wait_indirect_dma semaphore(%arg12 : memref<!tpu.dma_semaphore, #tpu.memory_space<semaphore_mem>>) src(%dma_wait3A_148 : memref<10240x32xf32, #tpu.memory_space<hbm>>) dst(%dma_wait3A_142 : memref<128x32xf32, #tpu.memory_space<vmem>>)
      %dma_wait3A_149 = arith.constant 3 : i32
      %dma_wait3A_150 = arith.constant 3 : i32
      %dma_wait3A_151 = arith.constant 0 : i32
      %dma_wait3A_152 = arith.constant 0 : i32
      %dma_wait3A_153 = tpu.memref_slice %arg10[%dma_wait3A_150, %dma_wait3A_151, %dma_wait3A_152] : memref<8x128x32xf32, #tpu.memory_space<vmem>> -> memref<1x128x32xf32, #tpu.memory_space<vmem>>
      %dma_wait3A_154 = tpu.memref_squeeze %dma_wait3A_153 : memref<1x128x32xf32, #tpu.memory_space<vmem>> -> memref<128x32xf32, #tpu.memory_space<vmem>>
      %dma_wait3A_155 = arith.constant 0 : i32
      %dma_wait3A_156 = tpu.memref_slice %arg8[%dma_wait3A_149, %dma_wait3A_155] : memref<8x128xi32, #tpu.memory_space<vmem>> -> memref<1x128xi32, #tpu.memory_space<vmem>>
      %dma_wait3A_157 = tpu.memref_squeeze %dma_wait3A_156 : memref<1x128xi32, #tpu.memory_space<vmem>> -> memref<128xi32, #tpu.memory_space<vmem>>
      %dma_wait3A_158 = arith.constant 0 : i32
      %dma_wait3A_159 = arith.constant 0 : i32
      %dma_wait3A_160 = tpu.memref_slice %arg2[%dma_wait3A_158, %dma_wait3A_159] : memref<10240x32xf32, #tpu.memory_space<hbm>> -> memref<10240x32xf32, #tpu.memory_space<hbm>>
      tpu.wait_indirect_dma semaphore(%arg12 : memref<!tpu.dma_semaphore, #tpu.memory_space<semaphore_mem>>) src(%dma_wait3A_160 : memref<10240x32xf32, #tpu.memory_space<hbm>>) dst(%dma_wait3A_154 : memref<128x32xf32, #tpu.memory_space<vmem>>)
      %dma_wait3A_161 = arith.constant 4 : i32
      %dma_wait3A_162 = arith.constant 4 : i32
      %dma_wait3A_163 = arith.constant 0 : i32
      %dma_wait3A_164 = arith.constant 0 : i32
      %dma_wait3A_165 = tpu.memref_slice %arg10[%dma_wait3A_162, %dma_wait3A_163, %dma_wait3A_164] : memref<8x128x32xf32, #tpu.memory_space<vmem>> -> memref<1x128x32xf32, #tpu.memory_space<vmem>>
      %dma_wait3A_166 = tpu.memref_squeeze %dma_wait3A_165 : memref<1x128x32xf32, #tpu.memory_space<vmem>> -> memref<128x32xf32, #tpu.memory_space<vmem>>
      %dma_wait3A_167 = arith.constant 0 : i32
      %dma_wait3A_168 = tpu.memref_slice %arg8[%dma_wait3A_161, %dma_wait3A_167] : memref<8x128xi32, #tpu.memory_space<vmem>> -> memref<1x128xi32, #tpu.memory_space<vmem>>
      %dma_wait3A_169 = tpu.memref_squeeze %dma_wait3A_168 : memref<1x128xi32, #tpu.memory_space<vmem>> -> memref<128xi32, #tpu.memory_space<vmem>>
      %dma_wait3A_170 = arith.constant 0 : i32
      %dma_wait3A_171 = arith.constant 0 : i32
      %dma_wait3A_172 = tpu.memref_slice %arg2[%dma_wait3A_170, %dma_wait3A_171] : memref<10240x32xf32, #tpu.memory_space<hbm>> -> memref<10240x32xf32, #tpu.memory_space<hbm>>
      tpu.wait_indirect_dma semaphore(%arg12 : memref<!tpu.dma_semaphore, #tpu.memory_space<semaphore_mem>>) src(%dma_wait3A_172 : memref<10240x32xf32, #tpu.memory_space<hbm>>) dst(%dma_wait3A_166 : memref<128x32xf32, #tpu.memory_space<vmem>>)
      %dma_wait3A_173 = arith.constant 5 : i32
      %dma_wait3A_174 = arith.constant 5 : i32
      %dma_wait3A_175 = arith.constant 0 : i32
      %dma_wait3A_176 = arith.constant 0 : i32
      %dma_wait3A_177 = tpu.memref_slice %arg10[%dma_wait3A_174, %dma_wait3A_175, %dma_wait3A_176] : memref<8x128x32xf32, #tpu.memory_space<vmem>> -> memref<1x128x32xf32, #tpu.memory_space<vmem>>
      %dma_wait3A_178 = tpu.memref_squeeze %dma_wait3A_177 : memref<1x128x32xf32, #tpu.memory_space<vmem>> -> memref<128x32xf32, #tpu.memory_space<vmem>>
      %dma_wait3A_179 = arith.constant 0 : i32
      %dma_wait3A_180 = tpu.memref_slice %arg8[%dma_wait3A_173, %dma_wait3A_179] : memref<8x128xi32, #tpu.memory_space<vmem>> -> memref<1x128xi32, #tpu.memory_space<vmem>>
      %dma_wait3A_181 = tpu.memref_squeeze %dma_wait3A_180 : memref<1x128xi32, #tpu.memory_space<vmem>> -> memref<128xi32, #tpu.memory_space<vmem>>
      %dma_wait3A_182 = arith.constant 0 : i32
      %dma_wait3A_183 = arith.constant 0 : i32
      %dma_wait3A_184 = tpu.memref_slice %arg2[%dma_wait3A_182, %dma_wait3A_183] : memref<10240x32xf32, #tpu.memory_space<hbm>> -> memref<10240x32xf32, #tpu.memory_space<hbm>>
      tpu.wait_indirect_dma semaphore(%arg12 : memref<!tpu.dma_semaphore, #tpu.memory_space<semaphore_mem>>) src(%dma_wait3A_184 : memref<10240x32xf32, #tpu.memory_space<hbm>>) dst(%dma_wait3A_178 : memref<128x32xf32, #tpu.memory_space<vmem>>)
      %dma_wait3A_185 = arith.constant 6 : i32
      %dma_wait3A_186 = arith.constant 6 : i32
      %dma_wait3A_187 = arith.constant 0 : i32
      %dma_wait3A_188 = arith.constant 0 : i32
      %dma_wait3A_189 = tpu.memref_slice %arg10[%dma_wait3A_186, %dma_wait3A_187, %dma_wait3A_188] : memref<8x128x32xf32, #tpu.memory_space<vmem>> -> memref<1x128x32xf32, #tpu.memory_space<vmem>>
      %dma_wait3A_190 = tpu.memref_squeeze %dma_wait3A_189 : memref<1x128x32xf32, #tpu.memory_space<vmem>> -> memref<128x32xf32, #tpu.memory_space<vmem>>
      %dma_wait3A_191 = arith.constant 0 : i32
      %dma_wait3A_192 = tpu.memref_slice %arg8[%dma_wait3A_185, %dma_wait3A_191] : memref<8x128xi32, #tpu.memory_space<vmem>> -> memref<1x128xi32, #tpu.memory_space<vmem>>
      %dma_wait3A_193 = tpu.memref_squeeze %dma_wait3A_192 : memref<1x128xi32, #tpu.memory_space<vmem>> -> memref<128xi32, #tpu.memory_space<vmem>>
      %dma_wait3A_194 = arith.constant 0 : i32
      %dma_wait3A_195 = arith.constant 0 : i32
      %dma_wait3A_196 = tpu.memref_slice %arg2[%dma_wait3A_194, %dma_wait3A_195] : memref<10240x32xf32, #tpu.memory_space<hbm>> -> memref<10240x32xf32, #tpu.memory_space<hbm>>
      tpu.wait_indirect_dma semaphore(%arg12 : memref<!tpu.dma_semaphore, #tpu.memory_space<semaphore_mem>>) src(%dma_wait3A_196 : memref<10240x32xf32, #tpu.memory_space<hbm>>) dst(%dma_wait3A_190 : memref<128x32xf32, #tpu.memory_space<vmem>>)
      %dma_wait3A_197 = arith.constant 7 : i32
      %dma_wait3A_198 = arith.constant 7 : i32
      %dma_wait3A_199 = arith.constant 0 : i32
      %dma_wait3A_200 = arith.constant 0 : i32
      %dma_wait3A_201 = tpu.memref_slice %arg10[%dma_wait3A_198, %dma_wait3A_199, %dma_wait3A_200] : memref<8x128x32xf32, #tpu.memory_space<vmem>> -> memref<1x128x32xf32, #tpu.memory_space<vmem>>
      %dma_wait3A_202 = tpu.memref_squeeze %dma_wait3A_201 : memref<1x128x32xf32, #tpu.memory_space<vmem>> -> memref<128x32xf32, #tpu.memory_space<vmem>>
      %dma_wait3A_203 = arith.constant 0 : i32
      %dma_wait3A_204 = tpu.memref_slice %arg8[%dma_wait3A_197, %dma_wait3A_203] : memref<8x128xi32, #tpu.memory_space<vmem>> -> memref<1x128xi32, #tpu.memory_space<vmem>>
      %dma_wait3A_205 = tpu.memref_squeeze %dma_wait3A_204 : memref<1x128xi32, #tpu.memory_space<vmem>> -> memref<128xi32, #tpu.memory_space<vmem>>
      %dma_wait3A_206 = arith.constant 0 : i32
      %dma_wait3A_207 = arith.constant 0 : i32
      %dma_wait3A_208 = tpu.memref_slice %arg2[%dma_wait3A_206, %dma_wait3A_207] : memref<10240x32xf32, #tpu.memory_space<hbm>> -> memref<10240x32xf32, #tpu.memory_space<hbm>>
      tpu.wait_indirect_dma semaphore(%arg12 : memref<!tpu.dma_semaphore, #tpu.memory_space<semaphore_mem>>) src(%dma_wait3A_208 : memref<10240x32xf32, #tpu.memory_space<hbm>>) dst(%dma_wait3A_202 : memref<128x32xf32, #tpu.memory_space<vmem>>)
      %dma_start3A_209 = arith.constant 0 : i32
      %dma_start3A_210 = arith.constant 0 : i32
      %dma_start3A_211 = arith.constant 0 : i32
      %dma_start3A_212 = arith.constant 0 : i32
      %dma_start3A_213 = tpu.memref_slice %arg10[%dma_start3A_209, %dma_start3A_211, %dma_start3A_212] : memref<8x128x32xf32, #tpu.memory_space<vmem>> -> memref<1x128x32xf32, #tpu.memory_space<vmem>>
      %dma_start3A_214 = tpu.memref_squeeze %dma_start3A_213 : memref<1x128x32xf32, #tpu.memory_space<vmem>> -> memref<128x32xf32, #tpu.memory_space<vmem>>
      %dma_start3A_215 = arith.constant 0 : i32
      %dma_start3A_216 = tpu.memref_slice %arg9[%dma_start3A_210, %dma_start3A_215] : memref<8x128xi32, #tpu.memory_space<vmem>> -> memref<1x128xi32, #tpu.memory_space<vmem>>
      %dma_start3A_217 = tpu.memref_squeeze %dma_start3A_216 : memref<1x128xi32, #tpu.memory_space<vmem>> -> memref<128xi32, #tpu.memory_space<vmem>>
      %dma_start3A_218 = arith.constant 0 : i32
      %dma_start3A_219 = arith.constant 0 : i32
      %dma_start3A_220 = tpu.memref_slice %arg7[%dma_start3A_218, %dma_start3A_219] : memref<10240x32xf32, #tpu.memory_space<vmem_shared>> -> memref<10240x32xf32, #tpu.memory_space<vmem_shared>>
      tpu.enqueue_indirect_dma source(%dma_start3A_214 : memref<128x32xf32, #tpu.memory_space<vmem>>) target(%dma_start3A_220 : memref<10240x32xf32, #tpu.memory_space<vmem_shared>>) offsets(%dma_start3A_217 : memref<128xi32, #tpu.memory_space<vmem>>) semaphore(%arg13 : memref<!tpu.dma_semaphore, #tpu.memory_space<semaphore_mem>>) {add = true}
      %dma_start3A_221 = arith.constant 1 : i32
      %dma_start3A_222 = arith.constant 1 : i32
      %dma_start3A_223 = arith.constant 0 : i32
      %dma_start3A_224 = arith.constant 0 : i32
      %dma_start3A_225 = tpu.memref_slice %arg10[%dma_start3A_221, %dma_start3A_223, %dma_start3A_224] : memref<8x128x32xf32, #tpu.memory_space<vmem>> -> memref<1x128x32xf32, #tpu.memory_space<vmem>>
      %dma_start3A_226 = tpu.memref_squeeze %dma_start3A_225 : memref<1x128x32xf32, #tpu.memory_space<vmem>> -> memref<128x32xf32, #tpu.memory_space<vmem>>
      %dma_start3A_227 = arith.constant 0 : i32
      %dma_start3A_228 = tpu.memref_slice %arg9[%dma_start3A_222, %dma_start3A_227] : memref<8x128xi32, #tpu.memory_space<vmem>> -> memref<1x128xi32, #tpu.memory_space<vmem>>
      %dma_start3A_229 = tpu.memref_squeeze %dma_start3A_228 : memref<1x128xi32, #tpu.memory_space<vmem>> -> memref<128xi32, #tpu.memory_space<vmem>>
      %dma_start3A_230 = arith.constant 0 : i32
      %dma_start3A_231 = arith.constant 0 : i32
      %dma_start3A_232 = tpu.memref_slice %arg7[%dma_start3A_230, %dma_start3A_231] : memref<10240x32xf32, #tpu.memory_space<vmem_shared>> -> memref<10240x32xf32, #tpu.memory_space<vmem_shared>>
      tpu.enqueue_indirect_dma source(%dma_start3A_226 : memref<128x32xf32, #tpu.memory_space<vmem>>) target(%dma_start3A_232 : memref<10240x32xf32, #tpu.memory_space<vmem_shared>>) offsets(%dma_start3A_229 : memref<128xi32, #tpu.memory_space<vmem>>) semaphore(%arg13 : memref<!tpu.dma_semaphore, #tpu.memory_space<semaphore_mem>>) {add = true}
      %dma_start3A_233 = arith.constant 2 : i32
      %dma_start3A_234 = arith.constant 2 : i32
      %dma_start3A_235 = arith.constant 0 : i32
      %dma_start3A_236 = arith.constant 0 : i32
      %dma_start3A_237 = tpu.memref_slice %arg10[%dma_start3A_233, %dma_start3A_235, %dma_start3A_236] : memref<8x128x32xf32, #tpu.memory_space<vmem>> -> memref<1x128x32xf32, #tpu.memory_space<vmem>>
      %dma_start3A_238 = tpu.memref_squeeze %dma_start3A_237 : memref<1x128x32xf32, #tpu.memory_space<vmem>> -> memref<128x32xf32, #tpu.memory_space<vmem>>
      %dma_start3A_239 = arith.constant 0 : i32
      %dma_start3A_240 = tpu.memref_slice %arg9[%dma_start3A_234, %dma_start3A_239] : memref<8x128xi32, #tpu.memory_space<vmem>> -> memref<1x128xi32, #tpu.memory_space<vmem>>
      %dma_start3A_241 = tpu.memref_squeeze %dma_start3A_240 : memref<1x128xi32, #tpu.memory_space<vmem>> -> memref<128xi32, #tpu.memory_space<vmem>>
      %dma_start3A_242 = arith.constant 0 : i32
      %dma_start3A_243 = arith.constant 0 : i32
      %dma_start3A_244 = tpu.memref_slice %arg7[%dma_start3A_242, %dma_start3A_243] : memref<10240x32xf32, #tpu.memory_space<vmem_shared>> -> memref<10240x32xf32, #tpu.memory_space<vmem_shared>>
      tpu.enqueue_indirect_dma source(%dma_start3A_238 : memref<128x32xf32, #tpu.memory_space<vmem>>) target(%dma_start3A_244 : memref<10240x32xf32, #tpu.memory_space<vmem_shared>>) offsets(%dma_start3A_241 : memref<128xi32, #tpu.memory_space<vmem>>) semaphore(%arg13 : memref<!tpu.dma_semaphore, #tpu.memory_space<semaphore_mem>>) {add = true}
      %dma_start3A_245 = arith.constant 3 : i32
      %dma_start3A_246 = arith.constant 3 : i32
      %dma_start3A_247 = arith.constant 0 : i32
      %dma_start3A_248 = arith.constant 0 : i32
      %dma_start3A_249 = tpu.memref_slice %arg10[%dma_start3A_245, %dma_start3A_247, %dma_start3A_248] : memref<8x128x32xf32, #tpu.memory_space<vmem>> -> memref<1x128x32xf32, #tpu.memory_space<vmem>>
      %dma_start3A_250 = tpu.memref_squeeze %dma_start3A_249 : memref<1x128x32xf32, #tpu.memory_space<vmem>> -> memref<128x32xf32, #tpu.memory_space<vmem>>
      %dma_start3A_251 = arith.constant 0 : i32
      %dma_start3A_252 = tpu.memref_slice %arg9[%dma_start3A_246, %dma_start3A_251] : memref<8x128xi32, #tpu.memory_space<vmem>> -> memref<1x128xi32, #tpu.memory_space<vmem>>
      %dma_start3A_253 = tpu.memref_squeeze %dma_start3A_252 : memref<1x128xi32, #tpu.memory_space<vmem>> -> memref<128xi32, #tpu.memory_space<vmem>>
      %dma_start3A_254 = arith.constant 0 : i32
      %dma_start3A_255 = arith.constant 0 : i32
      %dma_start3A_256 = tpu.memref_slice %arg7[%dma_start3A_254, %dma_start3A_255] : memref<10240x32xf32, #tpu.memory_space<vmem_shared>> -> memref<10240x32xf32, #tpu.memory_space<vmem_shared>>
      tpu.enqueue_indirect_dma source(%dma_start3A_250 : memref<128x32xf32, #tpu.memory_space<vmem>>) target(%dma_start3A_256 : memref<10240x32xf32, #tpu.memory_space<vmem_shared>>) offsets(%dma_start3A_253 : memref<128xi32, #tpu.memory_space<vmem>>) semaphore(%arg13 : memref<!tpu.dma_semaphore, #tpu.memory_space<semaphore_mem>>) {add = true}
      %dma_start3A_257 = arith.constant 4 : i32
      %dma_start3A_258 = arith.constant 4 : i32
      %dma_start3A_259 = arith.constant 0 : i32
      %dma_start3A_260 = arith.constant 0 : i32
      %dma_start3A_261 = tpu.memref_slice %arg10[%dma_start3A_257, %dma_start3A_259, %dma_start3A_260] : memref<8x128x32xf32, #tpu.memory_space<vmem>> -> memref<1x128x32xf32, #tpu.memory_space<vmem>>
      %dma_start3A_262 = tpu.memref_squeeze %dma_start3A_261 : memref<1x128x32xf32, #tpu.memory_space<vmem>> -> memref<128x32xf32, #tpu.memory_space<vmem>>
      %dma_start3A_263 = arith.constant 0 : i32
      %dma_start3A_264 = tpu.memref_slice %arg9[%dma_start3A_258, %dma_start3A_263] : memref<8x128xi32, #tpu.memory_space<vmem>> -> memref<1x128xi32, #tpu.memory_space<vmem>>
      %dma_start3A_265 = tpu.memref_squeeze %dma_start3A_264 : memref<1x128xi32, #tpu.memory_space<vmem>> -> memref<128xi32, #tpu.memory_space<vmem>>
      %dma_start3A_266 = arith.constant 0 : i32
      %dma_start3A_267 = arith.constant 0 : i32
      %dma_start3A_268 = tpu.memref_slice %arg7[%dma_start3A_266, %dma_start3A_267] : memref<10240x32xf32, #tpu.memory_space<vmem_shared>> -> memref<10240x32xf32, #tpu.memory_space<vmem_shared>>
      tpu.enqueue_indirect_dma source(%dma_start3A_262 : memref<128x32xf32, #tpu.memory_space<vmem>>) target(%dma_start3A_268 : memref<10240x32xf32, #tpu.memory_space<vmem_shared>>) offsets(%dma_start3A_265 : memref<128xi32, #tpu.memory_space<vmem>>) semaphore(%arg13 : memref<!tpu.dma_semaphore, #tpu.memory_space<semaphore_mem>>) {add = true}
      %dma_start3A_269 = arith.constant 5 : i32
      %dma_start3A_270 = arith.constant 5 : i32
      %dma_start3A_271 = arith.constant 0 : i32
      %dma_start3A_272 = arith.constant 0 : i32
      %dma_start3A_273 = tpu.memref_slice %arg10[%dma_start3A_269, %dma_start3A_271, %dma_start3A_272] : memref<8x128x32xf32, #tpu.memory_space<vmem>> -> memref<1x128x32xf32, #tpu.memory_space<vmem>>
      %dma_start3A_274 = tpu.memref_squeeze %dma_start3A_273 : memref<1x128x32xf32, #tpu.memory_space<vmem>> -> memref<128x32xf32, #tpu.memory_space<vmem>>
      %dma_start3A_275 = arith.constant 0 : i32
      %dma_start3A_276 = tpu.memref_slice %arg9[%dma_start3A_270, %dma_start3A_275] : memref<8x128xi32, #tpu.memory_space<vmem>> -> memref<1x128xi32, #tpu.memory_space<vmem>>
      %dma_start3A_277 = tpu.memref_squeeze %dma_start3A_276 : memref<1x128xi32, #tpu.memory_space<vmem>> -> memref<128xi32, #tpu.memory_space<vmem>>
      %dma_start3A_278 = arith.constant 0 : i32
      %dma_start3A_279 = arith.constant 0 : i32
      %dma_start3A_280 = tpu.memref_slice %arg7[%dma_start3A_278, %dma_start3A_279] : memref<10240x32xf32, #tpu.memory_space<vmem_shared>> -> memref<10240x32xf32, #tpu.memory_space<vmem_shared>>
      tpu.enqueue_indirect_dma source(%dma_start3A_274 : memref<128x32xf32, #tpu.memory_space<vmem>>) target(%dma_start3A_280 : memref<10240x32xf32, #tpu.memory_space<vmem_shared>>) offsets(%dma_start3A_277 : memref<128xi32, #tpu.memory_space<vmem>>) semaphore(%arg13 : memref<!tpu.dma_semaphore, #tpu.memory_space<semaphore_mem>>) {add = true}
      %dma_start3A_281 = arith.constant 6 : i32
      %dma_start3A_282 = arith.constant 6 : i32
      %dma_start3A_283 = arith.constant 0 : i32
      %dma_start3A_284 = arith.constant 0 : i32
      %dma_start3A_285 = tpu.memref_slice %arg10[%dma_start3A_281, %dma_start3A_283, %dma_start3A_284] : memref<8x128x32xf32, #tpu.memory_space<vmem>> -> memref<1x128x32xf32, #tpu.memory_space<vmem>>
      %dma_start3A_286 = tpu.memref_squeeze %dma_start3A_285 : memref<1x128x32xf32, #tpu.memory_space<vmem>> -> memref<128x32xf32, #tpu.memory_space<vmem>>
      %dma_start3A_287 = arith.constant 0 : i32
      %dma_start3A_288 = tpu.memref_slice %arg9[%dma_start3A_282, %dma_start3A_287] : memref<8x128xi32, #tpu.memory_space<vmem>> -> memref<1x128xi32, #tpu.memory_space<vmem>>
      %dma_start3A_289 = tpu.memref_squeeze %dma_start3A_288 : memref<1x128xi32, #tpu.memory_space<vmem>> -> memref<128xi32, #tpu.memory_space<vmem>>
      %dma_start3A_290 = arith.constant 0 : i32
      %dma_start3A_291 = arith.constant 0 : i32
      %dma_start3A_292 = tpu.memref_slice %arg7[%dma_start3A_290, %dma_start3A_291] : memref<10240x32xf32, #tpu.memory_space<vmem_shared>> -> memref<10240x32xf32, #tpu.memory_space<vmem_shared>>
      tpu.enqueue_indirect_dma source(%dma_start3A_286 : memref<128x32xf32, #tpu.memory_space<vmem>>) target(%dma_start3A_292 : memref<10240x32xf32, #tpu.memory_space<vmem_shared>>) offsets(%dma_start3A_289 : memref<128xi32, #tpu.memory_space<vmem>>) semaphore(%arg13 : memref<!tpu.dma_semaphore, #tpu.memory_space<semaphore_mem>>) {add = true}
      %dma_start3A_293 = arith.constant 7 : i32
      %dma_start3A_294 = arith.constant 7 : i32
      %dma_start3A_295 = arith.constant 0 : i32
      %dma_start3A_296 = arith.constant 0 : i32
      %dma_start3A_297 = tpu.memref_slice %arg10[%dma_start3A_293, %dma_start3A_295, %dma_start3A_296] : memref<8x128x32xf32, #tpu.memory_space<vmem>> -> memref<1x128x32xf32, #tpu.memory_space<vmem>>
      %dma_start3A_298 = tpu.memref_squeeze %dma_start3A_297 : memref<1x128x32xf32, #tpu.memory_space<vmem>> -> memref<128x32xf32, #tpu.memory_space<vmem>>
      %dma_start3A_299 = arith.constant 0 : i32
      %dma_start3A_300 = tpu.memref_slice %arg9[%dma_start3A_294, %dma_start3A_299] : memref<8x128xi32, #tpu.memory_space<vmem>> -> memref<1x128xi32, #tpu.memory_space<vmem>>
      %dma_start3A_301 = tpu.memref_squeeze %dma_start3A_300 : memref<1x128xi32, #tpu.memory_space<vmem>> -> memref<128xi32, #tpu.memory_space<vmem>>
      %dma_start3A_302 = arith.constant 0 : i32
      %dma_start3A_303 = arith.constant 0 : i32
      %dma_start3A_304 = tpu.memref_slice %arg7[%dma_start3A_302, %dma_start3A_303] : memref<10240x32xf32, #tpu.memory_space<vmem_shared>> -> memref<10240x32xf32, #tpu.memory_space<vmem_shared>>
      tpu.enqueue_indirect_dma source(%dma_start3A_298 : memref<128x32xf32, #tpu.memory_space<vmem>>) target(%dma_start3A_304 : memref<10240x32xf32, #tpu.memory_space<vmem_shared>>) offsets(%dma_start3A_301 : memref<128xi32, #tpu.memory_space<vmem>>) semaphore(%arg13 : memref<!tpu.dma_semaphore, #tpu.memory_space<semaphore_mem>>) {add = true}
      %dma_wait3A_305 = arith.constant 0 : i32
      %dma_wait3A_306 = arith.constant 0 : i32
      %dma_wait3A_307 = arith.constant 0 : i32
      %dma_wait3A_308 = arith.constant 0 : i32
      %dma_wait3A_309 = tpu.memref_slice %arg10[%dma_wait3A_305, %dma_wait3A_307, %dma_wait3A_308] : memref<8x128x32xf32, #tpu.memory_space<vmem>> -> memref<1x128x32xf32, #tpu.memory_space<vmem>>
      %dma_wait3A_310 = tpu.memref_squeeze %dma_wait3A_309 : memref<1x128x32xf32, #tpu.memory_space<vmem>> -> memref<128x32xf32, #tpu.memory_space<vmem>>
      %dma_wait3A_311 = arith.constant 0 : i32
      %dma_wait3A_312 = tpu.memref_slice %arg9[%dma_wait3A_306, %dma_wait3A_311] : memref<8x128xi32, #tpu.memory_space<vmem>> -> memref<1x128xi32, #tpu.memory_space<vmem>>
      %dma_wait3A_313 = tpu.memref_squeeze %dma_wait3A_312 : memref<1x128xi32, #tpu.memory_space<vmem>> -> memref<128xi32, #tpu.memory_space<vmem>>
      %dma_wait3A_314 = arith.constant 0 : i32
      %dma_wait3A_315 = arith.constant 0 : i32
      %dma_wait3A_316 = tpu.memref_slice %arg7[%dma_wait3A_314, %dma_wait3A_315] : memref<10240x32xf32, #tpu.memory_space<vmem_shared>> -> memref<10240x32xf32, #tpu.memory_space<vmem_shared>>
      tpu.wait_indirect_dma semaphore(%arg13 : memref<!tpu.dma_semaphore, #tpu.memory_space<semaphore_mem>>) src(%dma_wait3A_310 : memref<128x32xf32, #tpu.memory_space<vmem>>) dst(%dma_wait3A_316 : memref<10240x32xf32, #tpu.memory_space<vmem_shared>>)
      %dma_wait3A_317 = arith.constant 1 : i32
      %dma_wait3A_318 = arith.constant 1 : i32
      %dma_wait3A_319 = arith.constant 0 : i32
      %dma_wait3A_320 = arith.constant 0 : i32
      %dma_wait3A_321 = tpu.memref_slice %arg10[%dma_wait3A_317, %dma_wait3A_319, %dma_wait3A_320] : memref<8x128x32xf32, #tpu.memory_space<vmem>> -> memref<1x128x32xf32, #tpu.memory_space<vmem>>
      %dma_wait3A_322 = tpu.memref_squeeze %dma_wait3A_321 : memref<1x128x32xf32, #tpu.memory_space<vmem>> -> memref<128x32xf32, #tpu.memory_space<vmem>>
      %dma_wait3A_323 = arith.constant 0 : i32
      %dma_wait3A_324 = tpu.memref_slice %arg9[%dma_wait3A_318, %dma_wait3A_323] : memref<8x128xi32, #tpu.memory_space<vmem>> -> memref<1x128xi32, #tpu.memory_space<vmem>>
      %dma_wait3A_325 = tpu.memref_squeeze %dma_wait3A_324 : memref<1x128xi32, #tpu.memory_space<vmem>> -> memref<128xi32, #tpu.memory_space<vmem>>
      %dma_wait3A_326 = arith.constant 0 : i32
      %dma_wait3A_327 = arith.constant 0 : i32
      %dma_wait3A_328 = tpu.memref_slice %arg7[%dma_wait3A_326, %dma_wait3A_327] : memref<10240x32xf32, #tpu.memory_space<vmem_shared>> -> memref<10240x32xf32, #tpu.memory_space<vmem_shared>>
      tpu.wait_indirect_dma semaphore(%arg13 : memref<!tpu.dma_semaphore, #tpu.memory_space<semaphore_mem>>) src(%dma_wait3A_322 : memref<128x32xf32, #tpu.memory_space<vmem>>) dst(%dma_wait3A_328 : memref<10240x32xf32, #tpu.memory_space<vmem_shared>>)
      %dma_wait3A_329 = arith.constant 2 : i32
      %dma_wait3A_330 = arith.constant 2 : i32
      %dma_wait3A_331 = arith.constant 0 : i32
      %dma_wait3A_332 = arith.constant 0 : i32
      %dma_wait3A_333 = tpu.memref_slice %arg10[%dma_wait3A_329, %dma_wait3A_331, %dma_wait3A_332] : memref<8x128x32xf32, #tpu.memory_space<vmem>> -> memref<1x128x32xf32, #tpu.memory_space<vmem>>
      %dma_wait3A_334 = tpu.memref_squeeze %dma_wait3A_333 : memref<1x128x32xf32, #tpu.memory_space<vmem>> -> memref<128x32xf32, #tpu.memory_space<vmem>>
      %dma_wait3A_335 = arith.constant 0 : i32
      %dma_wait3A_336 = tpu.memref_slice %arg9[%dma_wait3A_330, %dma_wait3A_335] : memref<8x128xi32, #tpu.memory_space<vmem>> -> memref<1x128xi32, #tpu.memory_space<vmem>>
      %dma_wait3A_337 = tpu.memref_squeeze %dma_wait3A_336 : memref<1x128xi32, #tpu.memory_space<vmem>> -> memref<128xi32, #tpu.memory_space<vmem>>
      %dma_wait3A_338 = arith.constant 0 : i32
      %dma_wait3A_339 = arith.constant 0 : i32
      %dma_wait3A_340 = tpu.memref_slice %arg7[%dma_wait3A_338, %dma_wait3A_339] : memref<10240x32xf32, #tpu.memory_space<vmem_shared>> -> memref<10240x32xf32, #tpu.memory_space<vmem_shared>>
      tpu.wait_indirect_dma semaphore(%arg13 : memref<!tpu.dma_semaphore, #tpu.memory_space<semaphore_mem>>) src(%dma_wait3A_334 : memref<128x32xf32, #tpu.memory_space<vmem>>) dst(%dma_wait3A_340 : memref<10240x32xf32, #tpu.memory_space<vmem_shared>>)
      %dma_wait3A_341 = arith.constant 3 : i32
      %dma_wait3A_342 = arith.constant 3 : i32
      %dma_wait3A_343 = arith.constant 0 : i32
      %dma_wait3A_344 = arith.constant 0 : i32
      %dma_wait3A_345 = tpu.memref_slice %arg10[%dma_wait3A_341, %dma_wait3A_343, %dma_wait3A_344] : memref<8x128x32xf32, #tpu.memory_space<vmem>> -> memref<1x128x32xf32, #tpu.memory_space<vmem>>
      %dma_wait3A_346 = tpu.memref_squeeze %dma_wait3A_345 : memref<1x128x32xf32, #tpu.memory_space<vmem>> -> memref<128x32xf32, #tpu.memory_space<vmem>>
      %dma_wait3A_347 = arith.constant 0 : i32
      %dma_wait3A_348 = tpu.memref_slice %arg9[%dma_wait3A_342, %dma_wait3A_347] : memref<8x128xi32, #tpu.memory_space<vmem>> -> memref<1x128xi32, #tpu.memory_space<vmem>>
      %dma_wait3A_349 = tpu.memref_squeeze %dma_wait3A_348 : memref<1x128xi32, #tpu.memory_space<vmem>> -> memref<128xi32, #tpu.memory_space<vmem>>
      %dma_wait3A_350 = arith.constant 0 : i32
      %dma_wait3A_351 = arith.constant 0 : i32
      %dma_wait3A_352 = tpu.memref_slice %arg7[%dma_wait3A_350, %dma_wait3A_351] : memref<10240x32xf32, #tpu.memory_space<vmem_shared>> -> memref<10240x32xf32, #tpu.memory_space<vmem_shared>>
      tpu.wait_indirect_dma semaphore(%arg13 : memref<!tpu.dma_semaphore, #tpu.memory_space<semaphore_mem>>) src(%dma_wait3A_346 : memref<128x32xf32, #tpu.memory_space<vmem>>) dst(%dma_wait3A_352 : memref<10240x32xf32, #tpu.memory_space<vmem_shared>>)
      %dma_wait3A_353 = arith.constant 4 : i32
      %dma_wait3A_354 = arith.constant 4 : i32
      %dma_wait3A_355 = arith.constant 0 : i32
      %dma_wait3A_356 = arith.constant 0 : i32
      %dma_wait3A_357 = tpu.memref_slice %arg10[%dma_wait3A_353, %dma_wait3A_355, %dma_wait3A_356] : memref<8x128x32xf32, #tpu.memory_space<vmem>> -> memref<1x128x32xf32, #tpu.memory_space<vmem>>
      %dma_wait3A_358 = tpu.memref_squeeze %dma_wait3A_357 : memref<1x128x32xf32, #tpu.memory_space<vmem>> -> memref<128x32xf32, #tpu.memory_space<vmem>>
      %dma_wait3A_359 = arith.constant 0 : i32
      %dma_wait3A_360 = tpu.memref_slice %arg9[%dma_wait3A_354, %dma_wait3A_359] : memref<8x128xi32, #tpu.memory_space<vmem>> -> memref<1x128xi32, #tpu.memory_space<vmem>>
      %dma_wait3A_361 = tpu.memref_squeeze %dma_wait3A_360 : memref<1x128xi32, #tpu.memory_space<vmem>> -> memref<128xi32, #tpu.memory_space<vmem>>
      %dma_wait3A_362 = arith.constant 0 : i32
      %dma_wait3A_363 = arith.constant 0 : i32
      %dma_wait3A_364 = tpu.memref_slice %arg7[%dma_wait3A_362, %dma_wait3A_363] : memref<10240x32xf32, #tpu.memory_space<vmem_shared>> -> memref<10240x32xf32, #tpu.memory_space<vmem_shared>>
      tpu.wait_indirect_dma semaphore(%arg13 : memref<!tpu.dma_semaphore, #tpu.memory_space<semaphore_mem>>) src(%dma_wait3A_358 : memref<128x32xf32, #tpu.memory_space<vmem>>) dst(%dma_wait3A_364 : memref<10240x32xf32, #tpu.memory_space<vmem_shared>>)
      %dma_wait3A_365 = arith.constant 5 : i32
      %dma_wait3A_366 = arith.constant 5 : i32
      %dma_wait3A_367 = arith.constant 0 : i32
      %dma_wait3A_368 = arith.constant 0 : i32
      %dma_wait3A_369 = tpu.memref_slice %arg10[%dma_wait3A_365, %dma_wait3A_367, %dma_wait3A_368] : memref<8x128x32xf32, #tpu.memory_space<vmem>> -> memref<1x128x32xf32, #tpu.memory_space<vmem>>
      %dma_wait3A_370 = tpu.memref_squeeze %dma_wait3A_369 : memref<1x128x32xf32, #tpu.memory_space<vmem>> -> memref<128x32xf32, #tpu.memory_space<vmem>>
      %dma_wait3A_371 = arith.constant 0 : i32
      %dma_wait3A_372 = tpu.memref_slice %arg9[%dma_wait3A_366, %dma_wait3A_371] : memref<8x128xi32, #tpu.memory_space<vmem>> -> memref<1x128xi32, #tpu.memory_space<vmem>>
      %dma_wait3A_373 = tpu.memref_squeeze %dma_wait3A_372 : memref<1x128xi32, #tpu.memory_space<vmem>> -> memref<128xi32, #tpu.memory_space<vmem>>
      %dma_wait3A_374 = arith.constant 0 : i32
      %dma_wait3A_375 = arith.constant 0 : i32
      %dma_wait3A_376 = tpu.memref_slice %arg7[%dma_wait3A_374, %dma_wait3A_375] : memref<10240x32xf32, #tpu.memory_space<vmem_shared>> -> memref<10240x32xf32, #tpu.memory_space<vmem_shared>>
      tpu.wait_indirect_dma semaphore(%arg13 : memref<!tpu.dma_semaphore, #tpu.memory_space<semaphore_mem>>) src(%dma_wait3A_370 : memref<128x32xf32, #tpu.memory_space<vmem>>) dst(%dma_wait3A_376 : memref<10240x32xf32, #tpu.memory_space<vmem_shared>>)
      %dma_wait3A_377 = arith.constant 6 : i32
      %dma_wait3A_378 = arith.constant 6 : i32
      %dma_wait3A_379 = arith.constant 0 : i32
      %dma_wait3A_380 = arith.constant 0 : i32
      %dma_wait3A_381 = tpu.memref_slice %arg10[%dma_wait3A_377, %dma_wait3A_379, %dma_wait3A_380] : memref<8x128x32xf32, #tpu.memory_space<vmem>> -> memref<1x128x32xf32, #tpu.memory_space<vmem>>
      %dma_wait3A_382 = tpu.memref_squeeze %dma_wait3A_381 : memref<1x128x32xf32, #tpu.memory_space<vmem>> -> memref<128x32xf32, #tpu.memory_space<vmem>>
      %dma_wait3A_383 = arith.constant 0 : i32
      %dma_wait3A_384 = tpu.memref_slice %arg9[%dma_wait3A_378, %dma_wait3A_383] : memref<8x128xi32, #tpu.memory_space<vmem>> -> memref<1x128xi32, #tpu.memory_space<vmem>>
      %dma_wait3A_385 = tpu.memref_squeeze %dma_wait3A_384 : memref<1x128xi32, #tpu.memory_space<vmem>> -> memref<128xi32, #tpu.memory_space<vmem>>
      %dma_wait3A_386 = arith.constant 0 : i32
      %dma_wait3A_387 = arith.constant 0 : i32
      %dma_wait3A_388 = tpu.memref_slice %arg7[%dma_wait3A_386, %dma_wait3A_387] : memref<10240x32xf32, #tpu.memory_space<vmem_shared>> -> memref<10240x32xf32, #tpu.memory_space<vmem_shared>>
      tpu.wait_indirect_dma semaphore(%arg13 : memref<!tpu.dma_semaphore, #tpu.memory_space<semaphore_mem>>) src(%dma_wait3A_382 : memref<128x32xf32, #tpu.memory_space<vmem>>) dst(%dma_wait3A_388 : memref<10240x32xf32, #tpu.memory_space<vmem_shared>>)
      %dma_wait3A_389 = arith.constant 7 : i32
      %dma_wait3A_390 = arith.constant 7 : i32
      %dma_wait3A_391 = arith.constant 0 : i32
      %dma_wait3A_392 = arith.constant 0 : i32
      %dma_wait3A_393 = tpu.memref_slice %arg10[%dma_wait3A_389, %dma_wait3A_391, %dma_wait3A_392] : memref<8x128x32xf32, #tpu.memory_space<vmem>> -> memref<1x128x32xf32, #tpu.memory_space<vmem>>
      %dma_wait3A_394 = tpu.memref_squeeze %dma_wait3A_393 : memref<1x128x32xf32, #tpu.memory_space<vmem>> -> memref<128x32xf32, #tpu.memory_space<vmem>>
      %dma_wait3A_395 = arith.constant 0 : i32
      %dma_wait3A_396 = tpu.memref_slice %arg9[%dma_wait3A_390, %dma_wait3A_395] : memref<8x128xi32, #tpu.memory_space<vmem>> -> memref<1x128xi32, #tpu.memory_space<vmem>>
      %dma_wait3A_397 = tpu.memref_squeeze %dma_wait3A_396 : memref<1x128xi32, #tpu.memory_space<vmem>> -> memref<128xi32, #tpu.memory_space<vmem>>
      %dma_wait3A_398 = arith.constant 0 : i32
      %dma_wait3A_399 = arith.constant 0 : i32
      %dma_wait3A_400 = tpu.memref_slice %arg7[%dma_wait3A_398, %dma_wait3A_399] : memref<10240x32xf32, #tpu.memory_space<vmem_shared>> -> memref<10240x32xf32, #tpu.memory_space<vmem_shared>>
      tpu.wait_indirect_dma semaphore(%arg13 : memref<!tpu.dma_semaphore, #tpu.memory_space<semaphore_mem>>) src(%dma_wait3A_394 : memref<128x32xf32, #tpu.memory_space<vmem>>) dst(%dma_wait3A_400 : memref<10240x32xf32, #tpu.memory_space<vmem_shared>>)
    }
    %scan3A_7 = arith.constant 5 : i32
    %barrier3A_8 = arith.constant 0 : index
    tpu.barrier barrier_id(%barrier3A_8)
    %mul3A_9 = arith.constant 640 : i32
    %mul3A_10 = arith.muli %arg1, %mul3A_9 : i32
    "tpu.region"() ({
      %run_scoped3A = tpu.sem_alloc : memref<!tpu.dma_semaphore, #tpu.memory_space<semaphore_mem>>
      %dma_start3A = arith.constant 0 : i32
      %dma_start3A_13 = tpu.memref_slice %arg7[%mul3A_10, %dma_start3A] : memref<10240x32xf32, #tpu.memory_space<vmem_shared>> -> memref<640x32xf32, #tpu.memory_space<vmem_shared>>
      %dma_start3A_14 = arith.constant 0 : i32
      %dma_start3A_15 = tpu.memref_slice %arg7[%mul3A_10, %dma_start3A_14] : memref<10240x32xf32, #tpu.memory_space<vmem_shared>> -> memref<640x32xf32, #tpu.memory_space<vmem_shared>>
      tpu.enqueue_dma source(%dma_start3A_15 : memref<640x32xf32, #tpu.memory_space<vmem_shared>>) target(%arg11 : memref<640x32xf32, #tpu.memory_space<vmem>>) target_semaphore(%run_scoped3A : memref<!tpu.dma_semaphore, #tpu.memory_space<semaphore_mem>>)
      %dma_wait3A = arith.constant 0 : i32
      %dma_wait3A_16 = tpu.memref_slice %arg7[%mul3A_10, %dma_wait3A] : memref<10240x32xf32, #tpu.memory_space<vmem_shared>> -> memref<640x32xf32, #tpu.memory_space<vmem_shared>>
      %dma_wait3A_17 = arith.constant 0 : i32
      %dma_wait3A_18 = tpu.memref_slice %arg7[%mul3A_10, %dma_wait3A_17] : memref<10240x32xf32, #tpu.memory_space<vmem_shared>> -> memref<640x32xf32, #tpu.memory_space<vmem_shared>>
      tpu.wait_dma2 semaphore(%run_scoped3A : memref<!tpu.dma_semaphore, #tpu.memory_space<semaphore_mem>>) src(%dma_wait3A_18 : memref<640x32xf32, #tpu.memory_space<vmem_shared>>) dst(%arg11 : memref<640x32xf32, #tpu.memory_space<vmem>>)
      tpu.yield
    }) : () -> ()
    %mul3A_11 = arith.constant 640 : i32
    %mul3A_12 = arith.muli %arg1, %mul3A_11 : i32
    "tpu.region"() ({
      %run_scoped3A = tpu.sem_alloc : memref<!tpu.dma_semaphore, #tpu.memory_space<semaphore_mem>>
      %dma_start3A = arith.constant 0 : i32
      %dma_start3A_13 = tpu.memref_slice %arg6[%arg0, %mul3A_12, %dma_start3A] : memref<2x10240x32xf32, #tpu.memory_space<hbm>> -> memref<1x640x32xf32, #tpu.memory_space<hbm>>
      %dma_start3A_14 = tpu.memref_squeeze %dma_start3A_13 : memref<1x640x32xf32, #tpu.memory_space<hbm>> -> memref<640x32xf32, #tpu.memory_space<hbm>>
      %dma_start3A_15 = arith.constant 0 : i32
      %dma_start3A_16 = tpu.memref_slice %arg6[%arg0, %mul3A_12, %dma_start3A_15] : memref<2x10240x32xf32, #tpu.memory_space<hbm>> -> memref<1x640x32xf32, #tpu.memory_space<hbm>>
      %dma_start3A_17 = tpu.memref_squeeze %dma_start3A_16 : memref<1x640x32xf32, #tpu.memory_space<hbm>> -> memref<640x32xf32, #tpu.memory_space<hbm>>
      tpu.enqueue_dma source(%arg11 : memref<640x32xf32, #tpu.memory_space<vmem>>) target(%dma_start3A_17 : memref<640x32xf32, #tpu.memory_space<hbm>>) target_semaphore(%run_scoped3A : memref<!tpu.dma_semaphore, #tpu.memory_space<semaphore_mem>>)
      %dma_wait3A = arith.constant 0 : i32
      %dma_wait3A_18 = tpu.memref_slice %arg6[%arg0, %mul3A_12, %dma_wait3A] : memref<2x10240x32xf32, #tpu.memory_space<hbm>> -> memref<1x640x32xf32, #tpu.memory_space<hbm>>
      %dma_wait3A_19 = tpu.memref_squeeze %dma_wait3A_18 : memref<1x640x32xf32, #tpu.memory_space<hbm>> -> memref<640x32xf32, #tpu.memory_space<hbm>>
      %dma_wait3A_20 = arith.constant 0 : i32
      %dma_wait3A_21 = tpu.memref_slice %arg6[%arg0, %mul3A_12, %dma_wait3A_20] : memref<2x10240x32xf32, #tpu.memory_space<hbm>> -> memref<1x640x32xf32, #tpu.memory_space<hbm>>
      %dma_wait3A_22 = tpu.memref_squeeze %dma_wait3A_21 : memref<1x640x32xf32, #tpu.memory_space<hbm>> -> memref<640x32xf32, #tpu.memory_space<hbm>>
      tpu.wait_dma2 semaphore(%run_scoped3A : memref<!tpu.dma_semaphore, #tpu.memory_space<semaphore_mem>>) src(%arg11 : memref<640x32xf32, #tpu.memory_space<vmem>>) dst(%dma_wait3A_22 : memref<640x32xf32, #tpu.memory_space<hbm>>)
      tpu.yield
    }) : () -> ()
    return
  }
}

#map = affine_map<(d0, d1) -> (0, 0)>
#map1 = affine_map<(d0, d1) -> (0, 0, 0)>
module attributes {stable_mosaic.version = 14 : i64} {
  func.func @_agg_body(%arg0: i32, %arg1: i32, %arg2: memref<10240x32xf32, #tpu.memory_space<hbm>>, %arg3: memref<1280x128xi32, #tpu.memory_space<hbm>>, %arg4: memref<1280x128xi32, #tpu.memory_space<hbm>>, %arg5: memref<640x32xf32, #tpu.memory_space<hbm>>, %arg6: memref<2x10240x32xf32, #tpu.memory_space<hbm>>, %arg7: memref<10240x32xf32, #tpu.memory_space<vmem_shared>>, %arg8: memref<8x128xi32, #tpu.memory_space<vmem>>, %arg9: memref<8x128xi32, #tpu.memory_space<vmem>>, %arg10: memref<8x128x32xf32, #tpu.memory_space<vmem>>, %arg11: memref<640x32xf32, #tpu.memory_space<vmem>>, %arg12: memref<!tpu.dma_semaphore, #tpu.memory_space<semaphore_mem>>, %arg13: memref<!tpu.dma_semaphore, #tpu.memory_space<semaphore_mem>>) attributes {dimension_semantics = [#tpu.dimension_semantics<core_parallel>, #tpu.dimension_semantics<subcore_parallel>], iteration_bounds = array<i64: 2, 16>, scalar_prefetch = 0 : i64, scratch_operands = 7 : i64, tpu.core_type = #tpu.core_type<sc_vector_subcore>, window_params = [{transform_indices = #map}, {transform_indices = #map}, {transform_indices = #map}, {transform_indices = #map}, {transform_indices = #map1}]} {
    %mul3A = arith.constant 2 : i32
    %mul3A_0 = arith.muli %arg1, %mul3A : i32
    %add3A = arith.addi %mul3A_0, %arg0 : i32
    "tpu.region"() ({
      %run_scoped3A = tpu.sem_alloc : memref<!tpu.dma_semaphore, #tpu.memory_space<semaphore_mem>>
      tpu.enqueue_dma source(%arg5 : memref<640x32xf32, #tpu.memory_space<hbm>>) target(%arg11 : memref<640x32xf32, #tpu.memory_space<vmem>>) target_semaphore(%run_scoped3A : memref<!tpu.dma_semaphore, #tpu.memory_space<semaphore_mem>>)
      tpu.wait_dma2 semaphore(%run_scoped3A : memref<!tpu.dma_semaphore, #tpu.memory_space<semaphore_mem>>) src(%arg5 : memref<640x32xf32, #tpu.memory_space<hbm>>) dst(%arg11 : memref<640x32xf32, #tpu.memory_space<vmem>>)
      tpu.yield
    }) : () -> ()
    %mul3A_1 = arith.constant 640 : i32
    %mul3A_2 = arith.muli %arg1, %mul3A_1 : i32
    "tpu.region"() ({
      %run_scoped3A = tpu.sem_alloc : memref<!tpu.dma_semaphore, #tpu.memory_space<semaphore_mem>>
      %dma_start3A = arith.constant 0 : i32
      %dma_start3A_13 = tpu.memref_slice %arg7[%mul3A_2, %dma_start3A] : memref<10240x32xf32, #tpu.memory_space<vmem_shared>> -> memref<640x32xf32, #tpu.memory_space<vmem_shared>>
      %dma_start3A_14 = arith.constant 0 : i32
      %dma_start3A_15 = tpu.memref_slice %arg7[%mul3A_2, %dma_start3A_14] : memref<10240x32xf32, #tpu.memory_space<vmem_shared>> -> memref<640x32xf32, #tpu.memory_space<vmem_shared>>
      tpu.enqueue_dma source(%arg11 : memref<640x32xf32, #tpu.memory_space<vmem>>) target(%dma_start3A_15 : memref<640x32xf32, #tpu.memory_space<vmem_shared>>) target_semaphore(%run_scoped3A : memref<!tpu.dma_semaphore, #tpu.memory_space<semaphore_mem>>)
      %dma_wait3A = arith.constant 0 : i32
      %dma_wait3A_16 = tpu.memref_slice %arg7[%mul3A_2, %dma_wait3A] : memref<10240x32xf32, #tpu.memory_space<vmem_shared>> -> memref<640x32xf32, #tpu.memory_space<vmem_shared>>
      %dma_wait3A_17 = arith.constant 0 : i32
      %dma_wait3A_18 = tpu.memref_slice %arg7[%mul3A_2, %dma_wait3A_17] : memref<10240x32xf32, #tpu.memory_space<vmem_shared>> -> memref<640x32xf32, #tpu.memory_space<vmem_shared>>
      tpu.wait_dma2 semaphore(%run_scoped3A : memref<!tpu.dma_semaphore, #tpu.memory_space<semaphore_mem>>) src(%arg11 : memref<640x32xf32, #tpu.memory_space<vmem>>) dst(%dma_wait3A_18 : memref<640x32xf32, #tpu.memory_space<vmem_shared>>)
      tpu.yield
    }) : () -> ()
    %barrier3A = arith.constant 0 : index
    tpu.barrier barrier_id(%barrier3A)
    %scan3A = arith.constant 0 : i32
    %scan3A_3 = arith.constant 0 : i32
    %scan3A_4 = arith.constant 5 : i32
    %scan3A_5 = arith.addi %scan3A_3, %scan3A_4 : i32
    %scan3A_6 = arith.constant 1 : i32
    scf.for %scan3A_13 = %scan3A_3 to %scan3A_5 step %scan3A_6  : i32 {
      %mul3A_14 = arith.constant 40 : i32
      %mul3A_15 = arith.muli %add3A, %mul3A_14 : i32
      %mul3A_16 = arith.constant 8 : i32
      %mul3A_17 = arith.muli %scan3A_13, %mul3A_16 : i32
      %add3A_18 = arith.addi %mul3A_15, %mul3A_17 : i32
      "tpu.region"() ({
        %run_scoped3A = tpu.sem_alloc : memref<!tpu.dma_semaphore, #tpu.memory_space<semaphore_mem>>
        %dma_start3A_401 = arith.constant 0 : i32
        %dma_start3A_402 = tpu.memref_slice %arg3[%add3A_18, %dma_start3A_401] : memref<1280x128xi32, #tpu.memory_space<hbm>> -> memref<8x128xi32, #tpu.memory_space<hbm>>
        %dma_start3A_403 = arith.constant 0 : i32
        %dma_start3A_404 = tpu.memref_slice %arg3[%add3A_18, %dma_start3A_403] : memref<1280x128xi32, #tpu.memory_space<hbm>> -> memref<8x128xi32, #tpu.memory_space<hbm>>
        tpu.enqueue_dma source(%dma_start3A_404 : memref<8x128xi32, #tpu.memory_space<hbm>>) target(%arg8 : memref<8x128xi32, #tpu.memory_space<vmem>>) target_semaphore(%run_scoped3A : memref<!tpu.dma_semaphore, #tpu.memory_space<semaphore_mem>>)
        %dma_wait3A_405 = arith.constant 0 : i32
        %dma_wait3A_406 = tpu.memref_slice %arg3[%add3A_18, %dma_wait3A_405] : memref<1280x128xi32, #tpu.memory_space<hbm>> -> memref<8x128xi32, #tpu.memory_space<hbm>>
        %dma_wait3A_407 = arith.constant 0 : i32
        %dma_wait3A_408 = tpu.memref_slice %arg3[%add3A_18, %dma_wait3A_407] : memref<1280x128xi32, #tpu.memory_space<hbm>> -> memref<8x128xi32, #tpu.memory_space<hbm>>
        tpu.wait_dma2 semaphore(%run_scoped3A : memref<!tpu.dma_semaphore, #tpu.memory_space<semaphore_mem>>) src(%dma_wait3A_408 : memref<8x128xi32, #tpu.memory_space<hbm>>) dst(%arg8 : memref<8x128xi32, #tpu.memory_space<vmem>>)
        tpu.yield
      }) : () -> ()
      "tpu.region"() ({
        %run_scoped3A = tpu.sem_alloc : memref<!tpu.dma_semaphore, #tpu.memory_space<semaphore_mem>>
        %dma_start3A_401 = arith.constant 0 : i32
        %dma_start3A_402 = tpu.memref_slice %arg4[%add3A_18, %dma_start3A_401] : memref<1280x128xi32, #tpu.memory_space<hbm>> -> memref<8x128xi32, #tpu.memory_space<hbm>>
        %dma_start3A_403 = arith.constant 0 : i32
        %dma_start3A_404 = tpu.memref_slice %arg4[%add3A_18, %dma_start3A_403] : memref<1280x128xi32, #tpu.memory_space<hbm>> -> memref<8x128xi32, #tpu.memory_space<hbm>>
        tpu.enqueue_dma source(%dma_start3A_404 : memref<8x128xi32, #tpu.memory_space<hbm>>) target(%arg9 : memref<8x128xi32, #tpu.memory_space<vmem>>) target_semaphore(%run_scoped3A : memref<!tpu.dma_semaphore, #tpu.memory_space<semaphore_mem>>)
        %dma_wait3A_405 = arith.constant 0 : i32
        %dma_wait3A_406 = tpu.memref_slice %arg4[%add3A_18, %dma_wait3A_405] : memref<1280x128xi32, #tpu.memory_space<hbm>> -> memref<8x128xi32, #tpu.memory_space<hbm>>
        %dma_wait3A_407 = arith.constant 0 : i32
        %dma_wait3A_408 = tpu.memref_slice %arg4[%add3A_18, %dma_wait3A_407] : memref<1280x128xi32, #tpu.memory_space<hbm>> -> memref<8x128xi32, #tpu.memory_space<hbm>>
        tpu.wait_dma2 semaphore(%run_scoped3A : memref<!tpu.dma_semaphore, #tpu.memory_space<semaphore_mem>>) src(%dma_wait3A_408 : memref<8x128xi32, #tpu.memory_space<hbm>>) dst(%arg9 : memref<8x128xi32, #tpu.memory_space<vmem>>)
        tpu.yield
      }) : () -> ()
      %dma_start3A = arith.constant 0 : i32
      %dma_start3A_19 = arith.constant 0 : i32
      %dma_start3A_20 = arith.constant 0 : i32
      %dma_start3A_21 = arith.constant 0 : i32
      %dma_start3A_22 = tpu.memref_slice %arg10[%dma_start3A_19, %dma_start3A_20, %dma_start3A_21] : memref<8x128x32xf32, #tpu.memory_space<vmem>> -> memref<1x128x32xf32, #tpu.memory_space<vmem>>
      %dma_start3A_23 = tpu.memref_squeeze %dma_start3A_22 : memref<1x128x32xf32, #tpu.memory_space<vmem>> -> memref<128x32xf32, #tpu.memory_space<vmem>>
      %dma_start3A_24 = arith.constant 0 : i32
      %dma_start3A_25 = tpu.memref_slice %arg8[%dma_start3A, %dma_start3A_24] : memref<8x128xi32, #tpu.memory_space<vmem>> -> memref<1x128xi32, #tpu.memory_space<vmem>>
      %dma_start3A_26 = tpu.memref_squeeze %dma_start3A_25 : memref<1x128xi32, #tpu.memory_space<vmem>> -> memref<128xi32, #tpu.memory_space<vmem>>
      %dma_start3A_27 = arith.constant 0 : i32
      %dma_start3A_28 = arith.constant 0 : i32
      %dma_start3A_29 = tpu.memref_slice %arg2[%dma_start3A_27, %dma_start3A_28] : memref<10240x32xf32, #tpu.memory_space<hbm>> -> memref<10240x32xf32, #tpu.memory_space<hbm>>
      tpu.enqueue_indirect_dma source(%dma_start3A_29 : memref<10240x32xf32, #tpu.memory_space<hbm>>) target(%dma_start3A_23 : memref<128x32xf32, #tpu.memory_space<vmem>>) offsets(%dma_start3A_26 : memref<128xi32, #tpu.memory_space<vmem>>) semaphore(%arg12 : memref<!tpu.dma_semaphore, #tpu.memory_space<semaphore_mem>>)
      %dma_start3A_30 = arith.constant 1 : i32
      %dma_start3A_31 = arith.constant 1 : i32
      %dma_start3A_32 = arith.constant 0 : i32
      %dma_start3A_33 = arith.constant 0 : i32
      %dma_start3A_34 = tpu.memref_slice %arg10[%dma_start3A_31, %dma_start3A_32, %dma_start3A_33] : memref<8x128x32xf32, #tpu.memory_space<vmem>> -> memref<1x128x32xf32, #tpu.memory_space<vmem>>
      %dma_start3A_35 = tpu.memref_squeeze %dma_start3A_34 : memref<1x128x32xf32, #tpu.memory_space<vmem>> -> memref<128x32xf32, #tpu.memory_space<vmem>>
      %dma_start3A_36 = arith.constant 0 : i32
      %dma_start3A_37 = tpu.memref_slice %arg8[%dma_start3A_30, %dma_start3A_36] : memref<8x128xi32, #tpu.memory_space<vmem>> -> memref<1x128xi32, #tpu.memory_space<vmem>>
      %dma_start3A_38 = tpu.memref_squeeze %dma_start3A_37 : memref<1x128xi32, #tpu.memory_space<vmem>> -> memref<128xi32, #tpu.memory_space<vmem>>
      %dma_start3A_39 = arith.constant 0 : i32
      %dma_start3A_40 = arith.constant 0 : i32
      %dma_start3A_41 = tpu.memref_slice %arg2[%dma_start3A_39, %dma_start3A_40] : memref<10240x32xf32, #tpu.memory_space<hbm>> -> memref<10240x32xf32, #tpu.memory_space<hbm>>
      tpu.enqueue_indirect_dma source(%dma_start3A_41 : memref<10240x32xf32, #tpu.memory_space<hbm>>) target(%dma_start3A_35 : memref<128x32xf32, #tpu.memory_space<vmem>>) offsets(%dma_start3A_38 : memref<128xi32, #tpu.memory_space<vmem>>) semaphore(%arg12 : memref<!tpu.dma_semaphore, #tpu.memory_space<semaphore_mem>>)
      %dma_start3A_42 = arith.constant 2 : i32
      %dma_start3A_43 = arith.constant 2 : i32
      %dma_start3A_44 = arith.constant 0 : i32
      %dma_start3A_45 = arith.constant 0 : i32
      %dma_start3A_46 = tpu.memref_slice %arg10[%dma_start3A_43, %dma_start3A_44, %dma_start3A_45] : memref<8x128x32xf32, #tpu.memory_space<vmem>> -> memref<1x128x32xf32, #tpu.memory_space<vmem>>
      %dma_start3A_47 = tpu.memref_squeeze %dma_start3A_46 : memref<1x128x32xf32, #tpu.memory_space<vmem>> -> memref<128x32xf32, #tpu.memory_space<vmem>>
      %dma_start3A_48 = arith.constant 0 : i32
      %dma_start3A_49 = tpu.memref_slice %arg8[%dma_start3A_42, %dma_start3A_48] : memref<8x128xi32, #tpu.memory_space<vmem>> -> memref<1x128xi32, #tpu.memory_space<vmem>>
      %dma_start3A_50 = tpu.memref_squeeze %dma_start3A_49 : memref<1x128xi32, #tpu.memory_space<vmem>> -> memref<128xi32, #tpu.memory_space<vmem>>
      %dma_start3A_51 = arith.constant 0 : i32
      %dma_start3A_52 = arith.constant 0 : i32
      %dma_start3A_53 = tpu.memref_slice %arg2[%dma_start3A_51, %dma_start3A_52] : memref<10240x32xf32, #tpu.memory_space<hbm>> -> memref<10240x32xf32, #tpu.memory_space<hbm>>
      tpu.enqueue_indirect_dma source(%dma_start3A_53 : memref<10240x32xf32, #tpu.memory_space<hbm>>) target(%dma_start3A_47 : memref<128x32xf32, #tpu.memory_space<vmem>>) offsets(%dma_start3A_50 : memref<128xi32, #tpu.memory_space<vmem>>) semaphore(%arg12 : memref<!tpu.dma_semaphore, #tpu.memory_space<semaphore_mem>>)
      %dma_start3A_54 = arith.constant 3 : i32
      %dma_start3A_55 = arith.constant 3 : i32
      %dma_start3A_56 = arith.constant 0 : i32
      %dma_start3A_57 = arith.constant 0 : i32
      %dma_start3A_58 = tpu.memref_slice %arg10[%dma_start3A_55, %dma_start3A_56, %dma_start3A_57] : memref<8x128x32xf32, #tpu.memory_space<vmem>> -> memref<1x128x32xf32, #tpu.memory_space<vmem>>
      %dma_start3A_59 = tpu.memref_squeeze %dma_start3A_58 : memref<1x128x32xf32, #tpu.memory_space<vmem>> -> memref<128x32xf32, #tpu.memory_space<vmem>>
      %dma_start3A_60 = arith.constant 0 : i32
      %dma_start3A_61 = tpu.memref_slice %arg8[%dma_start3A_54, %dma_start3A_60] : memref<8x128xi32, #tpu.memory_space<vmem>> -> memref<1x128xi32, #tpu.memory_space<vmem>>
      %dma_start3A_62 = tpu.memref_squeeze %dma_start3A_61 : memref<1x128xi32, #tpu.memory_space<vmem>> -> memref<128xi32, #tpu.memory_space<vmem>>
      %dma_start3A_63 = arith.constant 0 : i32
      %dma_start3A_64 = arith.constant 0 : i32
      %dma_start3A_65 = tpu.memref_slice %arg2[%dma_start3A_63, %dma_start3A_64] : memref<10240x32xf32, #tpu.memory_space<hbm>> -> memref<10240x32xf32, #tpu.memory_space<hbm>>
      tpu.enqueue_indirect_dma source(%dma_start3A_65 : memref<10240x32xf32, #tpu.memory_space<hbm>>) target(%dma_start3A_59 : memref<128x32xf32, #tpu.memory_space<vmem>>) offsets(%dma_start3A_62 : memref<128xi32, #tpu.memory_space<vmem>>) semaphore(%arg12 : memref<!tpu.dma_semaphore, #tpu.memory_space<semaphore_mem>>)
      %dma_start3A_66 = arith.constant 4 : i32
      %dma_start3A_67 = arith.constant 4 : i32
      %dma_start3A_68 = arith.constant 0 : i32
      %dma_start3A_69 = arith.constant 0 : i32
      %dma_start3A_70 = tpu.memref_slice %arg10[%dma_start3A_67, %dma_start3A_68, %dma_start3A_69] : memref<8x128x32xf32, #tpu.memory_space<vmem>> -> memref<1x128x32xf32, #tpu.memory_space<vmem>>
      %dma_start3A_71 = tpu.memref_squeeze %dma_start3A_70 : memref<1x128x32xf32, #tpu.memory_space<vmem>> -> memref<128x32xf32, #tpu.memory_space<vmem>>
      %dma_start3A_72 = arith.constant 0 : i32
      %dma_start3A_73 = tpu.memref_slice %arg8[%dma_start3A_66, %dma_start3A_72] : memref<8x128xi32, #tpu.memory_space<vmem>> -> memref<1x128xi32, #tpu.memory_space<vmem>>
      %dma_start3A_74 = tpu.memref_squeeze %dma_start3A_73 : memref<1x128xi32, #tpu.memory_space<vmem>> -> memref<128xi32, #tpu.memory_space<vmem>>
      %dma_start3A_75 = arith.constant 0 : i32
      %dma_start3A_76 = arith.constant 0 : i32
      %dma_start3A_77 = tpu.memref_slice %arg2[%dma_start3A_75, %dma_start3A_76] : memref<10240x32xf32, #tpu.memory_space<hbm>> -> memref<10240x32xf32, #tpu.memory_space<hbm>>
      tpu.enqueue_indirect_dma source(%dma_start3A_77 : memref<10240x32xf32, #tpu.memory_space<hbm>>) target(%dma_start3A_71 : memref<128x32xf32, #tpu.memory_space<vmem>>) offsets(%dma_start3A_74 : memref<128xi32, #tpu.memory_space<vmem>>) semaphore(%arg12 : memref<!tpu.dma_semaphore, #tpu.memory_space<semaphore_mem>>)
      %dma_start3A_78 = arith.constant 5 : i32
      %dma_start3A_79 = arith.constant 5 : i32
      %dma_start3A_80 = arith.constant 0 : i32
      %dma_start3A_81 = arith.constant 0 : i32
      %dma_start3A_82 = tpu.memref_slice %arg10[%dma_start3A_79, %dma_start3A_80, %dma_start3A_81] : memref<8x128x32xf32, #tpu.memory_space<vmem>> -> memref<1x128x32xf32, #tpu.memory_space<vmem>>
      %dma_start3A_83 = tpu.memref_squeeze %dma_start3A_82 : memref<1x128x32xf32, #tpu.memory_space<vmem>> -> memref<128x32xf32, #tpu.memory_space<vmem>>
      %dma_start3A_84 = arith.constant 0 : i32
      %dma_start3A_85 = tpu.memref_slice %arg8[%dma_start3A_78, %dma_start3A_84] : memref<8x128xi32, #tpu.memory_space<vmem>> -> memref<1x128xi32, #tpu.memory_space<vmem>>
      %dma_start3A_86 = tpu.memref_squeeze %dma_start3A_85 : memref<1x128xi32, #tpu.memory_space<vmem>> -> memref<128xi32, #tpu.memory_space<vmem>>
      %dma_start3A_87 = arith.constant 0 : i32
      %dma_start3A_88 = arith.constant 0 : i32
      %dma_start3A_89 = tpu.memref_slice %arg2[%dma_start3A_87, %dma_start3A_88] : memref<10240x32xf32, #tpu.memory_space<hbm>> -> memref<10240x32xf32, #tpu.memory_space<hbm>>
      tpu.enqueue_indirect_dma source(%dma_start3A_89 : memref<10240x32xf32, #tpu.memory_space<hbm>>) target(%dma_start3A_83 : memref<128x32xf32, #tpu.memory_space<vmem>>) offsets(%dma_start3A_86 : memref<128xi32, #tpu.memory_space<vmem>>) semaphore(%arg12 : memref<!tpu.dma_semaphore, #tpu.memory_space<semaphore_mem>>)
      %dma_start3A_90 = arith.constant 6 : i32
      %dma_start3A_91 = arith.constant 6 : i32
      %dma_start3A_92 = arith.constant 0 : i32
      %dma_start3A_93 = arith.constant 0 : i32
      %dma_start3A_94 = tpu.memref_slice %arg10[%dma_start3A_91, %dma_start3A_92, %dma_start3A_93] : memref<8x128x32xf32, #tpu.memory_space<vmem>> -> memref<1x128x32xf32, #tpu.memory_space<vmem>>
      %dma_start3A_95 = tpu.memref_squeeze %dma_start3A_94 : memref<1x128x32xf32, #tpu.memory_space<vmem>> -> memref<128x32xf32, #tpu.memory_space<vmem>>
      %dma_start3A_96 = arith.constant 0 : i32
      %dma_start3A_97 = tpu.memref_slice %arg8[%dma_start3A_90, %dma_start3A_96] : memref<8x128xi32, #tpu.memory_space<vmem>> -> memref<1x128xi32, #tpu.memory_space<vmem>>
      %dma_start3A_98 = tpu.memref_squeeze %dma_start3A_97 : memref<1x128xi32, #tpu.memory_space<vmem>> -> memref<128xi32, #tpu.memory_space<vmem>>
      %dma_start3A_99 = arith.constant 0 : i32
      %dma_start3A_100 = arith.constant 0 : i32
      %dma_start3A_101 = tpu.memref_slice %arg2[%dma_start3A_99, %dma_start3A_100] : memref<10240x32xf32, #tpu.memory_space<hbm>> -> memref<10240x32xf32, #tpu.memory_space<hbm>>
      tpu.enqueue_indirect_dma source(%dma_start3A_101 : memref<10240x32xf32, #tpu.memory_space<hbm>>) target(%dma_start3A_95 : memref<128x32xf32, #tpu.memory_space<vmem>>) offsets(%dma_start3A_98 : memref<128xi32, #tpu.memory_space<vmem>>) semaphore(%arg12 : memref<!tpu.dma_semaphore, #tpu.memory_space<semaphore_mem>>)
      %dma_start3A_102 = arith.constant 7 : i32
      %dma_start3A_103 = arith.constant 7 : i32
      %dma_start3A_104 = arith.constant 0 : i32
      %dma_start3A_105 = arith.constant 0 : i32
      %dma_start3A_106 = tpu.memref_slice %arg10[%dma_start3A_103, %dma_start3A_104, %dma_start3A_105] : memref<8x128x32xf32, #tpu.memory_space<vmem>> -> memref<1x128x32xf32, #tpu.memory_space<vmem>>
      %dma_start3A_107 = tpu.memref_squeeze %dma_start3A_106 : memref<1x128x32xf32, #tpu.memory_space<vmem>> -> memref<128x32xf32, #tpu.memory_space<vmem>>
      %dma_start3A_108 = arith.constant 0 : i32
      %dma_start3A_109 = tpu.memref_slice %arg8[%dma_start3A_102, %dma_start3A_108] : memref<8x128xi32, #tpu.memory_space<vmem>> -> memref<1x128xi32, #tpu.memory_space<vmem>>
      %dma_start3A_110 = tpu.memref_squeeze %dma_start3A_109 : memref<1x128xi32, #tpu.memory_space<vmem>> -> memref<128xi32, #tpu.memory_space<vmem>>
      %dma_start3A_111 = arith.constant 0 : i32
      %dma_start3A_112 = arith.constant 0 : i32
      %dma_start3A_113 = tpu.memref_slice %arg2[%dma_start3A_111, %dma_start3A_112] : memref<10240x32xf32, #tpu.memory_space<hbm>> -> memref<10240x32xf32, #tpu.memory_space<hbm>>
      tpu.enqueue_indirect_dma source(%dma_start3A_113 : memref<10240x32xf32, #tpu.memory_space<hbm>>) target(%dma_start3A_107 : memref<128x32xf32, #tpu.memory_space<vmem>>) offsets(%dma_start3A_110 : memref<128xi32, #tpu.memory_space<vmem>>) semaphore(%arg12 : memref<!tpu.dma_semaphore, #tpu.memory_space<semaphore_mem>>)
      %dma_wait3A = arith.constant 0 : i32
      %dma_wait3A_114 = arith.constant 0 : i32
      %dma_wait3A_115 = arith.constant 0 : i32
      %dma_wait3A_116 = arith.constant 0 : i32
      %dma_wait3A_117 = tpu.memref_slice %arg10[%dma_wait3A_114, %dma_wait3A_115, %dma_wait3A_116] : memref<8x128x32xf32, #tpu.memory_space<vmem>> -> memref<1x128x32xf32, #tpu.memory_space<vmem>>
      %dma_wait3A_118 = tpu.memref_squeeze %dma_wait3A_117 : memref<1x128x32xf32, #tpu.memory_space<vmem>> -> memref<128x32xf32, #tpu.memory_space<vmem>>
      %dma_wait3A_119 = arith.constant 0 : i32
      %dma_wait3A_120 = tpu.memref_slice %arg8[%dma_wait3A, %dma_wait3A_119] : memref<8x128xi32, #tpu.memory_space<vmem>> -> memref<1x128xi32, #tpu.memory_space<vmem>>
      %dma_wait3A_121 = tpu.memref_squeeze %dma_wait3A_120 : memref<1x128xi32, #tpu.memory_space<vmem>> -> memref<128xi32, #tpu.memory_space<vmem>>
      %dma_wait3A_122 = arith.constant 0 : i32
      %dma_wait3A_123 = arith.constant 0 : i32
      %dma_wait3A_124 = tpu.memref_slice %arg2[%dma_wait3A_122, %dma_wait3A_123] : memref<10240x32xf32, #tpu.memory_space<hbm>> -> memref<10240x32xf32, #tpu.memory_space<hbm>>
      tpu.wait_indirect_dma semaphore(%arg12 : memref<!tpu.dma_semaphore, #tpu.memory_space<semaphore_mem>>) src(%dma_wait3A_124 : memref<10240x32xf32, #tpu.memory_space<hbm>>) dst(%dma_wait3A_118 : memref<128x32xf32, #tpu.memory_space<vmem>>)
      %dma_wait3A_125 = arith.constant 1 : i32
      %dma_wait3A_126 = arith.constant 1 : i32
      %dma_wait3A_127 = arith.constant 0 : i32
      %dma_wait3A_128 = arith.constant 0 : i32
      %dma_wait3A_129 = tpu.memref_slice %arg10[%dma_wait3A_126, %dma_wait3A_127, %dma_wait3A_128] : memref<8x128x32xf32, #tpu.memory_space<vmem>> -> memref<1x128x32xf32, #tpu.memory_space<vmem>>
      %dma_wait3A_130 = tpu.memref_squeeze %dma_wait3A_129 : memref<1x128x32xf32, #tpu.memory_space<vmem>> -> memref<128x32xf32, #tpu.memory_space<vmem>>
      %dma_wait3A_131 = arith.constant 0 : i32
      %dma_wait3A_132 = tpu.memref_slice %arg8[%dma_wait3A_125, %dma_wait3A_131] : memref<8x128xi32, #tpu.memory_space<vmem>> -> memref<1x128xi32, #tpu.memory_space<vmem>>
      %dma_wait3A_133 = tpu.memref_squeeze %dma_wait3A_132 : memref<1x128xi32, #tpu.memory_space<vmem>> -> memref<128xi32, #tpu.memory_space<vmem>>
      %dma_wait3A_134 = arith.constant 0 : i32
      %dma_wait3A_135 = arith.constant 0 : i32
      %dma_wait3A_136 = tpu.memref_slice %arg2[%dma_wait3A_134, %dma_wait3A_135] : memref<10240x32xf32, #tpu.memory_space<hbm>> -> memref<10240x32xf32, #tpu.memory_space<hbm>>
      tpu.wait_indirect_dma semaphore(%arg12 : memref<!tpu.dma_semaphore, #tpu.memory_space<semaphore_mem>>) src(%dma_wait3A_136 : memref<10240x32xf32, #tpu.memory_space<hbm>>) dst(%dma_wait3A_130 : memref<128x32xf32, #tpu.memory_space<vmem>>)
      %dma_wait3A_137 = arith.constant 2 : i32
      %dma_wait3A_138 = arith.constant 2 : i32
      %dma_wait3A_139 = arith.constant 0 : i32
      %dma_wait3A_140 = arith.constant 0 : i32
      %dma_wait3A_141 = tpu.memref_slice %arg10[%dma_wait3A_138, %dma_wait3A_139, %dma_wait3A_140] : memref<8x128x32xf32, #tpu.memory_space<vmem>> -> memref<1x128x32xf32, #tpu.memory_space<vmem>>
      %dma_wait3A_142 = tpu.memref_squeeze %dma_wait3A_141 : memref<1x128x32xf32, #tpu.memory_space<vmem>> -> memref<128x32xf32, #tpu.memory_space<vmem>>
      %dma_wait3A_143 = arith.constant 0 : i32
      %dma_wait3A_144 = tpu.memref_slice %arg8[%dma_wait3A_137, %dma_wait3A_143] : memref<8x128xi32, #tpu.memory_space<vmem>> -> memref<1x128xi32, #tpu.memory_space<vmem>>
      %dma_wait3A_145 = tpu.memref_squeeze %dma_wait3A_144 : memref<1x128xi32, #tpu.memory_space<vmem>> -> memref<128xi32, #tpu.memory_space<vmem>>
      %dma_wait3A_146 = arith.constant 0 : i32
      %dma_wait3A_147 = arith.constant 0 : i32
      %dma_wait3A_148 = tpu.memref_slice %arg2[%dma_wait3A_146, %dma_wait3A_147] : memref<10240x32xf32, #tpu.memory_space<hbm>> -> memref<10240x32xf32, #tpu.memory_space<hbm>>
      tpu.wait_indirect_dma semaphore(%arg12 : memref<!tpu.dma_semaphore, #tpu.memory_space<semaphore_mem>>) src(%dma_wait3A_148 : memref<10240x32xf32, #tpu.memory_space<hbm>>) dst(%dma_wait3A_142 : memref<128x32xf32, #tpu.memory_space<vmem>>)
      %dma_wait3A_149 = arith.constant 3 : i32
      %dma_wait3A_150 = arith.constant 3 : i32
      %dma_wait3A_151 = arith.constant 0 : i32
      %dma_wait3A_152 = arith.constant 0 : i32
      %dma_wait3A_153 = tpu.memref_slice %arg10[%dma_wait3A_150, %dma_wait3A_151, %dma_wait3A_152] : memref<8x128x32xf32, #tpu.memory_space<vmem>> -> memref<1x128x32xf32, #tpu.memory_space<vmem>>
      %dma_wait3A_154 = tpu.memref_squeeze %dma_wait3A_153 : memref<1x128x32xf32, #tpu.memory_space<vmem>> -> memref<128x32xf32, #tpu.memory_space<vmem>>
      %dma_wait3A_155 = arith.constant 0 : i32
      %dma_wait3A_156 = tpu.memref_slice %arg8[%dma_wait3A_149, %dma_wait3A_155] : memref<8x128xi32, #tpu.memory_space<vmem>> -> memref<1x128xi32, #tpu.memory_space<vmem>>
      %dma_wait3A_157 = tpu.memref_squeeze %dma_wait3A_156 : memref<1x128xi32, #tpu.memory_space<vmem>> -> memref<128xi32, #tpu.memory_space<vmem>>
      %dma_wait3A_158 = arith.constant 0 : i32
      %dma_wait3A_159 = arith.constant 0 : i32
      %dma_wait3A_160 = tpu.memref_slice %arg2[%dma_wait3A_158, %dma_wait3A_159] : memref<10240x32xf32, #tpu.memory_space<hbm>> -> memref<10240x32xf32, #tpu.memory_space<hbm>>
      tpu.wait_indirect_dma semaphore(%arg12 : memref<!tpu.dma_semaphore, #tpu.memory_space<semaphore_mem>>) src(%dma_wait3A_160 : memref<10240x32xf32, #tpu.memory_space<hbm>>) dst(%dma_wait3A_154 : memref<128x32xf32, #tpu.memory_space<vmem>>)
      %dma_wait3A_161 = arith.constant 4 : i32
      %dma_wait3A_162 = arith.constant 4 : i32
      %dma_wait3A_163 = arith.constant 0 : i32
      %dma_wait3A_164 = arith.constant 0 : i32
      %dma_wait3A_165 = tpu.memref_slice %arg10[%dma_wait3A_162, %dma_wait3A_163, %dma_wait3A_164] : memref<8x128x32xf32, #tpu.memory_space<vmem>> -> memref<1x128x32xf32, #tpu.memory_space<vmem>>
      %dma_wait3A_166 = tpu.memref_squeeze %dma_wait3A_165 : memref<1x128x32xf32, #tpu.memory_space<vmem>> -> memref<128x32xf32, #tpu.memory_space<vmem>>
      %dma_wait3A_167 = arith.constant 0 : i32
      %dma_wait3A_168 = tpu.memref_slice %arg8[%dma_wait3A_161, %dma_wait3A_167] : memref<8x128xi32, #tpu.memory_space<vmem>> -> memref<1x128xi32, #tpu.memory_space<vmem>>
      %dma_wait3A_169 = tpu.memref_squeeze %dma_wait3A_168 : memref<1x128xi32, #tpu.memory_space<vmem>> -> memref<128xi32, #tpu.memory_space<vmem>>
      %dma_wait3A_170 = arith.constant 0 : i32
      %dma_wait3A_171 = arith.constant 0 : i32
      %dma_wait3A_172 = tpu.memref_slice %arg2[%dma_wait3A_170, %dma_wait3A_171] : memref<10240x32xf32, #tpu.memory_space<hbm>> -> memref<10240x32xf32, #tpu.memory_space<hbm>>
      tpu.wait_indirect_dma semaphore(%arg12 : memref<!tpu.dma_semaphore, #tpu.memory_space<semaphore_mem>>) src(%dma_wait3A_172 : memref<10240x32xf32, #tpu.memory_space<hbm>>) dst(%dma_wait3A_166 : memref<128x32xf32, #tpu.memory_space<vmem>>)
      %dma_wait3A_173 = arith.constant 5 : i32
      %dma_wait3A_174 = arith.constant 5 : i32
      %dma_wait3A_175 = arith.constant 0 : i32
      %dma_wait3A_176 = arith.constant 0 : i32
      %dma_wait3A_177 = tpu.memref_slice %arg10[%dma_wait3A_174, %dma_wait3A_175, %dma_wait3A_176] : memref<8x128x32xf32, #tpu.memory_space<vmem>> -> memref<1x128x32xf32, #tpu.memory_space<vmem>>
      %dma_wait3A_178 = tpu.memref_squeeze %dma_wait3A_177 : memref<1x128x32xf32, #tpu.memory_space<vmem>> -> memref<128x32xf32, #tpu.memory_space<vmem>>
      %dma_wait3A_179 = arith.constant 0 : i32
      %dma_wait3A_180 = tpu.memref_slice %arg8[%dma_wait3A_173, %dma_wait3A_179] : memref<8x128xi32, #tpu.memory_space<vmem>> -> memref<1x128xi32, #tpu.memory_space<vmem>>
      %dma_wait3A_181 = tpu.memref_squeeze %dma_wait3A_180 : memref<1x128xi32, #tpu.memory_space<vmem>> -> memref<128xi32, #tpu.memory_space<vmem>>
      %dma_wait3A_182 = arith.constant 0 : i32
      %dma_wait3A_183 = arith.constant 0 : i32
      %dma_wait3A_184 = tpu.memref_slice %arg2[%dma_wait3A_182, %dma_wait3A_183] : memref<10240x32xf32, #tpu.memory_space<hbm>> -> memref<10240x32xf32, #tpu.memory_space<hbm>>
      tpu.wait_indirect_dma semaphore(%arg12 : memref<!tpu.dma_semaphore, #tpu.memory_space<semaphore_mem>>) src(%dma_wait3A_184 : memref<10240x32xf32, #tpu.memory_space<hbm>>) dst(%dma_wait3A_178 : memref<128x32xf32, #tpu.memory_space<vmem>>)
      %dma_wait3A_185 = arith.constant 6 : i32
      %dma_wait3A_186 = arith.constant 6 : i32
      %dma_wait3A_187 = arith.constant 0 : i32
      %dma_wait3A_188 = arith.constant 0 : i32
      %dma_wait3A_189 = tpu.memref_slice %arg10[%dma_wait3A_186, %dma_wait3A_187, %dma_wait3A_188] : memref<8x128x32xf32, #tpu.memory_space<vmem>> -> memref<1x128x32xf32, #tpu.memory_space<vmem>>
      %dma_wait3A_190 = tpu.memref_squeeze %dma_wait3A_189 : memref<1x128x32xf32, #tpu.memory_space<vmem>> -> memref<128x32xf32, #tpu.memory_space<vmem>>
      %dma_wait3A_191 = arith.constant 0 : i32
      %dma_wait3A_192 = tpu.memref_slice %arg8[%dma_wait3A_185, %dma_wait3A_191] : memref<8x128xi32, #tpu.memory_space<vmem>> -> memref<1x128xi32, #tpu.memory_space<vmem>>
      %dma_wait3A_193 = tpu.memref_squeeze %dma_wait3A_192 : memref<1x128xi32, #tpu.memory_space<vmem>> -> memref<128xi32, #tpu.memory_space<vmem>>
      %dma_wait3A_194 = arith.constant 0 : i32
      %dma_wait3A_195 = arith.constant 0 : i32
      %dma_wait3A_196 = tpu.memref_slice %arg2[%dma_wait3A_194, %dma_wait3A_195] : memref<10240x32xf32, #tpu.memory_space<hbm>> -> memref<10240x32xf32, #tpu.memory_space<hbm>>
      tpu.wait_indirect_dma semaphore(%arg12 : memref<!tpu.dma_semaphore, #tpu.memory_space<semaphore_mem>>) src(%dma_wait3A_196 : memref<10240x32xf32, #tpu.memory_space<hbm>>) dst(%dma_wait3A_190 : memref<128x32xf32, #tpu.memory_space<vmem>>)
      %dma_wait3A_197 = arith.constant 7 : i32
      %dma_wait3A_198 = arith.constant 7 : i32
      %dma_wait3A_199 = arith.constant 0 : i32
      %dma_wait3A_200 = arith.constant 0 : i32
      %dma_wait3A_201 = tpu.memref_slice %arg10[%dma_wait3A_198, %dma_wait3A_199, %dma_wait3A_200] : memref<8x128x32xf32, #tpu.memory_space<vmem>> -> memref<1x128x32xf32, #tpu.memory_space<vmem>>
      %dma_wait3A_202 = tpu.memref_squeeze %dma_wait3A_201 : memref<1x128x32xf32, #tpu.memory_space<vmem>> -> memref<128x32xf32, #tpu.memory_space<vmem>>
      %dma_wait3A_203 = arith.constant 0 : i32
      %dma_wait3A_204 = tpu.memref_slice %arg8[%dma_wait3A_197, %dma_wait3A_203] : memref<8x128xi32, #tpu.memory_space<vmem>> -> memref<1x128xi32, #tpu.memory_space<vmem>>
      %dma_wait3A_205 = tpu.memref_squeeze %dma_wait3A_204 : memref<1x128xi32, #tpu.memory_space<vmem>> -> memref<128xi32, #tpu.memory_space<vmem>>
      %dma_wait3A_206 = arith.constant 0 : i32
      %dma_wait3A_207 = arith.constant 0 : i32
      %dma_wait3A_208 = tpu.memref_slice %arg2[%dma_wait3A_206, %dma_wait3A_207] : memref<10240x32xf32, #tpu.memory_space<hbm>> -> memref<10240x32xf32, #tpu.memory_space<hbm>>
      tpu.wait_indirect_dma semaphore(%arg12 : memref<!tpu.dma_semaphore, #tpu.memory_space<semaphore_mem>>) src(%dma_wait3A_208 : memref<10240x32xf32, #tpu.memory_space<hbm>>) dst(%dma_wait3A_202 : memref<128x32xf32, #tpu.memory_space<vmem>>)
      %dma_start3A_209 = arith.constant 0 : i32
      %dma_start3A_210 = arith.constant 0 : i32
      %dma_start3A_211 = arith.constant 0 : i32
      %dma_start3A_212 = arith.constant 0 : i32
      %dma_start3A_213 = tpu.memref_slice %arg10[%dma_start3A_209, %dma_start3A_211, %dma_start3A_212] : memref<8x128x32xf32, #tpu.memory_space<vmem>> -> memref<1x128x32xf32, #tpu.memory_space<vmem>>
      %dma_start3A_214 = tpu.memref_squeeze %dma_start3A_213 : memref<1x128x32xf32, #tpu.memory_space<vmem>> -> memref<128x32xf32, #tpu.memory_space<vmem>>
      %dma_start3A_215 = arith.constant 0 : i32
      %dma_start3A_216 = tpu.memref_slice %arg9[%dma_start3A_210, %dma_start3A_215] : memref<8x128xi32, #tpu.memory_space<vmem>> -> memref<1x128xi32, #tpu.memory_space<vmem>>
      %dma_start3A_217 = tpu.memref_squeeze %dma_start3A_216 : memref<1x128xi32, #tpu.memory_space<vmem>> -> memref<128xi32, #tpu.memory_space<vmem>>
      %dma_start3A_218 = arith.constant 0 : i32
      %dma_start3A_219 = arith.constant 0 : i32
      %dma_start3A_220 = tpu.memref_slice %arg7[%dma_start3A_218, %dma_start3A_219] : memref<10240x32xf32, #tpu.memory_space<vmem_shared>> -> memref<10240x32xf32, #tpu.memory_space<vmem_shared>>
      tpu.enqueue_indirect_dma source(%dma_start3A_214 : memref<128x32xf32, #tpu.memory_space<vmem>>) target(%dma_start3A_220 : memref<10240x32xf32, #tpu.memory_space<vmem_shared>>) offsets(%dma_start3A_217 : memref<128xi32, #tpu.memory_space<vmem>>) semaphore(%arg13 : memref<!tpu.dma_semaphore, #tpu.memory_space<semaphore_mem>>) {add = true}
      %dma_start3A_221 = arith.constant 1 : i32
      %dma_start3A_222 = arith.constant 1 : i32
      %dma_start3A_223 = arith.constant 0 : i32
      %dma_start3A_224 = arith.constant 0 : i32
      %dma_start3A_225 = tpu.memref_slice %arg10[%dma_start3A_221, %dma_start3A_223, %dma_start3A_224] : memref<8x128x32xf32, #tpu.memory_space<vmem>> -> memref<1x128x32xf32, #tpu.memory_space<vmem>>
      %dma_start3A_226 = tpu.memref_squeeze %dma_start3A_225 : memref<1x128x32xf32, #tpu.memory_space<vmem>> -> memref<128x32xf32, #tpu.memory_space<vmem>>
      %dma_start3A_227 = arith.constant 0 : i32
      %dma_start3A_228 = tpu.memref_slice %arg9[%dma_start3A_222, %dma_start3A_227] : memref<8x128xi32, #tpu.memory_space<vmem>> -> memref<1x128xi32, #tpu.memory_space<vmem>>
      %dma_start3A_229 = tpu.memref_squeeze %dma_start3A_228 : memref<1x128xi32, #tpu.memory_space<vmem>> -> memref<128xi32, #tpu.memory_space<vmem>>
      %dma_start3A_230 = arith.constant 0 : i32
      %dma_start3A_231 = arith.constant 0 : i32
      %dma_start3A_232 = tpu.memref_slice %arg7[%dma_start3A_230, %dma_start3A_231] : memref<10240x32xf32, #tpu.memory_space<vmem_shared>> -> memref<10240x32xf32, #tpu.memory_space<vmem_shared>>
      tpu.enqueue_indirect_dma source(%dma_start3A_226 : memref<128x32xf32, #tpu.memory_space<vmem>>) target(%dma_start3A_232 : memref<10240x32xf32, #tpu.memory_space<vmem_shared>>) offsets(%dma_start3A_229 : memref<128xi32, #tpu.memory_space<vmem>>) semaphore(%arg13 : memref<!tpu.dma_semaphore, #tpu.memory_space<semaphore_mem>>) {add = true}
      %dma_start3A_233 = arith.constant 2 : i32
      %dma_start3A_234 = arith.constant 2 : i32
      %dma_start3A_235 = arith.constant 0 : i32
      %dma_start3A_236 = arith.constant 0 : i32
      %dma_start3A_237 = tpu.memref_slice %arg10[%dma_start3A_233, %dma_start3A_235, %dma_start3A_236] : memref<8x128x32xf32, #tpu.memory_space<vmem>> -> memref<1x128x32xf32, #tpu.memory_space<vmem>>
      %dma_start3A_238 = tpu.memref_squeeze %dma_start3A_237 : memref<1x128x32xf32, #tpu.memory_space<vmem>> -> memref<128x32xf32, #tpu.memory_space<vmem>>
      %dma_start3A_239 = arith.constant 0 : i32
      %dma_start3A_240 = tpu.memref_slice %arg9[%dma_start3A_234, %dma_start3A_239] : memref<8x128xi32, #tpu.memory_space<vmem>> -> memref<1x128xi32, #tpu.memory_space<vmem>>
      %dma_start3A_241 = tpu.memref_squeeze %dma_start3A_240 : memref<1x128xi32, #tpu.memory_space<vmem>> -> memref<128xi32, #tpu.memory_space<vmem>>
      %dma_start3A_242 = arith.constant 0 : i32
      %dma_start3A_243 = arith.constant 0 : i32
      %dma_start3A_244 = tpu.memref_slice %arg7[%dma_start3A_242, %dma_start3A_243] : memref<10240x32xf32, #tpu.memory_space<vmem_shared>> -> memref<10240x32xf32, #tpu.memory_space<vmem_shared>>
      tpu.enqueue_indirect_dma source(%dma_start3A_238 : memref<128x32xf32, #tpu.memory_space<vmem>>) target(%dma_start3A_244 : memref<10240x32xf32, #tpu.memory_space<vmem_shared>>) offsets(%dma_start3A_241 : memref<128xi32, #tpu.memory_space<vmem>>) semaphore(%arg13 : memref<!tpu.dma_semaphore, #tpu.memory_space<semaphore_mem>>) {add = true}
      %dma_start3A_245 = arith.constant 3 : i32
      %dma_start3A_246 = arith.constant 3 : i32
      %dma_start3A_247 = arith.constant 0 : i32
      %dma_start3A_248 = arith.constant 0 : i32
      %dma_start3A_249 = tpu.memref_slice %arg10[%dma_start3A_245, %dma_start3A_247, %dma_start3A_248] : memref<8x128x32xf32, #tpu.memory_space<vmem>> -> memref<1x128x32xf32, #tpu.memory_space<vmem>>
      %dma_start3A_250 = tpu.memref_squeeze %dma_start3A_249 : memref<1x128x32xf32, #tpu.memory_space<vmem>> -> memref<128x32xf32, #tpu.memory_space<vmem>>
      %dma_start3A_251 = arith.constant 0 : i32
      %dma_start3A_252 = tpu.memref_slice %arg9[%dma_start3A_246, %dma_start3A_251] : memref<8x128xi32, #tpu.memory_space<vmem>> -> memref<1x128xi32, #tpu.memory_space<vmem>>
      %dma_start3A_253 = tpu.memref_squeeze %dma_start3A_252 : memref<1x128xi32, #tpu.memory_space<vmem>> -> memref<128xi32, #tpu.memory_space<vmem>>
      %dma_start3A_254 = arith.constant 0 : i32
      %dma_start3A_255 = arith.constant 0 : i32
      %dma_start3A_256 = tpu.memref_slice %arg7[%dma_start3A_254, %dma_start3A_255] : memref<10240x32xf32, #tpu.memory_space<vmem_shared>> -> memref<10240x32xf32, #tpu.memory_space<vmem_shared>>
      tpu.enqueue_indirect_dma source(%dma_start3A_250 : memref<128x32xf32, #tpu.memory_space<vmem>>) target(%dma_start3A_256 : memref<10240x32xf32, #tpu.memory_space<vmem_shared>>) offsets(%dma_start3A_253 : memref<128xi32, #tpu.memory_space<vmem>>) semaphore(%arg13 : memref<!tpu.dma_semaphore, #tpu.memory_space<semaphore_mem>>) {add = true}
      %dma_start3A_257 = arith.constant 4 : i32
      %dma_start3A_258 = arith.constant 4 : i32
      %dma_start3A_259 = arith.constant 0 : i32
      %dma_start3A_260 = arith.constant 0 : i32
      %dma_start3A_261 = tpu.memref_slice %arg10[%dma_start3A_257, %dma_start3A_259, %dma_start3A_260] : memref<8x128x32xf32, #tpu.memory_space<vmem>> -> memref<1x128x32xf32, #tpu.memory_space<vmem>>
      %dma_start3A_262 = tpu.memref_squeeze %dma_start3A_261 : memref<1x128x32xf32, #tpu.memory_space<vmem>> -> memref<128x32xf32, #tpu.memory_space<vmem>>
      %dma_start3A_263 = arith.constant 0 : i32
      %dma_start3A_264 = tpu.memref_slice %arg9[%dma_start3A_258, %dma_start3A_263] : memref<8x128xi32, #tpu.memory_space<vmem>> -> memref<1x128xi32, #tpu.memory_space<vmem>>
      %dma_start3A_265 = tpu.memref_squeeze %dma_start3A_264 : memref<1x128xi32, #tpu.memory_space<vmem>> -> memref<128xi32, #tpu.memory_space<vmem>>
      %dma_start3A_266 = arith.constant 0 : i32
      %dma_start3A_267 = arith.constant 0 : i32
      %dma_start3A_268 = tpu.memref_slice %arg7[%dma_start3A_266, %dma_start3A_267] : memref<10240x32xf32, #tpu.memory_space<vmem_shared>> -> memref<10240x32xf32, #tpu.memory_space<vmem_shared>>
      tpu.enqueue_indirect_dma source(%dma_start3A_262 : memref<128x32xf32, #tpu.memory_space<vmem>>) target(%dma_start3A_268 : memref<10240x32xf32, #tpu.memory_space<vmem_shared>>) offsets(%dma_start3A_265 : memref<128xi32, #tpu.memory_space<vmem>>) semaphore(%arg13 : memref<!tpu.dma_semaphore, #tpu.memory_space<semaphore_mem>>) {add = true}
      %dma_start3A_269 = arith.constant 5 : i32
      %dma_start3A_270 = arith.constant 5 : i32
      %dma_start3A_271 = arith.constant 0 : i32
      %dma_start3A_272 = arith.constant 0 : i32
      %dma_start3A_273 = tpu.memref_slice %arg10[%dma_start3A_269, %dma_start3A_271, %dma_start3A_272] : memref<8x128x32xf32, #tpu.memory_space<vmem>> -> memref<1x128x32xf32, #tpu.memory_space<vmem>>
      %dma_start3A_274 = tpu.memref_squeeze %dma_start3A_273 : memref<1x128x32xf32, #tpu.memory_space<vmem>> -> memref<128x32xf32, #tpu.memory_space<vmem>>
      %dma_start3A_275 = arith.constant 0 : i32
      %dma_start3A_276 = tpu.memref_slice %arg9[%dma_start3A_270, %dma_start3A_275] : memref<8x128xi32, #tpu.memory_space<vmem>> -> memref<1x128xi32, #tpu.memory_space<vmem>>
      %dma_start3A_277 = tpu.memref_squeeze %dma_start3A_276 : memref<1x128xi32, #tpu.memory_space<vmem>> -> memref<128xi32, #tpu.memory_space<vmem>>
      %dma_start3A_278 = arith.constant 0 : i32
      %dma_start3A_279 = arith.constant 0 : i32
      %dma_start3A_280 = tpu.memref_slice %arg7[%dma_start3A_278, %dma_start3A_279] : memref<10240x32xf32, #tpu.memory_space<vmem_shared>> -> memref<10240x32xf32, #tpu.memory_space<vmem_shared>>
      tpu.enqueue_indirect_dma source(%dma_start3A_274 : memref<128x32xf32, #tpu.memory_space<vmem>>) target(%dma_start3A_280 : memref<10240x32xf32, #tpu.memory_space<vmem_shared>>) offsets(%dma_start3A_277 : memref<128xi32, #tpu.memory_space<vmem>>) semaphore(%arg13 : memref<!tpu.dma_semaphore, #tpu.memory_space<semaphore_mem>>) {add = true}
      %dma_start3A_281 = arith.constant 6 : i32
      %dma_start3A_282 = arith.constant 6 : i32
      %dma_start3A_283 = arith.constant 0 : i32
      %dma_start3A_284 = arith.constant 0 : i32
      %dma_start3A_285 = tpu.memref_slice %arg10[%dma_start3A_281, %dma_start3A_283, %dma_start3A_284] : memref<8x128x32xf32, #tpu.memory_space<vmem>> -> memref<1x128x32xf32, #tpu.memory_space<vmem>>
      %dma_start3A_286 = tpu.memref_squeeze %dma_start3A_285 : memref<1x128x32xf32, #tpu.memory_space<vmem>> -> memref<128x32xf32, #tpu.memory_space<vmem>>
      %dma_start3A_287 = arith.constant 0 : i32
      %dma_start3A_288 = tpu.memref_slice %arg9[%dma_start3A_282, %dma_start3A_287] : memref<8x128xi32, #tpu.memory_space<vmem>> -> memref<1x128xi32, #tpu.memory_space<vmem>>
      %dma_start3A_289 = tpu.memref_squeeze %dma_start3A_288 : memref<1x128xi32, #tpu.memory_space<vmem>> -> memref<128xi32, #tpu.memory_space<vmem>>
      %dma_start3A_290 = arith.constant 0 : i32
      %dma_start3A_291 = arith.constant 0 : i32
      %dma_start3A_292 = tpu.memref_slice %arg7[%dma_start3A_290, %dma_start3A_291] : memref<10240x32xf32, #tpu.memory_space<vmem_shared>> -> memref<10240x32xf32, #tpu.memory_space<vmem_shared>>
      tpu.enqueue_indirect_dma source(%dma_start3A_286 : memref<128x32xf32, #tpu.memory_space<vmem>>) target(%dma_start3A_292 : memref<10240x32xf32, #tpu.memory_space<vmem_shared>>) offsets(%dma_start3A_289 : memref<128xi32, #tpu.memory_space<vmem>>) semaphore(%arg13 : memref<!tpu.dma_semaphore, #tpu.memory_space<semaphore_mem>>) {add = true}
      %dma_start3A_293 = arith.constant 7 : i32
      %dma_start3A_294 = arith.constant 7 : i32
      %dma_start3A_295 = arith.constant 0 : i32
      %dma_start3A_296 = arith.constant 0 : i32
      %dma_start3A_297 = tpu.memref_slice %arg10[%dma_start3A_293, %dma_start3A_295, %dma_start3A_296] : memref<8x128x32xf32, #tpu.memory_space<vmem>> -> memref<1x128x32xf32, #tpu.memory_space<vmem>>
      %dma_start3A_298 = tpu.memref_squeeze %dma_start3A_297 : memref<1x128x32xf32, #tpu.memory_space<vmem>> -> memref<128x32xf32, #tpu.memory_space<vmem>>
      %dma_start3A_299 = arith.constant 0 : i32
      %dma_start3A_300 = tpu.memref_slice %arg9[%dma_start3A_294, %dma_start3A_299] : memref<8x128xi32, #tpu.memory_space<vmem>> -> memref<1x128xi32, #tpu.memory_space<vmem>>
      %dma_start3A_301 = tpu.memref_squeeze %dma_start3A_300 : memref<1x128xi32, #tpu.memory_space<vmem>> -> memref<128xi32, #tpu.memory_space<vmem>>
      %dma_start3A_302 = arith.constant 0 : i32
      %dma_start3A_303 = arith.constant 0 : i32
      %dma_start3A_304 = tpu.memref_slice %arg7[%dma_start3A_302, %dma_start3A_303] : memref<10240x32xf32, #tpu.memory_space<vmem_shared>> -> memref<10240x32xf32, #tpu.memory_space<vmem_shared>>
      tpu.enqueue_indirect_dma source(%dma_start3A_298 : memref<128x32xf32, #tpu.memory_space<vmem>>) target(%dma_start3A_304 : memref<10240x32xf32, #tpu.memory_space<vmem_shared>>) offsets(%dma_start3A_301 : memref<128xi32, #tpu.memory_space<vmem>>) semaphore(%arg13 : memref<!tpu.dma_semaphore, #tpu.memory_space<semaphore_mem>>) {add = true}
      %dma_wait3A_305 = arith.constant 0 : i32
      %dma_wait3A_306 = arith.constant 0 : i32
      %dma_wait3A_307 = arith.constant 0 : i32
      %dma_wait3A_308 = arith.constant 0 : i32
      %dma_wait3A_309 = tpu.memref_slice %arg10[%dma_wait3A_305, %dma_wait3A_307, %dma_wait3A_308] : memref<8x128x32xf32, #tpu.memory_space<vmem>> -> memref<1x128x32xf32, #tpu.memory_space<vmem>>
      %dma_wait3A_310 = tpu.memref_squeeze %dma_wait3A_309 : memref<1x128x32xf32, #tpu.memory_space<vmem>> -> memref<128x32xf32, #tpu.memory_space<vmem>>
      %dma_wait3A_311 = arith.constant 0 : i32
      %dma_wait3A_312 = tpu.memref_slice %arg9[%dma_wait3A_306, %dma_wait3A_311] : memref<8x128xi32, #tpu.memory_space<vmem>> -> memref<1x128xi32, #tpu.memory_space<vmem>>
      %dma_wait3A_313 = tpu.memref_squeeze %dma_wait3A_312 : memref<1x128xi32, #tpu.memory_space<vmem>> -> memref<128xi32, #tpu.memory_space<vmem>>
      %dma_wait3A_314 = arith.constant 0 : i32
      %dma_wait3A_315 = arith.constant 0 : i32
      %dma_wait3A_316 = tpu.memref_slice %arg7[%dma_wait3A_314, %dma_wait3A_315] : memref<10240x32xf32, #tpu.memory_space<vmem_shared>> -> memref<10240x32xf32, #tpu.memory_space<vmem_shared>>
      tpu.wait_indirect_dma semaphore(%arg13 : memref<!tpu.dma_semaphore, #tpu.memory_space<semaphore_mem>>) src(%dma_wait3A_310 : memref<128x32xf32, #tpu.memory_space<vmem>>) dst(%dma_wait3A_316 : memref<10240x32xf32, #tpu.memory_space<vmem_shared>>)
      %dma_wait3A_317 = arith.constant 1 : i32
      %dma_wait3A_318 = arith.constant 1 : i32
      %dma_wait3A_319 = arith.constant 0 : i32
      %dma_wait3A_320 = arith.constant 0 : i32
      %dma_wait3A_321 = tpu.memref_slice %arg10[%dma_wait3A_317, %dma_wait3A_319, %dma_wait3A_320] : memref<8x128x32xf32, #tpu.memory_space<vmem>> -> memref<1x128x32xf32, #tpu.memory_space<vmem>>
      %dma_wait3A_322 = tpu.memref_squeeze %dma_wait3A_321 : memref<1x128x32xf32, #tpu.memory_space<vmem>> -> memref<128x32xf32, #tpu.memory_space<vmem>>
      %dma_wait3A_323 = arith.constant 0 : i32
      %dma_wait3A_324 = tpu.memref_slice %arg9[%dma_wait3A_318, %dma_wait3A_323] : memref<8x128xi32, #tpu.memory_space<vmem>> -> memref<1x128xi32, #tpu.memory_space<vmem>>
      %dma_wait3A_325 = tpu.memref_squeeze %dma_wait3A_324 : memref<1x128xi32, #tpu.memory_space<vmem>> -> memref<128xi32, #tpu.memory_space<vmem>>
      %dma_wait3A_326 = arith.constant 0 : i32
      %dma_wait3A_327 = arith.constant 0 : i32
      %dma_wait3A_328 = tpu.memref_slice %arg7[%dma_wait3A_326, %dma_wait3A_327] : memref<10240x32xf32, #tpu.memory_space<vmem_shared>> -> memref<10240x32xf32, #tpu.memory_space<vmem_shared>>
      tpu.wait_indirect_dma semaphore(%arg13 : memref<!tpu.dma_semaphore, #tpu.memory_space<semaphore_mem>>) src(%dma_wait3A_322 : memref<128x32xf32, #tpu.memory_space<vmem>>) dst(%dma_wait3A_328 : memref<10240x32xf32, #tpu.memory_space<vmem_shared>>)
      %dma_wait3A_329 = arith.constant 2 : i32
      %dma_wait3A_330 = arith.constant 2 : i32
      %dma_wait3A_331 = arith.constant 0 : i32
      %dma_wait3A_332 = arith.constant 0 : i32
      %dma_wait3A_333 = tpu.memref_slice %arg10[%dma_wait3A_329, %dma_wait3A_331, %dma_wait3A_332] : memref<8x128x32xf32, #tpu.memory_space<vmem>> -> memref<1x128x32xf32, #tpu.memory_space<vmem>>
      %dma_wait3A_334 = tpu.memref_squeeze %dma_wait3A_333 : memref<1x128x32xf32, #tpu.memory_space<vmem>> -> memref<128x32xf32, #tpu.memory_space<vmem>>
      %dma_wait3A_335 = arith.constant 0 : i32
      %dma_wait3A_336 = tpu.memref_slice %arg9[%dma_wait3A_330, %dma_wait3A_335] : memref<8x128xi32, #tpu.memory_space<vmem>> -> memref<1x128xi32, #tpu.memory_space<vmem>>
      %dma_wait3A_337 = tpu.memref_squeeze %dma_wait3A_336 : memref<1x128xi32, #tpu.memory_space<vmem>> -> memref<128xi32, #tpu.memory_space<vmem>>
      %dma_wait3A_338 = arith.constant 0 : i32
      %dma_wait3A_339 = arith.constant 0 : i32
      %dma_wait3A_340 = tpu.memref_slice %arg7[%dma_wait3A_338, %dma_wait3A_339] : memref<10240x32xf32, #tpu.memory_space<vmem_shared>> -> memref<10240x32xf32, #tpu.memory_space<vmem_shared>>
      tpu.wait_indirect_dma semaphore(%arg13 : memref<!tpu.dma_semaphore, #tpu.memory_space<semaphore_mem>>) src(%dma_wait3A_334 : memref<128x32xf32, #tpu.memory_space<vmem>>) dst(%dma_wait3A_340 : memref<10240x32xf32, #tpu.memory_space<vmem_shared>>)
      %dma_wait3A_341 = arith.constant 3 : i32
      %dma_wait3A_342 = arith.constant 3 : i32
      %dma_wait3A_343 = arith.constant 0 : i32
      %dma_wait3A_344 = arith.constant 0 : i32
      %dma_wait3A_345 = tpu.memref_slice %arg10[%dma_wait3A_341, %dma_wait3A_343, %dma_wait3A_344] : memref<8x128x32xf32, #tpu.memory_space<vmem>> -> memref<1x128x32xf32, #tpu.memory_space<vmem>>
      %dma_wait3A_346 = tpu.memref_squeeze %dma_wait3A_345 : memref<1x128x32xf32, #tpu.memory_space<vmem>> -> memref<128x32xf32, #tpu.memory_space<vmem>>
      %dma_wait3A_347 = arith.constant 0 : i32
      %dma_wait3A_348 = tpu.memref_slice %arg9[%dma_wait3A_342, %dma_wait3A_347] : memref<8x128xi32, #tpu.memory_space<vmem>> -> memref<1x128xi32, #tpu.memory_space<vmem>>
      %dma_wait3A_349 = tpu.memref_squeeze %dma_wait3A_348 : memref<1x128xi32, #tpu.memory_space<vmem>> -> memref<128xi32, #tpu.memory_space<vmem>>
      %dma_wait3A_350 = arith.constant 0 : i32
      %dma_wait3A_351 = arith.constant 0 : i32
      %dma_wait3A_352 = tpu.memref_slice %arg7[%dma_wait3A_350, %dma_wait3A_351] : memref<10240x32xf32, #tpu.memory_space<vmem_shared>> -> memref<10240x32xf32, #tpu.memory_space<vmem_shared>>
      tpu.wait_indirect_dma semaphore(%arg13 : memref<!tpu.dma_semaphore, #tpu.memory_space<semaphore_mem>>) src(%dma_wait3A_346 : memref<128x32xf32, #tpu.memory_space<vmem>>) dst(%dma_wait3A_352 : memref<10240x32xf32, #tpu.memory_space<vmem_shared>>)
      %dma_wait3A_353 = arith.constant 4 : i32
      %dma_wait3A_354 = arith.constant 4 : i32
      %dma_wait3A_355 = arith.constant 0 : i32
      %dma_wait3A_356 = arith.constant 0 : i32
      %dma_wait3A_357 = tpu.memref_slice %arg10[%dma_wait3A_353, %dma_wait3A_355, %dma_wait3A_356] : memref<8x128x32xf32, #tpu.memory_space<vmem>> -> memref<1x128x32xf32, #tpu.memory_space<vmem>>
      %dma_wait3A_358 = tpu.memref_squeeze %dma_wait3A_357 : memref<1x128x32xf32, #tpu.memory_space<vmem>> -> memref<128x32xf32, #tpu.memory_space<vmem>>
      %dma_wait3A_359 = arith.constant 0 : i32
      %dma_wait3A_360 = tpu.memref_slice %arg9[%dma_wait3A_354, %dma_wait3A_359] : memref<8x128xi32, #tpu.memory_space<vmem>> -> memref<1x128xi32, #tpu.memory_space<vmem>>
      %dma_wait3A_361 = tpu.memref_squeeze %dma_wait3A_360 : memref<1x128xi32, #tpu.memory_space<vmem>> -> memref<128xi32, #tpu.memory_space<vmem>>
      %dma_wait3A_362 = arith.constant 0 : i32
      %dma_wait3A_363 = arith.constant 0 : i32
      %dma_wait3A_364 = tpu.memref_slice %arg7[%dma_wait3A_362, %dma_wait3A_363] : memref<10240x32xf32, #tpu.memory_space<vmem_shared>> -> memref<10240x32xf32, #tpu.memory_space<vmem_shared>>
      tpu.wait_indirect_dma semaphore(%arg13 : memref<!tpu.dma_semaphore, #tpu.memory_space<semaphore_mem>>) src(%dma_wait3A_358 : memref<128x32xf32, #tpu.memory_space<vmem>>) dst(%dma_wait3A_364 : memref<10240x32xf32, #tpu.memory_space<vmem_shared>>)
      %dma_wait3A_365 = arith.constant 5 : i32
      %dma_wait3A_366 = arith.constant 5 : i32
      %dma_wait3A_367 = arith.constant 0 : i32
      %dma_wait3A_368 = arith.constant 0 : i32
      %dma_wait3A_369 = tpu.memref_slice %arg10[%dma_wait3A_365, %dma_wait3A_367, %dma_wait3A_368] : memref<8x128x32xf32, #tpu.memory_space<vmem>> -> memref<1x128x32xf32, #tpu.memory_space<vmem>>
      %dma_wait3A_370 = tpu.memref_squeeze %dma_wait3A_369 : memref<1x128x32xf32, #tpu.memory_space<vmem>> -> memref<128x32xf32, #tpu.memory_space<vmem>>
      %dma_wait3A_371 = arith.constant 0 : i32
      %dma_wait3A_372 = tpu.memref_slice %arg9[%dma_wait3A_366, %dma_wait3A_371] : memref<8x128xi32, #tpu.memory_space<vmem>> -> memref<1x128xi32, #tpu.memory_space<vmem>>
      %dma_wait3A_373 = tpu.memref_squeeze %dma_wait3A_372 : memref<1x128xi32, #tpu.memory_space<vmem>> -> memref<128xi32, #tpu.memory_space<vmem>>
      %dma_wait3A_374 = arith.constant 0 : i32
      %dma_wait3A_375 = arith.constant 0 : i32
      %dma_wait3A_376 = tpu.memref_slice %arg7[%dma_wait3A_374, %dma_wait3A_375] : memref<10240x32xf32, #tpu.memory_space<vmem_shared>> -> memref<10240x32xf32, #tpu.memory_space<vmem_shared>>
      tpu.wait_indirect_dma semaphore(%arg13 : memref<!tpu.dma_semaphore, #tpu.memory_space<semaphore_mem>>) src(%dma_wait3A_370 : memref<128x32xf32, #tpu.memory_space<vmem>>) dst(%dma_wait3A_376 : memref<10240x32xf32, #tpu.memory_space<vmem_shared>>)
      %dma_wait3A_377 = arith.constant 6 : i32
      %dma_wait3A_378 = arith.constant 6 : i32
      %dma_wait3A_379 = arith.constant 0 : i32
      %dma_wait3A_380 = arith.constant 0 : i32
      %dma_wait3A_381 = tpu.memref_slice %arg10[%dma_wait3A_377, %dma_wait3A_379, %dma_wait3A_380] : memref<8x128x32xf32, #tpu.memory_space<vmem>> -> memref<1x128x32xf32, #tpu.memory_space<vmem>>
      %dma_wait3A_382 = tpu.memref_squeeze %dma_wait3A_381 : memref<1x128x32xf32, #tpu.memory_space<vmem>> -> memref<128x32xf32, #tpu.memory_space<vmem>>
      %dma_wait3A_383 = arith.constant 0 : i32
      %dma_wait3A_384 = tpu.memref_slice %arg9[%dma_wait3A_378, %dma_wait3A_383] : memref<8x128xi32, #tpu.memory_space<vmem>> -> memref<1x128xi32, #tpu.memory_space<vmem>>
      %dma_wait3A_385 = tpu.memref_squeeze %dma_wait3A_384 : memref<1x128xi32, #tpu.memory_space<vmem>> -> memref<128xi32, #tpu.memory_space<vmem>>
      %dma_wait3A_386 = arith.constant 0 : i32
      %dma_wait3A_387 = arith.constant 0 : i32
      %dma_wait3A_388 = tpu.memref_slice %arg7[%dma_wait3A_386, %dma_wait3A_387] : memref<10240x32xf32, #tpu.memory_space<vmem_shared>> -> memref<10240x32xf32, #tpu.memory_space<vmem_shared>>
      tpu.wait_indirect_dma semaphore(%arg13 : memref<!tpu.dma_semaphore, #tpu.memory_space<semaphore_mem>>) src(%dma_wait3A_382 : memref<128x32xf32, #tpu.memory_space<vmem>>) dst(%dma_wait3A_388 : memref<10240x32xf32, #tpu.memory_space<vmem_shared>>)
      %dma_wait3A_389 = arith.constant 7 : i32
      %dma_wait3A_390 = arith.constant 7 : i32
      %dma_wait3A_391 = arith.constant 0 : i32
      %dma_wait3A_392 = arith.constant 0 : i32
      %dma_wait3A_393 = tpu.memref_slice %arg10[%dma_wait3A_389, %dma_wait3A_391, %dma_wait3A_392] : memref<8x128x32xf32, #tpu.memory_space<vmem>> -> memref<1x128x32xf32, #tpu.memory_space<vmem>>
      %dma_wait3A_394 = tpu.memref_squeeze %dma_wait3A_393 : memref<1x128x32xf32, #tpu.memory_space<vmem>> -> memref<128x32xf32, #tpu.memory_space<vmem>>
      %dma_wait3A_395 = arith.constant 0 : i32
      %dma_wait3A_396 = tpu.memref_slice %arg9[%dma_wait3A_390, %dma_wait3A_395] : memref<8x128xi32, #tpu.memory_space<vmem>> -> memref<1x128xi32, #tpu.memory_space<vmem>>
      %dma_wait3A_397 = tpu.memref_squeeze %dma_wait3A_396 : memref<1x128xi32, #tpu.memory_space<vmem>> -> memref<128xi32, #tpu.memory_space<vmem>>
      %dma_wait3A_398 = arith.constant 0 : i32
      %dma_wait3A_399 = arith.constant 0 : i32
      %dma_wait3A_400 = tpu.memref_slice %arg7[%dma_wait3A_398, %dma_wait3A_399] : memref<10240x32xf32, #tpu.memory_space<vmem_shared>> -> memref<10240x32xf32, #tpu.memory_space<vmem_shared>>
      tpu.wait_indirect_dma semaphore(%arg13 : memref<!tpu.dma_semaphore, #tpu.memory_space<semaphore_mem>>) src(%dma_wait3A_394 : memref<128x32xf32, #tpu.memory_space<vmem>>) dst(%dma_wait3A_400 : memref<10240x32xf32, #tpu.memory_space<vmem_shared>>)
    }
    %scan3A_7 = arith.constant 5 : i32
    %barrier3A_8 = arith.constant 0 : index
    tpu.barrier barrier_id(%barrier3A_8)
    %mul3A_9 = arith.constant 640 : i32
    %mul3A_10 = arith.muli %arg1, %mul3A_9 : i32
    "tpu.region"() ({
      %run_scoped3A = tpu.sem_alloc : memref<!tpu.dma_semaphore, #tpu.memory_space<semaphore_mem>>
      %dma_start3A = arith.constant 0 : i32
      %dma_start3A_13 = tpu.memref_slice %arg7[%mul3A_10, %dma_start3A] : memref<10240x32xf32, #tpu.memory_space<vmem_shared>> -> memref<640x32xf32, #tpu.memory_space<vmem_shared>>
      %dma_start3A_14 = arith.constant 0 : i32
      %dma_start3A_15 = tpu.memref_slice %arg7[%mul3A_10, %dma_start3A_14] : memref<10240x32xf32, #tpu.memory_space<vmem_shared>> -> memref<640x32xf32, #tpu.memory_space<vmem_shared>>
      tpu.enqueue_dma source(%dma_start3A_15 : memref<640x32xf32, #tpu.memory_space<vmem_shared>>) target(%arg11 : memref<640x32xf32, #tpu.memory_space<vmem>>) target_semaphore(%run_scoped3A : memref<!tpu.dma_semaphore, #tpu.memory_space<semaphore_mem>>)
      %dma_wait3A = arith.constant 0 : i32
      %dma_wait3A_16 = tpu.memref_slice %arg7[%mul3A_10, %dma_wait3A] : memref<10240x32xf32, #tpu.memory_space<vmem_shared>> -> memref<640x32xf32, #tpu.memory_space<vmem_shared>>
      %dma_wait3A_17 = arith.constant 0 : i32
      %dma_wait3A_18 = tpu.memref_slice %arg7[%mul3A_10, %dma_wait3A_17] : memref<10240x32xf32, #tpu.memory_space<vmem_shared>> -> memref<640x32xf32, #tpu.memory_space<vmem_shared>>
      tpu.wait_dma2 semaphore(%run_scoped3A : memref<!tpu.dma_semaphore, #tpu.memory_space<semaphore_mem>>) src(%dma_wait3A_18 : memref<640x32xf32, #tpu.memory_space<vmem_shared>>) dst(%arg11 : memref<640x32xf32, #tpu.memory_space<vmem>>)
      tpu.yield
    }) : () -> ()
    %mul3A_11 = arith.constant 640 : i32
    %mul3A_12 = arith.muli %arg1, %mul3A_11 : i32
    "tpu.region"() ({
      %run_scoped3A = tpu.sem_alloc : memref<!tpu.dma_semaphore, #tpu.memory_space<semaphore_mem>>
      %dma_start3A = arith.constant 0 : i32
      %dma_start3A_13 = tpu.memref_slice %arg6[%arg0, %mul3A_12, %dma_start3A] : memref<2x10240x32xf32, #tpu.memory_space<hbm>> -> memref<1x640x32xf32, #tpu.memory_space<hbm>>
      %dma_start3A_14 = tpu.memref_squeeze %dma_start3A_13 : memref<1x640x32xf32, #tpu.memory_space<hbm>> -> memref<640x32xf32, #tpu.memory_space<hbm>>
      %dma_start3A_15 = arith.constant 0 : i32
      %dma_start3A_16 = tpu.memref_slice %arg6[%arg0, %mul3A_12, %dma_start3A_15] : memref<2x10240x32xf32, #tpu.memory_space<hbm>> -> memref<1x640x32xf32, #tpu.memory_space<hbm>>
      %dma_start3A_17 = tpu.memref_squeeze %dma_start3A_16 : memref<1x640x32xf32, #tpu.memory_space<hbm>> -> memref<640x32xf32, #tpu.memory_space<hbm>>
      tpu.enqueue_dma source(%arg11 : memref<640x32xf32, #tpu.memory_space<vmem>>) target(%dma_start3A_17 : memref<640x32xf32, #tpu.memory_space<hbm>>) target_semaphore(%run_scoped3A : memref<!tpu.dma_semaphore, #tpu.memory_space<semaphore_mem>>)
      %dma_wait3A = arith.constant 0 : i32
      %dma_wait3A_18 = tpu.memref_slice %arg6[%arg0, %mul3A_12, %dma_wait3A] : memref<2x10240x32xf32, #tpu.memory_space<hbm>> -> memref<1x640x32xf32, #tpu.memory_space<hbm>>
      %dma_wait3A_19 = tpu.memref_squeeze %dma_wait3A_18 : memref<1x640x32xf32, #tpu.memory_space<hbm>> -> memref<640x32xf32, #tpu.memory_space<hbm>>
      %dma_wait3A_20 = arith.constant 0 : i32
      %dma_wait3A_21 = tpu.memref_slice %arg6[%arg0, %mul3A_12, %dma_wait3A_20] : memref<2x10240x32xf32, #tpu.memory_space<hbm>> -> memref<1x640x32xf32, #tpu.memory_space<hbm>>
      %dma_wait3A_22 = tpu.memref_squeeze %dma_wait3A_21 : memref<1x640x32xf32, #tpu.memory_space<hbm>> -> memref<640x32xf32, #tpu.memory_space<hbm>>
      tpu.wait_dma2 semaphore(%run_scoped3A : memref<!tpu.dma_semaphore, #tpu.memory_space<semaphore_mem>>) src(%arg11 : memref<640x32xf32, #tpu.memory_space<vmem>>) dst(%dma_wait3A_22 : memref<640x32xf32, #tpu.memory_space<hbm>>)
      tpu.yield
    }) : () -> ()
    return
  }
}

module attributes {stable_mosaic.version = 14 : i64} {
  func.func @_tca_body(%arg0: i32, %arg1: memref<32x2x1280xf32, #tpu.memory_space<vmem>>, %arg2: memref<1280x128xf32, #tpu.memory_space<vmem>>, %arg3: memref<128x32xf32, #tpu.memory_space<vmem>>, %arg4: memref<1280x32xf32, #tpu.memory_space<vmem>>, %arg5: memref<2x1280xf32, #tpu.memory_space<vmem>>) attributes {dimension_semantics = [#tpu.dimension_semantics<arbitrary>], iteration_bounds = array<i64: 8>, scalar_prefetch = 0 : i64, scratch_operands = 0 : i64, tpu.core_type = #tpu.core_type<tc>, window_params = [{transform_indices = @transform_0, window_bounds = array<i64: 32, 2, 1280>}, {transform_indices = @transform_1, window_bounds = array<i64: 1280, 128>}, {pipeline_mode = #tpu.pipeline_mode<synchronous>, transform_indices = @transform_2, window_bounds = array<i64: 128, 32>}, {transform_indices = @transform_3, window_bounds = array<i64: 1280, 32>}, {transform_indices = @transform_4, window_bounds = array<i64: 2, 1280>}]} {
    %get3A = arith.constant 0 : index
    %get3A_0 = arith.constant 0 : index
    %get3A_1 = arith.constant 0 : index
    %get3A_2 = vector.load %arg1[%get3A, %get3A_0, %get3A_1] : memref<32x2x1280xf32, #tpu.memory_space<vmem>>, vector<32x2x1280xf32>
    %reduce_sum3A = arith.constant dense<0.000000e+00> : vector<2x1280xf32>
    %reduce_sum3A_3 = vector.multi_reduction <add>, %get3A_2, %reduce_sum3A [0] : vector<32x2x1280xf32> to vector<2x1280xf32>
    %slice3A = vector.extract_strided_slice %reduce_sum3A_3 {offsets = [0, 0], sizes = [1, 1280], strides = [1, 1]} : vector<2x1280xf32> to vector<1x1280xf32>
    %squeeze3A = vector.shape_cast %slice3A : vector<1x1280xf32> to vector<1280xf32>
    %max3A = arith.constant 1.000000e+00 : f32
    %max3A_4 = vector.broadcast %max3A : f32 to vector<1280xf32>
    %max3A_5 = arith.maximumf %squeeze3A, %max3A_4 : vector<1280xf32>
    %rsqrt3A = math.rsqrt %max3A_5 : vector<1280xf32>
    %slice3A_6 = vector.extract_strided_slice %reduce_sum3A_3 {offsets = [1, 0], sizes = [1, 1280], strides = [1, 1]} : vector<2x1280xf32> to vector<1x1280xf32>
    %squeeze3A_7 = vector.shape_cast %slice3A_6 : vector<1x1280xf32> to vector<1280xf32>
    %max3A_8 = arith.constant 1.000000e+00 : f32
    %max3A_9 = vector.broadcast %max3A_8 : f32 to vector<1280xf32>
    %max3A_10 = arith.maximumf %squeeze3A_7, %max3A_9 : vector<1280xf32>
    %rsqrt3A_11 = math.rsqrt %max3A_10 : vector<1280xf32>
    %get3A_12 = arith.constant 0 : index
    %get3A_13 = arith.constant 0 : index
    %get3A_14 = vector.load %arg2[%get3A_12, %get3A_13] : memref<1280x128xf32, #tpu.memory_space<vmem>>, vector<1280x128xf32>
    %get3A_15 = arith.constant 0 : index
    %get3A_16 = arith.constant 0 : index
    %get3A_17 = vector.load %arg3[%get3A_15, %get3A_16] : memref<128x32xf32, #tpu.memory_space<vmem>>, vector<128x32xf32>
    %dot_general3A = arith.constant dense<0.000000e+00> : vector<1280x32xf32>
    %dot_general3A_18 = tpu.matmul %get3A_14, %get3A_17, %dot_general3A {dimension_numbers = #tpu.dot_dimension_numbers<[1], [0], [0], [1], [0, 0, 1, 1], [], []>, transpose_lhs_hint = false} : vector<1280x128xf32>, vector<128x32xf32>, vector<1280x32xf32> -> vector<1280x32xf32>
    %broadcast_in_dim3A = vector.shape_cast %rsqrt3A : vector<1280xf32> to vector<1280x1xf32>
    %mul3A = vector.broadcast %broadcast_in_dim3A : vector<1280x1xf32> to vector<1280x32xf32>
    %mul3A_19 = arith.mulf %dot_general3A_18, %mul3A : vector<1280x32xf32>
    %swap3A = arith.constant 0 : index
    %swap3A_20 = arith.constant 0 : index
    %swap3A_21 = vector.load %arg4[%swap3A, %swap3A_20] : memref<1280x32xf32, #tpu.memory_space<vmem>>, vector<1280x32xf32>
    tpu.vector_store %arg4[%swap3A, %swap3A_20], %mul3A_19 {strides = array<i32>} : memref<1280x32xf32, #tpu.memory_space<vmem>>, vector<1280x32xf32>,
    %stack3A = vector.shape_cast %rsqrt3A : vector<1280xf32> to vector<1x1280xf32>
    %stack3A_22 = vector.shape_cast %rsqrt3A_11 : vector<1280xf32> to vector<1x1280xf32>
    %stack3A_23 = tpu.concatenate %stack3A, %stack3A_22 in 0 : vector<1x1280xf32>, vector<1x1280xf32> -> vector<2x1280xf32>
    %swap3A_24 = arith.constant 0 : index
    %swap3A_25 = arith.constant 0 : index
    %swap3A_26 = vector.load %arg5[%swap3A_24, %swap3A_25] : memref<2x1280xf32, #tpu.memory_space<vmem>>, vector<2x1280xf32>
    tpu.vector_store %arg5[%swap3A_24, %swap3A_25], %stack3A_23 {strides = array<i32>} : memref<2x1280xf32, #tpu.memory_space<vmem>>, vector<2x1280xf32>,
    return
  }
  func.func @transform_0(%arg0: i32) -> (i32, i32, i32) {
    %c0_i32 = arith.constant 0 : i32
    %c0_i32_0 = arith.constant 0 : i32
    %c0_i32_1 = arith.constant 0 : i32
    return %c0_i32, %c0_i32_0, %arg0 : i32, i32, i32
  }
  func.func @transform_1(%arg0: i32) -> (i32, i32) {
    %c0_i32 = arith.constant 0 : i32
    %c0_i32_0 = arith.constant 0 : i32
    return %arg0, %c0_i32 : i32, i32
  }
  func.func @transform_2(%arg0: i32) -> (i32, i32) {
    %c0_i32 = arith.constant 0 : i32
    %c0_i32_0 = arith.constant 0 : i32
    %c0_i32_1 = arith.constant 0 : i32
    return %c0_i32, %c0_i32_0 : i32, i32
  }
  func.func @transform_3(%arg0: i32) -> (i32, i32) {
    %c0_i32 = arith.constant 0 : i32
    %c0_i32_0 = arith.constant 0 : i32
    return %arg0, %c0_i32 : i32, i32
  }
  func.func @transform_4(%arg0: i32) -> (i32, i32) {
    %c0_i32 = arith.constant 0 : i32
    %c0_i32_0 = arith.constant 0 : i32
    return %c0_i32, %arg0 : i32, i32
  }
}

module attributes {stable_mosaic.version = 14 : i64} {
  func.func @_tcb_body(%arg0: i32, %arg1: memref<2x1280x32xf32, #tpu.memory_space<vmem>>, %arg2: memref<2x1280xf32, #tpu.memory_space<vmem>>, %arg3: memref<1x32xf32, #tpu.memory_space<vmem>>, %arg4: memref<1280x32xf32, #tpu.memory_space<vmem>>) attributes {dimension_semantics = [#tpu.dimension_semantics<arbitrary>], iteration_bounds = array<i64: 8>, scalar_prefetch = 0 : i64, scratch_operands = 0 : i64, tpu.core_type = #tpu.core_type<tc>, window_params = [{transform_indices = @transform_0, window_bounds = array<i64: 2, 1280, 32>}, {transform_indices = @transform_1, window_bounds = array<i64: 2, 1280>}, {pipeline_mode = #tpu.pipeline_mode<synchronous>, transform_indices = @transform_2, window_bounds = array<i64: 1, 32>}, {transform_indices = @transform_3, window_bounds = array<i64: 1280, 32>}]} {
    %get3A = arith.constant 0 : index
    %get3A_0 = arith.constant 0 : index
    %get3A_1 = arith.constant 0 : index
    %get3A_2 = vector.load %arg1[%get3A, %get3A_0, %get3A_1] : memref<2x1280x32xf32, #tpu.memory_space<vmem>>, vector<1x1280x32xf32>
    %get3A_3 = vector.shape_cast %get3A_2 : vector<1x1280x32xf32> to vector<1280x32xf32>
    %get3A_4 = arith.constant 1 : index
    %get3A_5 = arith.constant 0 : index
    %get3A_6 = arith.constant 0 : index
    %get3A_7 = vector.load %arg1[%get3A_4, %get3A_5, %get3A_6] : memref<2x1280x32xf32, #tpu.memory_space<vmem>>, vector<1x1280x32xf32>
    %get3A_8 = vector.shape_cast %get3A_7 : vector<1x1280x32xf32> to vector<1280x32xf32>
    %add3A = arith.addf %get3A_3, %get3A_8 : vector<1280x32xf32>
    %get3A_9 = arith.constant 1 : index
    %get3A_10 = arith.constant 0 : index
    %get3A_11 = vector.load %arg2[%get3A_9, %get3A_10] : memref<2x1280xf32, #tpu.memory_space<vmem>>, vector<1x1280xf32>
    %get3A_12 = vector.shape_cast %get3A_11 : vector<1x1280xf32> to vector<1280xf32>
    %broadcast_in_dim3A = vector.shape_cast %get3A_12 : vector<1280xf32> to vector<1280x1xf32>
    %get3A_13 = arith.constant 0 : index
    %get3A_14 = arith.constant 0 : index
    %get3A_15 = vector.load %arg2[%get3A_13, %get3A_14] : memref<2x1280xf32, #tpu.memory_space<vmem>>, vector<1x1280xf32>
    %get3A_16 = vector.shape_cast %get3A_15 : vector<1x1280xf32> to vector<1280xf32>
    %broadcast_in_dim3A_17 = vector.shape_cast %get3A_16 : vector<1280xf32> to vector<1280x1xf32>
    %mul3A = vector.broadcast %broadcast_in_dim3A : vector<1280x1xf32> to vector<1280x32xf32>
    %mul3A_18 = arith.mulf %add3A, %mul3A : vector<1280x32xf32>
    %get3A_19 = arith.constant 0 : index
    %get3A_20 = arith.constant 0 : index
    %get3A_21 = vector.load %arg3[%get3A_19, %get3A_20] : memref<1x32xf32, #tpu.memory_space<vmem>>, vector<1x32xf32>
    %add3A_22 = vector.broadcast %get3A_21 : vector<1x32xf32> to vector<1280x32xf32>
    %add3A_23 = arith.addf %mul3A_18, %add3A_22 : vector<1280x32xf32>
    %max3A = arith.constant 0.000000e+00 : f32
    %max3A_24 = vector.broadcast %max3A : f32 to vector<1280x32xf32>
    %max3A_25 = arith.maximumf %add3A_23, %max3A_24 : vector<1280x32xf32>
    %mul3A_26 = vector.broadcast %broadcast_in_dim3A_17 : vector<1280x1xf32> to vector<1280x32xf32>
    %mul3A_27 = arith.mulf %max3A_25, %mul3A_26 : vector<1280x32xf32>
    %swap3A = arith.constant 0 : index
    %swap3A_28 = arith.constant 0 : index
    %swap3A_29 = vector.load %arg4[%swap3A, %swap3A_28] : memref<1280x32xf32, #tpu.memory_space<vmem>>, vector<1280x32xf32>
    tpu.vector_store %arg4[%swap3A, %swap3A_28], %mul3A_27 {strides = array<i32>} : memref<1280x32xf32, #tpu.memory_space<vmem>>, vector<1280x32xf32>,
    return
  }
  func.func @transform_0(%arg0: i32) -> (i32, i32, i32) {
    %c0_i32 = arith.constant 0 : i32
    %c0_i32_0 = arith.constant 0 : i32
    %c0_i32_1 = arith.constant 0 : i32
    return %c0_i32, %arg0, %c0_i32_0 : i32, i32, i32
  }
  func.func @transform_1(%arg0: i32) -> (i32, i32) {
    %c0_i32 = arith.constant 0 : i32
    %c0_i32_0 = arith.constant 0 : i32
    return %c0_i32, %arg0 : i32, i32
  }
  func.func @transform_2(%arg0: i32) -> (i32, i32) {
    %c0_i32 = arith.constant 0 : i32
    %c0_i32_0 = arith.constant 0 : i32
    %c0_i32_1 = arith.constant 0 : i32
    return %c0_i32, %c0_i32_0 : i32, i32
  }
  func.func @transform_3(%arg0: i32) -> (i32, i32) {
    %c0_i32 = arith.constant 0 : i32
    %c0_i32_0 = arith.constant 0 : i32
    return %arg0, %c0_i32 : i32, i32
  }
}

module attributes {stable_mosaic.version = 14 : i64} {
  func.func @_tcc_body(%arg0: i32, %arg1: memref<2x1280x32xf32, #tpu.memory_space<vmem>>, %arg2: memref<2x1280xf32, #tpu.memory_space<vmem>>, %arg3: memref<1280x16xf32, #tpu.memory_space<vmem>>, %arg4: memref<32x16xf32, #tpu.memory_space<vmem>>, %arg5: memref<1x16xf32, #tpu.memory_space<vmem>>, %arg6: memref<32x16xf32, #tpu.memory_space<vmem>>, %arg7: memref<1x16xf32, #tpu.memory_space<vmem>>, %arg8: memref<1280x16xf32, #tpu.memory_space<vmem>>) attributes {dimension_semantics = [#tpu.dimension_semantics<arbitrary>], iteration_bounds = array<i64: 8>, scalar_prefetch = 0 : i64, scratch_operands = 0 : i64, tpu.core_type = #tpu.core_type<tc>, window_params = [{transform_indices = @transform_0, window_bounds = array<i64: 2, 1280, 32>}, {transform_indices = @transform_1, window_bounds = array<i64: 2, 1280>}, {transform_indices = @transform_2, window_bounds = array<i64: 1280, 16>}, {pipeline_mode = #tpu.pipeline_mode<synchronous>, transform_indices = @transform_3, window_bounds = array<i64: 32, 16>}, {pipeline_mode = #tpu.pipeline_mode<synchronous>, transform_indices = @transform_4, window_bounds = array<i64: 1, 16>}, {pipeline_mode = #tpu.pipeline_mode<synchronous>, transform_indices = @transform_5, window_bounds = array<i64: 32, 16>}, {pipeline_mode = #tpu.pipeline_mode<synchronous>, transform_indices = @transform_6, window_bounds = array<i64: 1, 16>}, {transform_indices = @transform_7, window_bounds = array<i64: 1280, 16>}]} {
    %get3A = arith.constant 0 : index
    %get3A_0 = arith.constant 0 : index
    %get3A_1 = arith.constant 0 : index
    %get3A_2 = vector.load %arg1[%get3A, %get3A_0, %get3A_1] : memref<2x1280x32xf32, #tpu.memory_space<vmem>>, vector<1x1280x32xf32>
    %get3A_3 = vector.shape_cast %get3A_2 : vector<1x1280x32xf32> to vector<1280x32xf32>
    %get3A_4 = arith.constant 1 : index
    %get3A_5 = arith.constant 0 : index
    %get3A_6 = arith.constant 0 : index
    %get3A_7 = vector.load %arg1[%get3A_4, %get3A_5, %get3A_6] : memref<2x1280x32xf32, #tpu.memory_space<vmem>>, vector<1x1280x32xf32>
    %get3A_8 = vector.shape_cast %get3A_7 : vector<1x1280x32xf32> to vector<1280x32xf32>
    %add3A = arith.addf %get3A_3, %get3A_8 : vector<1280x32xf32>
    %get3A_9 = arith.constant 1 : index
    %get3A_10 = arith.constant 0 : index
    %get3A_11 = vector.load %arg2[%get3A_9, %get3A_10] : memref<2x1280xf32, #tpu.memory_space<vmem>>, vector<1x1280xf32>
    %get3A_12 = vector.shape_cast %get3A_11 : vector<1x1280xf32> to vector<1280xf32>
    %broadcast_in_dim3A = vector.shape_cast %get3A_12 : vector<1280xf32> to vector<1280x1xf32>
    %mul3A = vector.broadcast %broadcast_in_dim3A : vector<1280x1xf32> to vector<1280x32xf32>
    %mul3A_13 = arith.mulf %add3A, %mul3A : vector<1280x32xf32>
    %get3A_14 = arith.constant 0 : index
    %get3A_15 = arith.constant 0 : index
    %get3A_16 = vector.load %arg4[%get3A_14, %get3A_15] : memref<32x16xf32, #tpu.memory_space<vmem>>, vector<32x16xf32>
    %dot_general3A = arith.constant dense<0.000000e+00> : vector<1280x16xf32>
    %dot_general3A_17 = tpu.matmul %mul3A_13, %get3A_16, %dot_general3A {dimension_numbers = #tpu.dot_dimension_numbers<[1], [0], [0], [1], [0, 0, 1, 1], [], []>, transpose_lhs_hint = false} : vector<1280x32xf32>, vector<32x16xf32>, vector<1280x16xf32> -> vector<1280x16xf32>
    %get3A_18 = arith.constant 0 : index
    %get3A_19 = arith.constant 0 : index
    %get3A_20 = vector.load %arg6[%get3A_18, %get3A_19] : memref<32x16xf32, #tpu.memory_space<vmem>>, vector<32x16xf32>
    %dot_general3A_21 = arith.constant dense<0.000000e+00> : vector<1280x16xf32>
    %dot_general3A_22 = tpu.matmul %mul3A_13, %get3A_20, %dot_general3A_21 {dimension_numbers = #tpu.dot_dimension_numbers<[1], [0], [0], [1], [0, 0, 1, 1], [], []>, transpose_lhs_hint = false} : vector<1280x32xf32>, vector<32x16xf32>, vector<1280x16xf32> -> vector<1280x16xf32>
    %get3A_23 = arith.constant 0 : index
    %get3A_24 = arith.constant 0 : index
    %get3A_25 = vector.load %arg5[%get3A_23, %get3A_24] : memref<1x16xf32, #tpu.memory_space<vmem>>, vector<1x16xf32>
    %add3A_26 = vector.broadcast %get3A_25 : vector<1x16xf32> to vector<1280x16xf32>
    %add3A_27 = arith.addf %dot_general3A_17, %add3A_26 : vector<1280x16xf32>
    %get3A_28 = arith.constant 0 : index
    %get3A_29 = arith.constant 0 : index
    %get3A_30 = vector.load %arg3[%get3A_28, %get3A_29] : memref<1280x16xf32, #tpu.memory_space<vmem>>, vector<1280x16xf32>
    %get3A_31 = arith.constant 0 : index
    %get3A_32 = arith.constant 0 : index
    %get3A_33 = vector.load %arg7[%get3A_31, %get3A_32] : memref<1x16xf32, #tpu.memory_space<vmem>>, vector<1x16xf32>
    %add3A_34 = vector.broadcast %get3A_33 : vector<1x16xf32> to vector<1280x16xf32>
    %add3A_35 = arith.addf %dot_general3A_22, %add3A_34 : vector<1280x16xf32>
    %exp3A = math.exp %add3A_35 : vector<1280x16xf32>
    %mul3A_36 = arith.mulf %get3A_30, %exp3A : vector<1280x16xf32>
    %add3A_37 = arith.addf %add3A_27, %mul3A_36 : vector<1280x16xf32>
    %swap3A = arith.constant 0 : index
    %swap3A_38 = arith.constant 0 : index
    %swap3A_39 = vector.load %arg8[%swap3A, %swap3A_38] : memref<1280x16xf32, #tpu.memory_space<vmem>>, vector<1280x16xf32>
    tpu.vector_store %arg8[%swap3A, %swap3A_38], %add3A_37 {strides = array<i32>} : memref<1280x16xf32, #tpu.memory_space<vmem>>, vector<1280x16xf32>,
    return
  }
  func.func @transform_0(%arg0: i32) -> (i32, i32, i32) {
    %c0_i32 = arith.constant 0 : i32
    %c0_i32_0 = arith.constant 0 : i32
    %c0_i32_1 = arith.constant 0 : i32
    return %c0_i32, %arg0, %c0_i32_0 : i32, i32, i32
  }
  func.func @transform_1(%arg0: i32) -> (i32, i32) {
    %c0_i32 = arith.constant 0 : i32
    %c0_i32_0 = arith.constant 0 : i32
    return %c0_i32, %arg0 : i32, i32
  }
  func.func @transform_2(%arg0: i32) -> (i32, i32) {
    %c0_i32 = arith.constant 0 : i32
    %c0_i32_0 = arith.constant 0 : i32
    return %arg0, %c0_i32 : i32, i32
  }
  func.func @transform_3(%arg0: i32) -> (i32, i32) {
    %c0_i32 = arith.constant 0 : i32
    %c0_i32_0 = arith.constant 0 : i32
    %c0_i32_1 = arith.constant 0 : i32
    return %c0_i32, %c0_i32_0 : i32, i32
  }
  func.func @transform_4(%arg0: i32) -> (i32, i32) {
    %c0_i32 = arith.constant 0 : i32
    %c0_i32_0 = arith.constant 0 : i32
    %c0_i32_1 = arith.constant 0 : i32
    return %c0_i32, %c0_i32_0 : i32, i32
  }
  func.func @transform_5(%arg0: i32) -> (i32, i32) {
    %c0_i32 = arith.constant 0 : i32
    %c0_i32_0 = arith.constant 0 : i32
    %c0_i32_1 = arith.constant 0 : i32
    return %c0_i32, %c0_i32_0 : i32, i32
  }
  func.func @transform_6(%arg0: i32) -> (i32, i32) {
    %c0_i32 = arith.constant 0 : i32
    %c0_i32_0 = arith.constant 0 : i32
    %c0_i32_1 = arith.constant 0 : i32
    return %c0_i32, %c0_i32_0 : i32, i32
  }
  func.func @transform_7(%arg0: i32) -> (i32, i32) {
    %c0_i32 = arith.constant 0 : i32
    %c0_i32_0 = arith.constant 0 : i32
    return %arg0, %c0_i32 : i32, i32
  }
}

module attributes {stable_mosaic.version = 14 : i64} {
  func.func @_tcd_body(%arg0: i32, %arg1: i32, %arg2: memref<1000x16xf32, #tpu.memory_space<vmem>>, %arg3: memref<16x1280xf32, #tpu.memory_space<vmem>>, %arg4: memref<1000x1280xf32, #tpu.memory_space<vmem>>) attributes {dimension_semantics = [#tpu.dimension_semantics<arbitrary>, #tpu.dimension_semantics<arbitrary>], iteration_bounds = array<i64: 10, 8>, scalar_prefetch = 0 : i64, scratch_operands = 0 : i64, tpu.core_type = #tpu.core_type<tc>, window_params = [{transform_indices = @transform_0, window_bounds = array<i64: 1000, 16>}, {transform_indices = @transform_1, window_bounds = array<i64: 16, 1280>}, {transform_indices = @transform_2, window_bounds = array<i64: 1000, 1280>}]} {
    %get3A = arith.constant 0 : index
    %get3A_0 = arith.constant 0 : index
    %get3A_1 = vector.load %arg2[%get3A, %get3A_0] : memref<1000x16xf32, #tpu.memory_space<vmem>>, vector<1000x16xf32>
    %get3A_2 = arith.constant 0 : index
    %get3A_3 = arith.constant 0 : index
    %get3A_4 = vector.load %arg3[%get3A_2, %get3A_3] : memref<16x1280xf32, #tpu.memory_space<vmem>>, vector<16x1280xf32>
    %dot_general3A = arith.constant dense<0.000000e+00> : vector<1000x1280xf32>
    %dot_general3A_5 = tpu.matmul %get3A_1, %get3A_4, %dot_general3A {dimension_numbers = #tpu.dot_dimension_numbers<[1], [0], [0], [1], [0, 0, 1, 1], [], []>, transpose_lhs_hint = false} : vector<1000x16xf32>, vector<16x1280xf32>, vector<1000x1280xf32> -> vector<1000x1280xf32>
    %mul3A = arith.constant 5.000000e-01 : f32
    %mul3A_6 = vector.broadcast %mul3A : f32 to vector<1000x1280xf32>
    %mul3A_7 = arith.mulf %mul3A_6, %dot_general3A_5 : vector<1000x1280xf32>
    %tanh3A = math.tanh %mul3A_7 : vector<1000x1280xf32>
    %mul3A_8 = arith.constant 5.000000e-01 : f32
    %mul3A_9 = vector.broadcast %mul3A_8 : f32 to vector<1000x1280xf32>
    %mul3A_10 = arith.mulf %mul3A_9, %tanh3A : vector<1000x1280xf32>
    %add3A = arith.constant 5.000000e-01 : f32
    %add3A_11 = vector.broadcast %add3A : f32 to vector<1000x1280xf32>
    %add3A_12 = arith.addf %mul3A_10, %add3A_11 : vector<1000x1280xf32>
    %swap3A = arith.constant 0 : index
    %swap3A_13 = arith.constant 0 : index
    %swap3A_14 = vector.load %arg4[%swap3A, %swap3A_13] : memref<1000x1280xf32, #tpu.memory_space<vmem>>, vector<1000x1280xf32>
    tpu.vector_store %arg4[%swap3A, %swap3A_13], %add3A_12 {strides = array<i32>} : memref<1000x1280xf32, #tpu.memory_space<vmem>>, vector<1000x1280xf32>,
    return
  }
  func.func @transform_0(%arg0: i32, %arg1: i32) -> (i32, i32) {
    %c0_i32 = arith.constant 0 : i32
    %c0_i32_0 = arith.constant 0 : i32
    return %arg0, %c0_i32 : i32, i32
  }
  func.func @transform_1(%arg0: i32, %arg1: i32) -> (i32, i32) {
    %c0_i32 = arith.constant 0 : i32
    %c0_i32_0 = arith.constant 0 : i32
    return %c0_i32, %arg1 : i32, i32
  }
  func.func @transform_2(%arg0: i32, %arg1: i32) -> (i32, i32) {
    %c0_i32 = arith.constant 0 : i32
    return %arg0, %arg1 : i32, i32
  }
}

</mosaic_0001>

<sc_bundles>
// kernel: kernel.12.cloned.1.call-start
scs
__scs_entry_jumppad:
0x0: {  	(pc) =	sbr.rel $0x88, $3  }
0x1: {  	(tag) =	ssettag $0x0;
	lr =	simm.s32 $0x1  }
0x2: {  	[smem:$0x3F98] =	sst lr;
	_ =	strace $0xD0000000  }
0x3: {  	_ = 	snop  }
0x4: {  	_ = 	snop  }
0x5: {  	_ = 	snop  }
0x6: {  	_ = 	snop  }
0x7: {  	_ = 	snop  }
__scs_overlays_trampoline_lowered:
0x8: {  	[smem:$0x3FA7] =	sst s0  }
0x9: {  	[smem:$0x3FA8] =	sst s1  }
0xa: {  	[smem:$0x3FA9] =	sst s2  }
0xb: {  	[smem:$0x3FAA] =	sst s3  }
0xc: {  	[smem:$0x3FAB] =	sst s4  }
0xd: {  	[smem:$0x3FAC] =	sst s5  }
0xe: {  	[smem:$0x3FAD] =	sst s6  }
0xf: {  	[smem:$0x3FAE] =	sst s7  }
0x10: {  	[smem:$0x3FAF] =	sst s8  }
0x11: {  	[smem:$0x3FB0] =	sst s9;
	s0 =	simm.s32 @!p0 $0x0  }
0x12: {  	s1 =	sld [smem:$0x3F96];
	s0 =	simm.s32 @p0 $0x1  }
0x13: {  	[smem:$0x3FB1] =	sst s0;
	s0 =	simm.s32 @!p1 $0x0  }
0x14: {  	s2 =	sld [smem:$0x3F95];
	s0 =	simm.s32 @p1 $0x1  }
0x15: {  	[smem:$0x3FB2] =	sst s0;
	s0 =	simm.s32 @!p2 $0x0  }
0x16: {  	s3 =	sld [smem:$0x3FDB];
	s0 =	simm.s32 @p2 $0x1  }
0x17: {  	s4 =	simm.s32 $0x1BF5;
	[smem:$0x3FB4] =	sst s0  }
0x18: {  	s0 =	sld [smem:$0x3F97];
	_ =	swait.ge [sflag:s4], $0x0  }
0x19: {  	s7 =	sld [smem:$0x3F98]  }
0x1a: {  	s8 =	sadd.s32 $0xFFFFE003, lr  }
0x1b: {  	s9 =	sadd.s32 $0xFFFFFEF7, lr;
	s5 =	simm.s32 $0xFFFFFFFF;
	p2 =	slt.u32 s8, $0xFFFFF086  }
0x1c: {  	p1 =	slt.u32 s9, $0xF7A;
	s5 =	simm.s32 @!p2 $0x0  }
0x1d: {  	s5 =	simm.s32 @p1 $0x1;
	p0 =	seq.s32 s7, s2  }
0x1e: {  	s7 =	smul.u32 @!p0 $0xF7A, s2;
	p2 =	seq.s32 @!p0 s5, $0x0  }
0x1f: {  	s9 =	smul.u32 $0xF7A, s1;
	s8 =	simm.s32 @!p0 $0x1BF5;
	p2 =	por !p2, p0  }
0x20: {  	[sflag:s8] =	ssyncset.s32 @!p0 $0xFFFFF086;
	s6 =	sadd.s32 @!p0 s3, s7;
	s7 =	simm.s32 @!p0 $0x108  }
0x21: {  	s3 =	sadd.s32 s3, s9;
	s6 =	sadd.s32 @!p0 $0x88, s6;
	s7 =	simm.s32 @p2 $0x1082  }
0x22: {  	[simem:s7], [sflag:s8] =	dma.local @!p0 [hbm:s6], $0xF7A  }
0x23: {  	s9 =	sor.u32 $0xD0000000, s2;
	s6 =	simm.s32 $0x108;
	_ =	swait.ge @!p0 [sflag:s8], $0x0  }
0x24: {  	s3 =	sadd.s32 $0x88, s3;
	s6 =	simm.s32 @!p1 $0x1082;
	[sflag:s4] =	ssyncset.s32 $0xFFFFF086  }
0x25: {  	[simem:s6], [sflag:s4] =	dma.local [hbm:s3], $0xF7A  }
0x26: {  	[smem:$0x3F98] =	sst s1;
	(tag) =	ssettag s2;
	_ =	strace s9  }
0x27: {  	s1 =	sld [smem:$0x3FA8]  }
0x28: {  	s2 =	sld [smem:$0x3FA9]  }
0x29: {  	s4 =	sld [smem:$0x3FAB]  }
0x2a: {  	p0 =	seq.s32 s5, $0x0;
	s5 =	sld [smem:$0x3FAC]  }
0x2b: {  	s6 =	sld [smem:$0x3FAD]  }
0x2c: {  	s7 =	sld [smem:$0x3FAE]  }
0x2d: {  	s3 =	simm.s32 $0x108;
	s8 =	sld [smem:$0x3FAF]  }
0x2e: {  	s3 =	simm.s32 @!p0 $0x1082;
	s9 =	sld [smem:$0x3FB0]  }
0x2f: {  	lr =	sadd.s32 s0, s3;
	s0 =	sld [smem:$0x3FA7]  }
0x30: {  	s3 =	sld [smem:$0x3FAA]  }
0x31: {  	[smem:$0x3FB3] =	sst s10  }
0x32: {  	s10 =	sld [smem:$0x3FB1];
	_ =	sdelay $0x3  }
0x33: {  	p0 =	seq.s32 s10, $0x1;
	s10 =	sld [smem:$0x3FB3];
	_ =	sdelay $0x3  }
0x34: {  	[smem:$0x3FB3] =	sst s10  }
0x35: {  	s10 =	sld [smem:$0x3FB2];
	_ =	sdelay $0x3  }
0x36: {  	p1 =	seq.s32 s10, $0x1;
	s10 =	sld [smem:$0x3FB3];
	_ =	sdelay $0x3  }
0x37: {  	[smem:$0x3FB3] =	sst s10  }
0x38: {  	s10 =	sld [smem:$0x3FB4]  }
0x39: {  	_ = 	snop;
	(pc) =	sbr.ind lr, $3  }
0x3a: {  	_ = 	snop  }
0x3b: {  	_ = 	snop  }
0x3c: {  	p2 =	seq.s32 s10, $0x1;
	s10 =	sld [smem:$0x3FB3]  }
0x3d: {  	_ =	shalt  }
0x3e: {  	_ =	shalt  }
0x3f: {  	_ =	shalt  }
0x40: {  	_ =	shalt  }
0x41: {  	_ =	shalt  }
0x42: {  	_ =	shalt  }
0x43: {  	_ =	shalt  }
0x44: {  	_ =	shalt  }
0x45: {  	_ =	shalt  }
0x46: {  	_ =	shalt  }
0x47: {  	_ =	shalt  }
0x48: {  	_ =	shalt  }
0x49: {  	_ =	shalt  }
0x4a: {  	_ =	shalt  }
0x4b: {  	_ =	shalt  }
0x4c: {  	_ =	shalt  }
0x4d: {  	_ =	shalt  }
0x4e: {  	_ =	shalt  }
0x4f: {  	_ =	shalt  }
0x50: {  	_ =	shalt  }
0x51: {  	_ =	shalt  }
0x52: {  	_ =	shalt  }
0x53: {  	_ =	shalt  }
0x54: {  	_ =	shalt  }
0x55: {  	_ =	shalt  }
0x56: {  	_ =	shalt  }
0x57: {  	_ =	shalt  }
0x58: {  	_ =	shalt  }
0x59: {  	_ =	shalt  }
0x5a: {  	_ =	shalt  }
0x5b: {  	_ =	shalt  }
0x5c: {  	_ =	shalt  }
0x5d: {  	_ =	shalt  }
0x5e: {  	_ =	shalt  }
0x5f: {  	_ =	shalt  }
0x60: {  	_ =	shalt  }
0x61: {  	_ =	shalt  }
0x62: {  	_ =	shalt  }
0x63: {  	_ =	shalt  }
0x64: {  	_ =	shalt  }
0x65: {  	_ =	shalt  }
0x66: {  	_ =	shalt  }
0x67: {  	_ =	shalt  }
0x68: {  	_ =	shalt  }
0x69: {  	_ =	shalt  }
0x6a: {  	_ =	shalt  }
0x6b: {  	_ =	shalt  }
0x6c: {  	_ =	shalt  }
0x6d: {  	_ =	shalt  }
0x6e: {  	_ =	shalt  }
0x6f: {  	_ =	shalt  }
0x70: {  	_ =	shalt  }
0x71: {  	_ =	shalt  }
0x72: {  	_ =	shalt  }
0x73: {  	_ =	shalt  }
0x74: {  	_ =	shalt  }
0x75: {  	_ =	shalt  }
0x76: {  	_ =	shalt  }
0x77: {  	_ =	shalt  }
0x78: {  	_ =	shalt  }
0x79: {  	_ =	shalt  }
0x7a: {  	_ =	shalt  }
0x7b: {  	_ =	shalt  }
0x7c: {  	_ =	shalt  }
0x7d: {  	_ =	shalt  }
0x7e: {  	_ =	shalt  }
0x7f: {  	_ =	shalt  }
0x80: {  	_ =	shalt  }
0x81: {  	_ =	shalt  }
0x82: {  	_ =	shalt  }
0x83: {  	_ =	shalt  }
0x84: {  	_ =	shalt  }
0x85: {  	_ =	shalt  }
0x86: {  	_ =	shalt  }
0x87: {  	_ =	shalt  }
.Lfunc_end0:
.L_simem_size_0:
called_computation.1_lowered:
.L_overlay_start_0:
0x88: {  	s2 =	sld [smem:$0x3FD9]  }
0x89: {  	s3 =	sld [smem:$0x3FFE];
	_ =	sdelay $0x1  }
0x8a: {  	s1 =	srdreg.scid  }
0x8b: {  	s0 =	sand.u32 $0x1, s1  }
0x8c: {  	s17 =	sshll.u32 s0, $0xA;
	s2 =	sadd.s32 s3, s2  }
0x8d: {  	s2 =	sadd.s32 s2, s17  }
0x8e: {  	[smem:$0x3FBF] =	sst s2  }
0x8f: {  	_ = 	snop  }
0x90: {  	s2 =	sld [smem:$0x3FD0];
	(tm) =	ssettm $0x1  }
0x91: {  	s18 =	sld [smem:$0x3FFB];
	_ =	sdelay $0x3  }
0x92: {  	_ =	strace s18  }
0x93: {  	s3 =	sld [smem:$0x3FFC];
	_ =	sdelay $0x3  }
0x94: {  	_ =	strace s3  }
0x95: {  	s3 =	sld [smem:$0x3FFD];
	_ =	sdelay $0x3  }
0x96: {  	_ =	strace s3  }
0x97: {  	_ =	strace $0x8FFFFFFF  }
0x98: {  	s19 =	sld [smem:$0x3FDB];
	_ =	sdelay $0x1  }
0x99: {  	s4 =	simm.s32 $_scs_section_size  }
0x9a: {  	s5 =	simm.s32 $_size__tile_overlayer_lowered;
	s6 =	simm.s32 $_tile_overlayer_lowered  }
0x9b: {  	s22 =	simm.s32 $0x1BFF;
	s21 =	sshll.u32 s6, $0x1;
	s3 =	sadd.s32 s4, s19  }
0x9c: {  	s7 =	simm.s32 $0x0;
	s20 =	sshll.u32 s5, $0x1;
	s5 =	sadd.s32 s21, s3  }
0x9d: {  	[timem:s7], [sflag:s22] =	dma.local [hbm:s5], s20  }
0x9e: {  	_ =	swait.ge [sflag:s22], s20  }
0x9f: {  	s4 =	ssub.s32 $0x0, s20;
	[sflag:s22] =	ssyncset.done $0x0  }
0xa0: {  	[sflag:s22] =	ssyncadd.s32 s4;
	_ =	sdelay $0x1  }
0xa1: {  	s23 =	simm.s32 $0x1B8B  }
0xa2: {  	_ =	swait.ge [sflag:s23], $0x1  }
0xa3: {  	[sflag:s23] =	ssyncset.done $0x0  }
0xa4: {  	s25 =	simm.s32 $0x1B8E;
	s24 =	sld [smem:$0x3FFE];
	[sflag:s23] =	ssyncadd.s32 $0xFFFFFFFF  }
0xa5: {  	s26 =	simm.s32 $execute0_lowered;
	[smem:$0x3FD2] =	sst s25  }
0xa6: {  	s5 =	sshll.u32 s26, $0x1;
	_ =	strace $0x80000049;
	[dreg:$0x1] =	wrdreg $0xFFFFFFFF  }
0xa7: {  	s28 =	simm.s32 $_size_execute0_lowered;
	s3 =	sadd.s32 s3, s5;
	[dreg:$0x0] =	wrdreg $0x0  }
0xa8: {  	s5 =	sshll.u32 s28, $0x1;
	[dreg:$0x2] =	wrdreg s3  }
0xa9: {  	[dreg:$0x3] =	wrdreg s5  }
0xaa: {  	[dreg:$0x4] =	wrdreg $0xC0  }
0xab: {  	_ =	task [dreg:s7], $0x5FFFF  }
0xac: {  	[dreg:$0x1] =	wrdreg $0xFFFFFFFF  }
0xad: {  	[dreg:$0x0] =	wrdreg $0x60  }
0xae: {  	[dreg:$0x2] =	wrdreg s24  }
0xaf: {  	[dreg:$0x3] =	wrdreg s2  }
0xb0: {  	[dreg:$0x4] =	wrdreg $0x0  }
0xb1: {  	[dreg:$0x5] =	wrdreg $0x9  }
0xb2: {  	_ =	task.clear_ibuf [dreg:s7], $0x6FFFF;
	_ =	strace $0x90000049  }
0xb3: {  	s29 =	simm.s32 $0x9;
	_ =	strace $0x8000004B  }
0xb4: {  	_ =	swait.ge [sflag:s29], $0x1  }
0xb5: {  	[sflag:s29] =	ssyncadd.s32 $0xFFFFFFFF  }
0xb6: {  	_ =	strace $0x9000004B  }
0xb7: {  	_ =	sfence  }
0xb8: {  	s30 =	sld [smem:$0x0];
	_ =	sdelay $0x2  }
0xb9: {  	s31 =	sshll.u32 s1, $0xD;
	s1 =	sshrl.u32 s1, $0x2  }
0xba: {  	s3 =	sand.u32 $0x4000, s31;
	s1 =	sadd.s32 s1, s30  }
0xbb: {  	s0 =	sor.u32 s3, s0;
	s1 =	sshll.u32 s1, $0x11  }
0xbc: {  	s0 =	sor.u32 s1, s0  }
0xbd: {  	s0 =	sadd.s32 $0x8F2B, s0  }
0xbe: {  	[sflag:s0] =	ssyncadd.remote.s32 $0x1  }
0xbf: {  	_ =	sfence.sel $0xFFFF  }
0xc0: {  	[dreg:$0x0] =	wrdreg $0xFFFFFFFF;
	(pc) =	sbr.abs _section_cstart, $3  }
0xc1: {  	[dreg:$0x1] =	wrdreg $0xFFFFFFFF  }
0xc2: {  	_ =	task.clear_ibuf [dreg:s7], $0x2FFFF;
	_ =	strace $0x9FFFFFFF  }
0xc3: {  	(tm) =	ssettm $0x7FFFFFFF  }
tec
execute0_lowered:
.L_overlay_start_1:
0x0: {  	(tag) =	ssettag $0x1  }
0x1: {  	s0 =	rddreg [dreg:$0x0]  }
0x2: {  	s1 =	rddreg [dreg:$0x1];
	s3 =	srdreg.scid  }
0x3: {  	s7 =	stileid.u32;
	s2 =	rddreg [dreg:$0x2]  }
0x4: {  	s10 =	simm.s32 $0x3;
	s11 =	simm.s32 $0x5000;
	s12 =	simm.s32 $0x5400  }
0x5: {  	s13 =	simm.s32 $0x80;
	s14 =	simm.s32 $0x5800;
	s23 =	simm.s32 $0x5080  }
0x6: {  	s15 =	simm.s32 $0x6800;
	s24 =	simm.s32 $0x5100;
	s25 =	simm.s32 $0x5180  }
0x7: {  	s26 =	simm.s32 $0x5200;
	s28 =	simm.s32 $0x5500;
	s29 =	simm.s32 $0x5580  }
0x8: {  	s30 =	simm.s32 $0x5600;
	s4 =	sand.u32 $0x1, s3;
	s3 =	simm.s32 $0x0  }
0x9: {  	s31 =	simm.s32 $0x5680;
	s5 =	smul.u32 $0x2800, s7;
	[smem:$0x7FF] =	sst s3  }
0xa: {  	s16 =	smul.u32 $0x5000, s7;
	_ =	strace $0x8000004A;
	[dreg:$0x6] =	wrdreg s23  }
0xb: {  	s7 =	simm.s32 $0xD800;
	s6 =	smul.u32 $0x1400, s4;
	[dreg:$0x7] =	wrdreg s24  }
0xc: {  	s17 =	ssub.s32 $0x2, s4;
	s8 =	smul.u32 $0x50000, s4;
	[dreg:$0x8] =	wrdreg s25  }
0xd: {  	s4 =	sadd.s32 $0xC600, s0;
	s9 =	sshrl.u32 s17, $0x1;
	[dreg:$0x9] =	wrdreg s26  }
0xe: {  	s23 =	simm.s32 $0x5380;
	s24 =	simm.s32 $0xC800;
	s25 =	simm.s32 $0x1  }
0xf: {  	s26 =	simm.s32 $0x5480;
	s5 =	sadd.s32 s6, s5;
	s18 =	ssub.s32 s17, s9  }
0x10: {  	s19 =	sadd.s32 s16, s8;
	s8 =	sadd.s32 s16, s2;
	s16 =	simm.s32 $0x7800  }
0x11: {  	s17 =	simm.s32 $0x8800;
	s5 =	sshrl.u32 s5, $0x3;
	s20 =	sshrl.u32 s19, $0x3  }
0x12: {  	[dreg:$0xb] =	wrdreg s8;
	s5 =	sadd.s32 s5, s0;
	s0 =	sadd.s32 $0xBC00, s0  }
0x13: {  	s9 =	simm.s32 $0x0;
	s1 =	sadd.s32 s1, s20;
	[dreg:$0xa] =	wrdreg s0  }
0x14: {  	s19 =	simm.s32 $0x5280;
	s21 =	sadd.s32 $0x1C00, s5;
	[dreg:$0xc] =	wrdreg s1  }
0x15: {  	s20 =	simm.s32 $0xA800;
	s0 =	smax.u32 s18, $0x1;
	[dreg:$0x4] =	wrdreg s21  }
0x16: {  	s22 =	sadd.s32 $0x6C00, s5;
	s18 =	simm.s32 $0x9800;
	[dreg:$0xd] =	wrdreg s0  }
0x17: {  	s1 =	simm.s32 $0x5700;
	s5 =	simm.s32 $0x2;
	[dreg:$0x5] =	wrdreg s22  }
0x18: {  	s21 =	simm.s32 $0x5300;
	s22 =	simm.s32 $0xB800;
	s0 =	simm.s32 $0x5780  }
.LBB2_1:
0x19: {  	[dreg:$0xe] =	wrdreg s9  }
0x1a: {  	s6 =	rddreg [dreg:$0xa]  }
0x1b: {  	[tilespmem:s7], [sflag:$0x3] =	stream.linear.gather [hbm4b:s6+s3], $0x5000, $0x38;
	[tilespmem:$0x12800] =	vst v63  }
0x1c: {  	_ =	swait.ge [sflag:s10], $0x5000  }
0x1d: {  	[sflag:s10] =	ssyncset.done $0x0  }
0x1e: {  	[sflag:s10] =	ssyncadd.s32 $0xFFFFB000  }
0x1f: {  	[spmem:s8] =	stream.linear.scatter [tilespmem:s7], [sflag:$0x3], $0x5000, $0x38;
	[tilespmem:$0x12800] =	vst v63  }
0x20: {  	_ =	swait.ge [sflag:s10], $0x5000  }
0x21: {  	[sflag:s10] =	ssyncset.done $0x0  }
0x22: {  	[sflag:s10] =	ssyncadd.s32 $0xFFFFB000  }
0x23: {  	[bflag:$0x0] =	sbarrier.arrive $0xFFFF  }
0x24: {  	s9 =	rddreg [dreg:$0x5]  }
0x25: {  	s6 =	sadd.s32 $0x0, s9  }
0x26: {  	[tilespmem:s11], [sflag:$0x3] =	stream.linear.gather [hbm4b:s6+s3], $0x400, $0x38;
	[tilespmem:$0x12800] =	vst v63  }
0x27: {  	_ =	swait.ge [sflag:s10], $0x400  }
0x28: {  	s7 =	rddreg [dreg:$0x4];
	[sflag:s10] =	ssyncset.done $0x0  }
0x29: {  	[sflag:s10] =	ssyncadd.s32 $0xFFFFFC00;
	s6 =	sadd.s32 $0x0, s7  }
0x2a: {  	[tilespmem:s12], [sflag:$0x3] =	stream.linear.gather [hbm4b:s6+s3], $0x400, $0x38;
	[tilespmem:$0x12800] =	vst v63  }
0x2b: {  	_ =	swait.ge [sflag:s10], $0x400  }
0x2c: {  	[sflag:s10] =	ssyncset.done $0x0  }
0x2d: {  	[sflag:s10] =	ssyncadd.s32 $0xFFFFFC00  }
0x2e: {  	[tilespmem:s14], [sflag:$0x1] =	stream.indirect.gather [hbm4b:s4+s13], $0x20, s11, s13, $0xb8;
	[tilespmem:$0x12800] =	vst v63  }
0x2f: {  	s8 =	rddreg [dreg:$0x6]  }
0x30: {  	[tilespmem:s15], [sflag:$0x1] =	stream.indirect.gather [hbm4b:s4+s13], $0x20, s8, s13, $0xb8;
	[tilespmem:$0x12800] =	vst v63  }
0x31: {  	s9 =	rddreg [dreg:$0x7]  }
0x32: {  	[tilespmem:s16], [sflag:$0x1] =	stream.indirect.gather [hbm4b:s4+s13], $0x20, s9, s13, $0xb8;
	[tilespmem:$0x12800] =	vst v63  }
0x33: {  	s7 =	rddreg [dreg:$0x8]  }
0x34: {  	[tilespmem:s17], [sflag:$0x1] =	stream.indirect.gather [hbm4b:s4+s13], $0x20, s7, s13, $0xb8;
	[tilespmem:$0x12800] =	vst v63  }
0x35: {  	s9 =	rddreg [dreg:$0x9]  }
0x36: {  	[tilespmem:s18], [sflag:$0x1] =	stream.indirect.gather [hbm4b:s4+s13], $0x20, s9, s13, $0xb8;
	[tilespmem:$0x12800] =	vst v63  }
0x37: {  	_ = 	snop  }
0x38: {  	[tilespmem:s20], [sflag:$0x1] =	stream.indirect.gather [hbm4b:s4+s13], $0x20, s19, s13, $0xb8;
	[tilespmem:$0x12800] =	vst v63  }
0x39: {  	_ = 	snop  }
0x3a: {  	[tilespmem:s22], [sflag:$0x1] =	stream.indirect.gather [hbm4b:s4+s13], $0x20, s21, s13, $0xb8;
	[tilespmem:$0x12800] =	vst v63  }
0x3b: {  	_ = 	snop  }
0x3c: {  	[tilespmem:s24], [sflag:$0x1] =	stream.indirect.gather [hbm4b:s4+s13], $0x20, s23, s13, $0xb8;
	[tilespmem:$0x12800] =	vst v63  }
0x3d: {  	_ =	swait.ge [sflag:s25], $0x1000  }
0x3e: {  	[sflag:s25] =	ssyncset.done $0x0  }
0x3f: {  	[sflag:s25] =	ssyncadd.s32 $0xFFFFF000  }
0x40: {  	_ =	swait.ge [sflag:s25], $0x1000  }
0x41: {  	[sflag:s25] =	ssyncset.done $0x0  }
0x42: {  	[sflag:s25] =	ssyncadd.s32 $0xFFFFF000  }
0x43: {  	_ =	swait.ge [sflag:s25], $0x1000  }
0x44: {  	[sflag:s25] =	ssyncset.done $0x0  }
0x45: {  	[sflag:s25] =	ssyncadd.s32 $0xFFFFF000  }
0x46: {  	_ =	swait.ge [sflag:s25], $0x1000  }
0x47: {  	[sflag:s25] =	ssyncset.done $0x0  }
0x48: {  	[sflag:s25] =	ssyncadd.s32 $0xFFFFF000  }
0x49: {  	_ =	swait.ge [sflag:s25], $0x1000  }
0x4a: {  	[sflag:s25] =	ssyncset.done $0x0  }
0x4b: {  	[sflag:s25] =	ssyncadd.s32 $0xFFFFF000  }
0x4c: {  	_ =	swait.ge [sflag:s25], $0x1000  }
0x4d: {  	[sflag:s25] =	ssyncset.done $0x0  }
0x4e: {  	[sflag:s25] =	ssyncadd.s32 $0xFFFFF000  }
0x4f: {  	_ =	swait.ge [sflag:s25], $0x1000  }
0x50: {  	[sflag:s25] =	ssyncset.done $0x0  }
0x51: {  	[sflag:s25] =	ssyncadd.s32 $0xFFFFF000  }
0x52: {  	_ =	swait.ge [sflag:s25], $0x1000  }
0x53: {  	[sflag:s25] =	ssyncset.done $0x0  }
0x54: {  	[sflag:s25] =	ssyncadd.s32 $0xFFFFF000  }
0x55: {  	[spmem:s2] =	stream.indirect.scatter.add.f32 [tilespmem:s14], [sflag:$0x2], $0x20, s12, s13, $0xb8;
	[tilespmem:$0x12800] =	vst v63  }
0x56: {  	_ = 	snop  }
0x57: {  	[spmem:s2] =	stream.indirect.scatter.add.f32 [tilespmem:s15], [sflag:$0x2], $0x20, s26, s13, $0xb8;
	[tilespmem:$0x12800] =	vst v63  }
0x58: {  	_ = 	snop  }
0x59: {  	[spmem:s2] =	stream.indirect.scatter.add.f32 [tilespmem:s16], [sflag:$0x2], $0x20, s28, s13, $0xb8;
	[tilespmem:$0x12800] =	vst v63  }
0x5a: {  	_ = 	snop  }
0x5b: {  	[spmem:s2] =	stream.indirect.scatter.add.f32 [tilespmem:s17], [sflag:$0x2], $0x20, s29, s13, $0xb8;
	[tilespmem:$0x12800] =	vst v63  }
0x5c: {  	_ = 	snop  }
0x5d: {  	[spmem:s2] =	stream.indirect.scatter.add.f32 [tilespmem:s18], [sflag:$0x2], $0x20, s30, s13, $0xb8;
	[tilespmem:$0x12800] =	vst v63  }
0x5e: {  	_ = 	snop  }
0x5f: {  	[spmem:s2] =	stream.indirect.scatter.add.f32 [tilespmem:s20], [sflag:$0x2], $0x20, s31, s13, $0xb8;
	[tilespmem:$0x12800] =	vst v63  }
0x60: {  	_ = 	snop  }
0x61: {  	[spmem:s2] =	stream.indirect.scatter.add.f32 [tilespmem:s22], [sflag:$0x2], $0x20, s1, s13, $0xb8;
	[tilespmem:$0x12800] =	vst v63  }
0x62: {  	_ = 	snop  }
0x63: {  	[spmem:s2] =	stream.indirect.scatter.add.f32 [tilespmem:s24], [sflag:$0x2], $0x20, s0, s13, $0xb8;
	[tilespmem:$0x12800] =	vst v63  }
0x64: {  	_ =	swait.ge [sflag:s5], $0x1000  }
0x65: {  	[sflag:s5] =	ssyncset.done $0x0  }
0x66: {  	[sflag:s5] =	ssyncadd.s32 $0xFFFFF000  }
0x67: {  	_ =	swait.ge [sflag:s5], $0x1000  }
0x68: {  	[sflag:s5] =	ssyncset.done $0x0  }
0x69: {  	[sflag:s5] =	ssyncadd.s32 $0xFFFFF000  }
0x6a: {  	_ =	swait.ge [sflag:s5], $0x1000  }
0x6b: {  	[sflag:s5] =	ssyncset.done $0x0  }
0x6c: {  	[sflag:s5] =	ssyncadd.s32 $0xFFFFF000  }
0x6d: {  	_ =	swait.ge [sflag:s5], $0x1000  }
0x6e: {  	[sflag:s5] =	ssyncset.done $0x0  }
0x6f: {  	[sflag:s5] =	ssyncadd.s32 $0xFFFFF000  }
0x70: {  	_ =	swait.ge [sflag:s5], $0x1000  }
0x71: {  	[sflag:s5] =	ssyncset.done $0x0  }
0x72: {  	[sflag:s5] =	ssyncadd.s32 $0xFFFFF000  }
0x73: {  	_ =	swait.ge [sflag:s5], $0x1000  }
0x74: {  	[sflag:s5] =	ssyncset.done $0x0  }
0x75: {  	[sflag:s5] =	ssyncadd.s32 $0xFFFFF000  }
0x76: {  	_ =	swait.ge [sflag:s5], $0x1000  }
0x77: {  	[sflag:s5] =	ssyncset.done $0x0  }
0x78: {  	[sflag:s5] =	ssyncadd.s32 $0xFFFFF000  }
0x79: {  	s6 =	simm.s32 $0x100;
	_ =	swait.ge [sflag:s5], $0x1000  }
0x7a: {  	s8 =	simm.s32 $0x80;
	s9 =	rddreg [dreg:$0x5];
	[sflag:s5] =	ssyncset.done $0x0  }
.LBB2_2:
0x7b: {  	[sflag:s5] =	ssyncadd.s32 $0xFFFFF000;
	s9 =	sadd.s32 s8, s9  }
0x7c: {  	[tilespmem:s11], [sflag:$0x3] =	stream.linear.gather [hbm4b:s9+s3], $0x400, $0x38;
	[tilespmem:$0x12800] =	vst v63  }
0x7d: {  	_ =	swait.ge [sflag:s10], $0x400  }
0x7e: {  	s9 =	rddreg [dreg:$0x4];
	[sflag:s10] =	ssyncset.done $0x0  }
0x7f: {  	[sflag:s10] =	ssyncadd.s32 $0xFFFFFC00;
	s9 =	sadd.s32 s8, s9  }
0x80: {  	[tilespmem:s12], [sflag:$0x3] =	stream.linear.gather [hbm4b:s9+s3], $0x400, $0x38;
	[tilespmem:$0x12800] =	vst v63  }
0x81: {  	_ =	swait.ge [sflag:s10], $0x400  }
0x82: {  	[sflag:s10] =	ssyncset.done $0x0  }
0x83: {  	s7 =	smov.u32 s6;
	[sflag:s10] =	ssyncadd.s32 $0xFFFFFC00  }
0x84: {  	[tilespmem:s14], [sflag:$0x1] =	stream.indirect.gather [hbm4b:s4+s13], $0x20, s11, s13, $0xb8;
	[tilespmem:$0x12800] =	vst v63  }
0x85: {  	s8 =	smov.u32 s7;
	s7 =	rddreg [dreg:$0x6]  }
0x86: {  	[tilespmem:s15], [sflag:$0x1] =	stream.indirect.gather [hbm4b:s4+s13], $0x20, s7, s13, $0xb8;
	[tilespmem:$0x12800] =	vst v63  }
0x87: {  	s9 =	rddreg [dreg:$0x7]  }
0x88: {  	[tilespmem:s16], [sflag:$0x1] =	stream.indirect.gather [hbm4b:s4+s13], $0x20, s9, s13, $0xb8;
	[tilespmem:$0x12800] =	vst v63  }
0x89: {  	s7 =	rddreg [dreg:$0x8]  }
0x8a: {  	[tilespmem:s17], [sflag:$0x1] =	stream.indirect.gather [hbm4b:s4+s13], $0x20, s7, s13, $0xb8;
	[tilespmem:$0x12800] =	vst v63  }
0x8b: {  	s9 =	rddreg [dreg:$0x9]  }
0x8c: {  	[tilespmem:s18], [sflag:$0x1] =	stream.indirect.gather [hbm4b:s4+s13], $0x20, s9, s13, $0xb8;
	[tilespmem:$0x12800] =	vst v63  }
0x8d: {  	_ = 	snop  }
0x8e: {  	[tilespmem:s20], [sflag:$0x1] =	stream.indirect.gather [hbm4b:s4+s13], $0x20, s19, s13, $0xb8;
	[tilespmem:$0x12800] =	vst v63  }
0x8f: {  	_ = 	snop  }
0x90: {  	[tilespmem:s22], [sflag:$0x1] =	stream.indirect.gather [hbm4b:s4+s13], $0x20, s21, s13, $0xb8;
	[tilespmem:$0x12800] =	vst v63  }
0x91: {  	_ = 	snop  }
0x92: {  	[tilespmem:s24], [sflag:$0x1] =	stream.indirect.gather [hbm4b:s4+s13], $0x20, s23, s13, $0xb8;
	[tilespmem:$0x12800] =	vst v63  }
0x93: {  	_ =	swait.ge [sflag:s25], $0x1000  }
0x94: {  	[sflag:s25] =	ssyncset.done $0x0  }
0x95: {  	[sflag:s25] =	ssyncadd.s32 $0xFFFFF000  }
0x96: {  	_ =	swait.ge [sflag:s25], $0x1000  }
0x97: {  	[sflag:s25] =	ssyncset.done $0x0  }
0x98: {  	[sflag:s25] =	ssyncadd.s32 $0xFFFFF000  }
0x99: {  	_ =	swait.ge [sflag:s25], $0x1000  }
0x9a: {  	[sflag:s25] =	ssyncset.done $0x0  }
0x9b: {  	[sflag:s25] =	ssyncadd.s32 $0xFFFFF000  }
0x9c: {  	_ =	swait.ge [sflag:s25], $0x1000  }
0x9d: {  	[sflag:s25] =	ssyncset.done $0x0  }
0x9e: {  	[sflag:s25] =	ssyncadd.s32 $0xFFFFF000  }
0x9f: {  	_ =	swait.ge [sflag:s25], $0x1000  }
0xa0: {  	[sflag:s25] =	ssyncset.done $0x0  }
0xa1: {  	[sflag:s25] =	ssyncadd.s32 $0xFFFFF000  }
0xa2: {  	_ =	swait.ge [sflag:s25], $0x1000  }
0xa3: {  	[sflag:s25] =	ssyncset.done $0x0  }
0xa4: {  	[sflag:s25] =	ssyncadd.s32 $0xFFFFF000  }
0xa5: {  	_ =	swait.ge [sflag:s25], $0x1000  }
0xa6: {  	[sflag:s25] =	ssyncset.done $0x0  }
0xa7: {  	[sflag:s25] =	ssyncadd.s32 $0xFFFFF000  }
0xa8: {  	_ =	swait.ge [sflag:s25], $0x1000  }
0xa9: {  	[sflag:s25] =	ssyncset.done $0x0  }
0xaa: {  	[sflag:s25] =	ssyncadd.s32 $0xFFFFF000  }
0xab: {  	[spmem:s2] =	stream.indirect.scatter.add.f32 [tilespmem:s14], [sflag:$0x2], $0x20, s12, s13, $0xb8;
	[tilespmem:$0x12800] =	vst v63  }
0xac: {  	_ = 	snop  }
0xad: {  	[spmem:s2] =	stream.indirect.scatter.add.f32 [tilespmem:s15], [sflag:$0x2], $0x20, s26, s13, $0xb8;
	[tilespmem:$0x12800] =	vst v63  }
0xae: {  	_ = 	snop  }
0xaf: {  	[spmem:s2] =	stream.indirect.scatter.add.f32 [tilespmem:s16], [sflag:$0x2], $0x20, s28, s13, $0xb8;
	[tilespmem:$0x12800] =	vst v63  }
0xb0: {  	_ = 	snop  }
0xb1: {  	[spmem:s2] =	stream.indirect.scatter.add.f32 [tilespmem:s17], [sflag:$0x2], $0x20, s29, s13, $0xb8;
	[tilespmem:$0x12800] =	vst v63  }
0xb2: {  	_ = 	snop  }
0xb3: {  	[spmem:s2] =	stream.indirect.scatter.add.f32 [tilespmem:s18], [sflag:$0x2], $0x20, s30, s13, $0xb8;
	[tilespmem:$0x12800] =	vst v63  }
0xb4: {  	_ = 	snop  }
0xb5: {  	[spmem:s2] =	stream.indirect.scatter.add.f32 [tilespmem:s20], [sflag:$0x2], $0x20, s31, s13, $0xb8;
	[tilespmem:$0x12800] =	vst v63  }
0xb6: {  	_ = 	snop  }
0xb7: {  	[spmem:s2] =	stream.indirect.scatter.add.f32 [tilespmem:s22], [sflag:$0x2], $0x20, s1, s13, $0xb8;
	[tilespmem:$0x12800] =	vst v63  }
0xb8: {  	_ = 	snop  }
0xb9: {  	[spmem:s2] =	stream.indirect.scatter.add.f32 [tilespmem:s24], [sflag:$0x2], $0x20, s0, s13, $0xb8;
	[tilespmem:$0x12800] =	vst v63  }
0xba: {  	_ =	swait.ge [sflag:s5], $0x1000  }
0xbb: {  	[sflag:s5] =	ssyncset.done $0x0  }
0xbc: {  	[sflag:s5] =	ssyncadd.s32 $0xFFFFF000  }
0xbd: {  	_ =	swait.ge [sflag:s5], $0x1000  }
0xbe: {  	[sflag:s5] =	ssyncset.done $0x0  }
0xbf: {  	[sflag:s5] =	ssyncadd.s32 $0xFFFFF000  }
0xc0: {  	_ =	swait.ge [sflag:s5], $0x1000  }
0xc1: {  	[sflag:s5] =	ssyncset.done $0x0  }
0xc2: {  	[sflag:s5] =	ssyncadd.s32 $0xFFFFF000  }
0xc3: {  	_ =	swait.ge [sflag:s5], $0x1000  }
0xc4: {  	[sflag:s5] =	ssyncset.done $0x0  }
0xc5: {  	[sflag:s5] =	ssyncadd.s32 $0xFFFFF000  }
0xc6: {  	_ =	swait.ge [sflag:s5], $0x1000  }
0xc7: {  	[sflag:s5] =	ssyncset.done $0x0  }
0xc8: {  	[sflag:s5] =	ssyncadd.s32 $0xFFFFF000  }
0xc9: {  	_ =	swait.ge [sflag:s5], $0x1000  }
0xca: {  	[sflag:s5] =	ssyncset.done $0x0  }
0xcb: {  	p0 =	sne.s32 s6, $0x200;
	[sflag:s5] =	ssyncadd.s32 $0xFFFFF000  }
.Ltmp0:
0xcc: {  	_ =	swait.ge [sflag:s5], $0x1000;
	(pc) =	sbr.rel @p0 .LBB2_2-.Ltmp0, $4  }
0xcd: {  	[sflag:s5] =	ssyncset.done $0x0  }
0xce: {  	[sflag:s5] =	ssyncadd.s32 $0xFFFFF000  }
0xcf: {  	_ =	swait.ge [sflag:s5], $0x1000  }
0xd0: {  	s6 =	sadd.s32 $0x80, s6;
	s9 =	rddreg [dreg:$0x5];
	[sflag:s5] =	ssyncset.done $0x0  }
0xd1: {  	[sflag:s5] =	ssyncadd.s32 $0xFFFFF000;
	s6 =	sadd.s32 s8, s9  }
0xd2: {  	[tilespmem:s11], [sflag:$0x3] =	stream.linear.gather [hbm4b:s6+s3], $0x400, $0x38;
	[tilespmem:$0x12800] =	vst v63  }
0xd3: {  	_ =	swait.ge [sflag:s10], $0x400  }
0xd4: {  	s7 =	rddreg [dreg:$0x4];
	[sflag:s10] =	ssyncset.done $0x0  }
0xd5: {  	[sflag:s10] =	ssyncadd.s32 $0xFFFFFC00;
	s6 =	sadd.s32 s8, s7  }
0xd6: {  	[tilespmem:s12], [sflag:$0x3] =	stream.linear.gather [hbm4b:s6+s3], $0x400, $0x38;
	[tilespmem:$0x12800] =	vst v63  }
0xd7: {  	_ =	swait.ge [sflag:s10], $0x400  }
0xd8: {  	[sflag:s10] =	ssyncset.done $0x0  }
0xd9: {  	[sflag:s10] =	ssyncadd.s32 $0xFFFFFC00  }
0xda: {  	[tilespmem:s14], [sflag:$0x1] =	stream.indirect.gather [hbm4b:s4+s13], $0x20, s11, s13, $0xb8;
	[tilespmem:$0x12800] =	vst v63  }
0xdb: {  	s8 =	rddreg [dreg:$0x6]  }
0xdc: {  	[tilespmem:s15], [sflag:$0x1] =	stream.indirect.gather [hbm4b:s4+s13], $0x20, s8, s13, $0xb8;
	[tilespmem:$0x12800] =	vst v63  }
0xdd: {  	s7 =	rddreg [dreg:$0x7]  }
0xde: {  	[tilespmem:s16], [sflag:$0x1] =	stream.indirect.gather [hbm4b:s4+s13], $0x20, s7, s13, $0xb8;
	[tilespmem:$0x12800] =	vst v63  }
0xdf: {  	s9 =	rddreg [dreg:$0x8]  }
0xe0: {  	[tilespmem:s17], [sflag:$0x1] =	stream.indirect.gather [hbm4b:s4+s13], $0x20, s9, s13, $0xb8;
	[tilespmem:$0x12800] =	vst v63  }
0xe1: {  	s8 =	rddreg [dreg:$0x9]  }
0xe2: {  	[tilespmem:s18], [sflag:$0x1] =	stream.indirect.gather [hbm4b:s4+s13], $0x20, s8, s13, $0xb8;
	[tilespmem:$0x12800] =	vst v63  }
0xe3: {  	_ = 	snop  }
0xe4: {  	[tilespmem:s20], [sflag:$0x1] =	stream.indirect.gather [hbm4b:s4+s13], $0x20, s19, s13, $0xb8;
	[tilespmem:$0x12800] =	vst v63  }
0xe5: {  	_ = 	snop  }
0xe6: {  	[tilespmem:s22], [sflag:$0x1] =	stream.indirect.gather [hbm4b:s4+s13], $0x20, s21, s13, $0xb8;
	[tilespmem:$0x12800] =	vst v63  }
0xe7: {  	_ = 	snop  }
0xe8: {  	[tilespmem:s24], [sflag:$0x1] =	stream.indirect.gather [hbm4b:s4+s13], $0x20, s23, s13, $0xb8;
	[tilespmem:$0x12800] =	vst v63  }
0xe9: {  	_ =	swait.ge [sflag:s25], $0x1000  }
0xea: {  	[sflag:s25] =	ssyncset.done $0x0  }
0xeb: {  	[sflag:s25] =	ssyncadd.s32 $0xFFFFF000  }
0xec: {  	_ =	swait.ge [sflag:s25], $0x1000  }
0xed: {  	[sflag:s25] =	ssyncset.done $0x0  }
0xee: {  	[sflag:s25] =	ssyncadd.s32 $0xFFFFF000  }
0xef: {  	_ =	swait.ge [sflag:s25], $0x1000  }
0xf0: {  	[sflag:s25] =	ssyncset.done $0x0  }
0xf1: {  	[sflag:s25] =	ssyncadd.s32 $0xFFFFF000  }
0xf2: {  	_ =	swait.ge [sflag:s25], $0x1000  }
0xf3: {  	[sflag:s25] =	ssyncset.done $0x0  }
0xf4: {  	[sflag:s25] =	ssyncadd.s32 $0xFFFFF000  }
0xf5: {  	_ =	swait.ge [sflag:s25], $0x1000  }
0xf6: {  	[sflag:s25] =	ssyncset.done $0x0  }
0xf7: {  	[sflag:s25] =	ssyncadd.s32 $0xFFFFF000  }
0xf8: {  	_ =	swait.ge [sflag:s25], $0x1000  }
0xf9: {  	[sflag:s25] =	ssyncset.done $0x0  }
0xfa: {  	[sflag:s25] =	ssyncadd.s32 $0xFFFFF000  }
0xfb: {  	_ =	swait.ge [sflag:s25], $0x1000  }
0xfc: {  	[sflag:s25] =	ssyncset.done $0x0  }
0xfd: {  	[sflag:s25] =	ssyncadd.s32 $0xFFFFF000  }
0xfe: {  	_ =	swait.ge [sflag:s25], $0x1000  }
0xff: {  	[sflag:s25] =	ssyncset.done $0x0  }
0x100: {  	[sflag:s25] =	ssyncadd.s32 $0xFFFFF000  }
0x101: {  	[spmem:s2] =	stream.indirect.scatter.add.f32 [tilespmem:s14], [sflag:$0x2], $0x20, s12, s13, $0xb8;
	[tilespmem:$0x12800] =	vst v63  }
0x102: {  	_ = 	snop  }
0x103: {  	[spmem:s2] =	stream.indirect.scatter.add.f32 [tilespmem:s15], [sflag:$0x2], $0x20, s26, s13, $0xb8;
	[tilespmem:$0x12800] =	vst v63  }
0x104: {  	_ = 	snop  }
0x105: {  	[spmem:s2] =	stream.indirect.scatter.add.f32 [tilespmem:s16], [sflag:$0x2], $0x20, s28, s13, $0xb8;
	[tilespmem:$0x12800] =	vst v63  }
0x106: {  	_ = 	snop  }
0x107: {  	[spmem:s2] =	stream.indirect.scatter.add.f32 [tilespmem:s17], [sflag:$0x2], $0x20, s29, s13, $0xb8;
	[tilespmem:$0x12800] =	vst v63  }
0x108: {  	_ = 	snop  }
0x109: {  	[spmem:s2] =	stream.indirect.scatter.add.f32 [tilespmem:s18], [sflag:$0x2], $0x20, s30, s13, $0xb8;
	[tilespmem:$0x12800] =	vst v63  }
0x10a: {  	_ = 	snop  }
0x10b: {  	[spmem:s2] =	stream.indirect.scatter.add.f32 [tilespmem:s20], [sflag:$0x2], $0x20, s31, s13, $0xb8;
	[tilespmem:$0x12800] =	vst v63  }
0x10c: {  	_ = 	snop  }
0x10d: {  	[spmem:s2] =	stream.indirect.scatter.add.f32 [tilespmem:s22], [sflag:$0x2], $0x20, s1, s13, $0xb8;
	[tilespmem:$0x12800] =	vst v63  }
0x10e: {  	_ = 	snop  }
0x10f: {  	[spmem:s2] =	stream.indirect.scatter.add.f32 [tilespmem:s24], [sflag:$0x2], $0x20, s0, s13, $0xb8;
	[tilespmem:$0x12800] =	vst v63  }
0x110: {  	_ =	swait.ge [sflag:s5], $0x1000  }
0x111: {  	[sflag:s5] =	ssyncset.done $0x0  }
0x112: {  	[sflag:s5] =	ssyncadd.s32 $0xFFFFF000  }
0x113: {  	_ =	swait.ge [sflag:s5], $0x1000  }
0x114: {  	[sflag:s5] =	ssyncset.done $0x0  }
0x115: {  	[sflag:s5] =	ssyncadd.s32 $0xFFFFF000  }
0x116: {  	_ =	swait.ge [sflag:s5], $0x1000  }
0x117: {  	[sflag:s5] =	ssyncset.done $0x0  }
0x118: {  	[sflag:s5] =	ssyncadd.s32 $0xFFFFF000  }
0x119: {  	_ =	swait.ge [sflag:s5], $0x1000  }
0x11a: {  	[sflag:s5] =	ssyncset.done $0x0  }
0x11b: {  	[sflag:s5] =	ssyncadd.s32 $0xFFFFF000  }
0x11c: {  	_ =	swait.ge [sflag:s5], $0x1000  }
0x11d: {  	[sflag:s5] =	ssyncset.done $0x0  }
0x11e: {  	[sflag:s5] =	ssyncadd.s32 $0xFFFFF000  }
0x11f: {  	_ =	swait.ge [sflag:s5], $0x1000  }
0x120: {  	[sflag:s5] =	ssyncset.done $0x0  }
0x121: {  	[sflag:s5] =	ssyncadd.s32 $0xFFFFF000  }
0x122: {  	_ =	swait.ge [sflag:s5], $0x1000  }
0x123: {  	[sflag:s5] =	ssyncset.done $0x0  }
0x124: {  	[sflag:s5] =	ssyncadd.s32 $0xFFFFF000  }
0x125: {  	_ =	swait.ge [sflag:s5], $0x1000  }
0x126: {  	[sflag:s5] =	ssyncset.done $0x0  }
0x127: {  	[sflag:s5] =	ssyncadd.s32 $0xFFFFF000  }
0x128: {  	[bflag:$0x0] =	sbarrier.arrive $0xFFFF  }
0x129: {  	s7 =	simm.s32 $0xD800;
	s8 =	rddreg [dreg:$0xb]  }
0x12a: {  	[tilespmem:s7], [sflag:$0x3] =	stream.linear.gather [spmem:s8], $0x5000, $0x38;
	[tilespmem:$0x12800] =	vst v63  }
0x12b: {  	_ =	swait.ge [sflag:s10], $0x5000  }
0x12c: {  	[sflag:s10] =	ssyncset.done $0x0  }
0x12d: {  	s9 =	rddreg [dreg:$0xc];
	[sflag:s10] =	ssyncadd.s32 $0xFFFFB000  }
0x12e: {  	[hbm4b:s9+s3] =	stream.linear.scatter [tilespmem:s7], [sflag:$0x3], $0x5000, $0x38;
	[tilespmem:$0x12800] =	vst v63  }
0x12f: {  	_ =	swait.ge [sflag:s10], $0x5000  }
0x130: {  	s6 =	rddreg [dreg:$0xe]  }
0x131: {  	s9 =	sadd.s32 $0x1, s6;
	s6 =	rddreg [dreg:$0xd]  }
0x132: {  	p0 =	sne.s32 s9, s6  }
.Ltmp1:
0x133: {  	_ = 	snop;
	(pc) =	sbr.rel @p0 .LBB2_1-.Ltmp1, $3  }
0x134: {  	_ =	sdelay $0x1  }
0x135: {  	[sflag:s10] =	ssyncset.done $0x0  }
0x136: {  	[sflag:s10] =	ssyncadd.s32 $0xFFFFB000  }
0x137: {  	_ =	sfence.sel $0x180000  }
0x138: {  	[bflag:$0x0] =	sbarrier.arrive $0xFFFF  }
0x139: {  	_ =	strace $0x9000004A  }
0x13a: {  	s0 =	stileid.u32;
	[bflag:$0x2] =	sbarrier.arrive $0xFFFF  }
0x13b: {  	p0 =	sne.s32 s0, $0x0;
	s0 =	rddreg [dreg:$0x3]  }
0x13c: {  	s0 =	sadd.s32 @!p0 $0x100000, s0  }
0x13d: {  	[sflag:s0] =	ssyncadd.tile.s32 @!p0 $0x1;
	_ =	shalt  }
.Lfunc_end2:
_tile_overlayer_lowered:
.L_overlay_start_2:
0x13e: {  	(tag) =	ssettag $0x2  }
0x13f: {  	s0 =	rddreg [dreg:$0x0];
	s2 =	stileid.u32  }
0x140: {  	s1 =	rddreg [dreg:$0x1];
	p0 =	sne.s32 s2, $0x0  }
0x141: {  	s3 =	rddreg [dreg:$0x2];
	[bflag:$0x3] =	sbarrier.arrive $0xFFFF;
	s2 =	simm.s32 @!p0 $0x1C03  }
0x142: {  	[timem:s3], [sflag:s2] =	dma.local @!p0 [hbm:s0], s1  }
0x143: {  	s0 =	simm.s32 @!p0 $0x3  }
0x144: {  	_ =	swait.ge @!p0 [sflag:s0], s1  }
0x145: {  	s1 =	ssub.s32 @!p0 $0x0, s1;
	[sflag:s0] =	ssyncset.done @!p0 $0x0  }
0x146: {  	[sflag:s0] =	ssyncadd.s32 @!p0 s1  }
0x147: {  	[bflag:$0x3] =	sbarrier.arrive $0xFFFF  }
0x148: {  	_ =	shalt  }

// kernel: kernel.15.cloned.1.call-start
scs
__scs_entry_jumppad:
0x0: {  	(pc) =	sbr.rel $0x88, $3  }
0x1: {  	(tag) =	ssettag $0x0;
	lr =	simm.s32 $0x1  }
0x2: {  	[smem:$0x3F98] =	sst lr;
	_ =	strace $0xD0000000  }
0x3: {  	_ = 	snop  }
0x4: {  	_ = 	snop  }
0x5: {  	_ = 	snop  }
0x6: {  	_ = 	snop  }
0x7: {  	_ = 	snop  }
__scs_overlays_trampoline_lowered:
0x8: {  	[smem:$0x3FA7] =	sst s0  }
0x9: {  	[smem:$0x3FA8] =	sst s1  }
0xa: {  	[smem:$0x3FA9] =	sst s2  }
0xb: {  	[smem:$0x3FAA] =	sst s3  }
0xc: {  	[smem:$0x3FAB] =	sst s4  }
0xd: {  	[smem:$0x3FAC] =	sst s5  }
0xe: {  	[smem:$0x3FAD] =	sst s6  }
0xf: {  	[smem:$0x3FAE] =	sst s7  }
0x10: {  	[smem:$0x3FAF] =	sst s8  }
0x11: {  	[smem:$0x3FB0] =	sst s9;
	s0 =	simm.s32 @!p0 $0x0  }
0x12: {  	s1 =	sld [smem:$0x3F96];
	s0 =	simm.s32 @p0 $0x1  }
0x13: {  	[smem:$0x3FB1] =	sst s0;
	s0 =	simm.s32 @!p1 $0x0  }
0x14: {  	s2 =	sld [smem:$0x3F95];
	s0 =	simm.s32 @p1 $0x1  }
0x15: {  	[smem:$0x3FB2] =	sst s0;
	s0 =	simm.s32 @!p2 $0x0  }
0x16: {  	s3 =	sld [smem:$0x3FDB];
	s0 =	simm.s32 @p2 $0x1  }
0x17: {  	s4 =	simm.s32 $0x1BF5;
	[smem:$0x3FB4] =	sst s0  }
0x18: {  	s0 =	sld [smem:$0x3F97];
	_ =	swait.ge [sflag:s4], $0x0  }
0x19: {  	s7 =	sld [smem:$0x3F98]  }
0x1a: {  	s8 =	sadd.s32 $0xFFFFE003, lr  }
0x1b: {  	s9 =	sadd.s32 $0xFFFFFEF7, lr;
	s5 =	simm.s32 $0xFFFFFFFF;
	p2 =	slt.u32 s8, $0xFFFFF086  }
0x1c: {  	p1 =	slt.u32 s9, $0xF7A;
	s5 =	simm.s32 @!p2 $0x0  }
0x1d: {  	s5 =	simm.s32 @p1 $0x1;
	p0 =	seq.s32 s7, s2  }
0x1e: {  	s7 =	smul.u32 @!p0 $0xF7A, s2;
	p2 =	seq.s32 @!p0 s5, $0x0  }
0x1f: {  	s9 =	smul.u32 $0xF7A, s1;
	s8 =	simm.s32 @!p0 $0x1BF5;
	p2 =	por !p2, p0  }
0x20: {  	[sflag:s8] =	ssyncset.s32 @!p0 $0xFFFFF086;
	s6 =	sadd.s32 @!p0 s3, s7;
	s7 =	simm.s32 @!p0 $0x108  }
0x21: {  	s3 =	sadd.s32 s3, s9;
	s6 =	sadd.s32 @!p0 $0x88, s6;
	s7 =	simm.s32 @p2 $0x1082  }
0x22: {  	[simem:s7], [sflag:s8] =	dma.local @!p0 [hbm:s6], $0xF7A  }
0x23: {  	s9 =	sor.u32 $0xD0000000, s2;
	s6 =	simm.s32 $0x108;
	_ =	swait.ge @!p0 [sflag:s8], $0x0  }
0x24: {  	s3 =	sadd.s32 $0x88, s3;
	s6 =	simm.s32 @!p1 $0x1082;
	[sflag:s4] =	ssyncset.s32 $0xFFFFF086  }
0x25: {  	[simem:s6], [sflag:s4] =	dma.local [hbm:s3], $0xF7A  }
0x26: {  	[smem:$0x3F98] =	sst s1;
	(tag) =	ssettag s2;
	_ =	strace s9  }
0x27: {  	s1 =	sld [smem:$0x3FA8]  }
0x28: {  	s2 =	sld [smem:$0x3FA9]  }
0x29: {  	s4 =	sld [smem:$0x3FAB]  }
0x2a: {  	p0 =	seq.s32 s5, $0x0;
	s5 =	sld [smem:$0x3FAC]  }
0x2b: {  	s6 =	sld [smem:$0x3FAD]  }
0x2c: {  	s7 =	sld [smem:$0x3FAE]  }
0x2d: {  	s3 =	simm.s32 $0x108;
	s8 =	sld [smem:$0x3FAF]  }
0x2e: {  	s3 =	simm.s32 @!p0 $0x1082;
	s9 =	sld [smem:$0x3FB0]  }
0x2f: {  	lr =	sadd.s32 s0, s3;
	s0 =	sld [smem:$0x3FA7]  }
0x30: {  	s3 =	sld [smem:$0x3FAA]  }
0x31: {  	[smem:$0x3FB3] =	sst s10  }
0x32: {  	s10 =	sld [smem:$0x3FB1];
	_ =	sdelay $0x3  }
0x33: {  	p0 =	seq.s32 s10, $0x1;
	s10 =	sld [smem:$0x3FB3];
	_ =	sdelay $0x3  }
0x34: {  	[smem:$0x3FB3] =	sst s10  }
0x35: {  	s10 =	sld [smem:$0x3FB2];
	_ =	sdelay $0x3  }
0x36: {  	p1 =	seq.s32 s10, $0x1;
	s10 =	sld [smem:$0x3FB3];
	_ =	sdelay $0x3  }
0x37: {  	[smem:$0x3FB3] =	sst s10  }
0x38: {  	s10 =	sld [smem:$0x3FB4]  }
0x39: {  	_ = 	snop;
	(pc) =	sbr.ind lr, $3  }
0x3a: {  	_ = 	snop  }
0x3b: {  	_ = 	snop  }
0x3c: {  	p2 =	seq.s32 s10, $0x1;
	s10 =	sld [smem:$0x3FB3]  }
0x3d: {  	_ =	shalt  }
0x3e: {  	_ =	shalt  }
0x3f: {  	_ =	shalt  }
0x40: {  	_ =	shalt  }
0x41: {  	_ =	shalt  }
0x42: {  	_ =	shalt  }
0x43: {  	_ =	shalt  }
0x44: {  	_ =	shalt  }
0x45: {  	_ =	shalt  }
0x46: {  	_ =	shalt  }
0x47: {  	_ =	shalt  }
0x48: {  	_ =	shalt  }
0x49: {  	_ =	shalt  }
0x4a: {  	_ =	shalt  }
0x4b: {  	_ =	shalt  }
0x4c: {  	_ =	shalt  }
0x4d: {  	_ =	shalt  }
0x4e: {  	_ =	shalt  }
0x4f: {  	_ =	shalt  }
0x50: {  	_ =	shalt  }
0x51: {  	_ =	shalt  }
0x52: {  	_ =	shalt  }
0x53: {  	_ =	shalt  }
0x54: {  	_ =	shalt  }
0x55: {  	_ =	shalt  }
0x56: {  	_ =	shalt  }
0x57: {  	_ =	shalt  }
0x58: {  	_ =	shalt  }
0x59: {  	_ =	shalt  }
0x5a: {  	_ =	shalt  }
0x5b: {  	_ =	shalt  }
0x5c: {  	_ =	shalt  }
0x5d: {  	_ =	shalt  }
0x5e: {  	_ =	shalt  }
0x5f: {  	_ =	shalt  }
0x60: {  	_ =	shalt  }
0x61: {  	_ =	shalt  }
0x62: {  	_ =	shalt  }
0x63: {  	_ =	shalt  }
0x64: {  	_ =	shalt  }
0x65: {  	_ =	shalt  }
0x66: {  	_ =	shalt  }
0x67: {  	_ =	shalt  }
0x68: {  	_ =	shalt  }
0x69: {  	_ =	shalt  }
0x6a: {  	_ =	shalt  }
0x6b: {  	_ =	shalt  }
0x6c: {  	_ =	shalt  }
0x6d: {  	_ =	shalt  }
0x6e: {  	_ =	shalt  }
0x6f: {  	_ =	shalt  }
0x70: {  	_ =	shalt  }
0x71: {  	_ =	shalt  }
0x72: {  	_ =	shalt  }
0x73: {  	_ =	shalt  }
0x74: {  	_ =	shalt  }
0x75: {  	_ =	shalt  }
0x76: {  	_ =	shalt  }
0x77: {  	_ =	shalt  }
0x78: {  	_ =	shalt  }
0x79: {  	_ =	shalt  }
0x7a: {  	_ =	shalt  }
0x7b: {  	_ =	shalt  }
0x7c: {  	_ =	shalt  }
0x7d: {  	_ =	shalt  }
0x7e: {  	_ =	shalt  }
0x7f: {  	_ =	shalt  }
0x80: {  	_ =	shalt  }
0x81: {  	_ =	shalt  }
0x82: {  	_ =	shalt  }
0x83: {  	_ =	shalt  }
0x84: {  	_ =	shalt  }
0x85: {  	_ =	shalt  }
0x86: {  	_ =	shalt  }
0x87: {  	_ =	shalt  }
.Lfunc_end0:
.L_simem_size_0:
called_computation.2_lowered:
.L_overlay_start_0:
0x88: {  	s2 =	sld [smem:$0x3FD9]  }
0x89: {  	s3 =	sld [smem:$0x3FFE];
	_ =	sdelay $0x1  }
0x8a: {  	s1 =	srdreg.scid  }
0x8b: {  	s0 =	sand.u32 $0x1, s1  }
0x8c: {  	s17 =	sshll.u32 s0, $0xA;
	s2 =	sadd.s32 s3, s2  }
0x8d: {  	s2 =	sadd.s32 s2, s17  }
0x8e: {  	[smem:$0x3FBF] =	sst s2  }
0x8f: {  	_ = 	snop  }
0x90: {  	s2 =	sld [smem:$0x3FD0];
	(tm) =	ssettm $0x1  }
0x91: {  	s18 =	sld [smem:$0x3FFB];
	_ =	sdelay $0x3  }
0x92: {  	_ =	strace s18  }
0x93: {  	s3 =	sld [smem:$0x3FFC];
	_ =	sdelay $0x3  }
0x94: {  	_ =	strace s3  }
0x95: {  	s3 =	sld [smem:$0x3FFD];
	_ =	sdelay $0x3  }
0x96: {  	_ =	strace s3  }
0x97: {  	_ =	strace $0x8FFFFFFF  }
0x98: {  	s19 =	sld [smem:$0x3FDB];
	_ =	sdelay $0x1  }
0x99: {  	s4 =	simm.s32 $_scs_section_size  }
0x9a: {  	s5 =	simm.s32 $_size__tile_overlayer_lowered;
	s6 =	simm.s32 $_tile_overlayer_lowered  }
0x9b: {  	s22 =	simm.s32 $0x1BFF;
	s21 =	sshll.u32 s6, $0x1;
	s3 =	sadd.s32 s4, s19  }
0x9c: {  	s7 =	simm.s32 $0x0;
	s20 =	sshll.u32 s5, $0x1;
	s5 =	sadd.s32 s21, s3  }
0x9d: {  	[timem:s7], [sflag:s22] =	dma.local [hbm:s5], s20  }
0x9e: {  	_ =	swait.ge [sflag:s22], s20  }
0x9f: {  	s4 =	ssub.s32 $0x0, s20;
	[sflag:s22] =	ssyncset.done $0x0  }
0xa0: {  	[sflag:s22] =	ssyncadd.s32 s4;
	_ =	sdelay $0x1  }
0xa1: {  	s23 =	simm.s32 $0x1B8B  }
0xa2: {  	_ =	swait.ge [sflag:s23], $0x1  }
0xa3: {  	[sflag:s23] =	ssyncset.done $0x0  }
0xa4: {  	s25 =	simm.s32 $0x1B8E;
	s24 =	sld [smem:$0x3FFE];
	[sflag:s23] =	ssyncadd.s32 $0xFFFFFFFF  }
0xa5: {  	s26 =	simm.s32 $execute0_lowered;
	[smem:$0x3FD2] =	sst s25  }
0xa6: {  	s5 =	sshll.u32 s26, $0x1;
	_ =	strace $0x8000004C;
	[dreg:$0x1] =	wrdreg $0xFFFFFFFF  }
0xa7: {  	s28 =	simm.s32 $_size_execute0_lowered;
	s3 =	sadd.s32 s3, s5;
	[dreg:$0x0] =	wrdreg $0x0  }
0xa8: {  	s5 =	sshll.u32 s28, $0x1;
	[dreg:$0x2] =	wrdreg s3  }
0xa9: {  	[dreg:$0x3] =	wrdreg s5  }
0xaa: {  	[dreg:$0x4] =	wrdreg $0xC0  }
0xab: {  	_ =	task [dreg:s7], $0x5FFFF  }
0xac: {  	[dreg:$0x1] =	wrdreg $0xFFFFFFFF  }
0xad: {  	[dreg:$0x0] =	wrdreg $0x60  }
0xae: {  	[dreg:$0x2] =	wrdreg s24  }
0xaf: {  	[dreg:$0x3] =	wrdreg s2  }
0xb0: {  	[dreg:$0x4] =	wrdreg $0x0  }
0xb1: {  	[dreg:$0x5] =	wrdreg $0x9  }
0xb2: {  	_ =	task.clear_ibuf [dreg:s7], $0x6FFFF;
	_ =	strace $0x9000004C  }
0xb3: {  	s29 =	simm.s32 $0x9;
	_ =	strace $0x8000004E  }
0xb4: {  	_ =	swait.ge [sflag:s29], $0x1  }
0xb5: {  	[sflag:s29] =	ssyncadd.s32 $0xFFFFFFFF  }
0xb6: {  	_ =	strace $0x9000004E  }
0xb7: {  	_ =	sfence  }
0xb8: {  	s30 =	sld [smem:$0x0];
	_ =	sdelay $0x2  }
0xb9: {  	s31 =	sshll.u32 s1, $0xD;
	s1 =	sshrl.u32 s1, $0x2  }
0xba: {  	s3 =	sand.u32 $0x4000, s31;
	s1 =	sadd.s32 s1, s30  }
0xbb: {  	s0 =	sor.u32 s3, s0;
	s1 =	sshll.u32 s1, $0x11  }
0xbc: {  	s0 =	sor.u32 s1, s0  }
0xbd: {  	s0 =	sadd.s32 $0x8F2B, s0  }
0xbe: {  	[sflag:s0] =	ssyncadd.remote.s32 $0x1  }
0xbf: {  	_ =	sfence.sel $0xFFFF  }
0xc0: {  	[dreg:$0x0] =	wrdreg $0xFFFFFFFF;
	(pc) =	sbr.abs _section_cstart, $3  }
0xc1: {  	[dreg:$0x1] =	wrdreg $0xFFFFFFFF  }
0xc2: {  	_ =	task.clear_ibuf [dreg:s7], $0x2FFFF;
	_ =	strace $0x9FFFFFFF  }
0xc3: {  	(tm) =	ssettm $0x7FFFFFFF  }
tec
execute0_lowered:
.L_overlay_start_1:
0x0: {  	(tag) =	ssettag $0x1  }
0x1: {  	s0 =	rddreg [dreg:$0x0]  }
0x2: {  	s1 =	rddreg [dreg:$0x1];
	s3 =	srdreg.scid  }
0x3: {  	s7 =	stileid.u32;
	s2 =	rddreg [dreg:$0x2]  }
0x4: {  	s10 =	simm.s32 $0x3;
	s11 =	simm.s32 $0x5000;
	s12 =	simm.s32 $0x5400  }
0x5: {  	s13 =	simm.s32 $0x80;
	s14 =	simm.s32 $0x5800;
	s23 =	simm.s32 $0x5080  }
0x6: {  	s15 =	simm.s32 $0x6800;
	s24 =	simm.s32 $0x5100;
	s25 =	simm.s32 $0x5180  }
0x7: {  	s26 =	simm.s32 $0x5200;
	s28 =	simm.s32 $0x5500;
	s29 =	simm.s32 $0x5580  }
0x8: {  	s30 =	simm.s32 $0x5600;
	s4 =	sand.u32 $0x1, s3;
	s3 =	simm.s32 $0x0  }
0x9: {  	s31 =	simm.s32 $0x5680;
	s5 =	smul.u32 $0x2800, s7;
	[smem:$0x7FF] =	sst s3  }
0xa: {  	s16 =	smul.u32 $0x5000, s7;
	_ =	strace $0x8000004D;
	[dreg:$0x6] =	wrdreg s23  }
0xb: {  	s7 =	simm.s32 $0xD800;
	s6 =	smul.u32 $0x1400, s4;
	[dreg:$0x7] =	wrdreg s24  }
0xc: {  	s17 =	ssub.s32 $0x2, s4;
	s8 =	smul.u32 $0x50000, s4;
	[dreg:$0x8] =	wrdreg s25  }
0xd: {  	s4 =	sadd.s32 $0xC600, s0;
	s9 =	sshrl.u32 s17, $0x1;
	[dreg:$0x9] =	wrdreg s26  }
0xe: {  	s23 =	simm.s32 $0x5380;
	s24 =	simm.s32 $0xC800;
	s25 =	simm.s32 $0x1  }
0xf: {  	s26 =	simm.s32 $0x5480;
	s5 =	sadd.s32 s6, s5;
	s18 =	ssub.s32 s17, s9  }
0x10: {  	s19 =	sadd.s32 s16, s8;
	s8 =	sadd.s32 s16, s2;
	s16 =	simm.s32 $0x7800  }
0x11: {  	s17 =	simm.s32 $0x8800;
	s5 =	sshrl.u32 s5, $0x3;
	s20 =	sshrl.u32 s19, $0x3  }
0x12: {  	[dreg:$0xb] =	wrdreg s8;
	s5 =	sadd.s32 s5, s0;
	s0 =	sadd.s32 $0xBC00, s0  }
0x13: {  	s9 =	simm.s32 $0x0;
	s1 =	sadd.s32 s1, s20;
	[dreg:$0xa] =	wrdreg s0  }
0x14: {  	s19 =	simm.s32 $0x5280;
	s21 =	sadd.s32 $0x1C00, s5;
	[dreg:$0xc] =	wrdreg s1  }
0x15: {  	s20 =	simm.s32 $0xA800;
	s0 =	smax.u32 s18, $0x1;
	[dreg:$0x4] =	wrdreg s21  }
0x16: {  	s22 =	sadd.s32 $0x6C00, s5;
	s18 =	simm.s32 $0x9800;
	[dreg:$0xd] =	wrdreg s0  }
0x17: {  	s1 =	simm.s32 $0x5700;
	s5 =	simm.s32 $0x2;
	[dreg:$0x5] =	wrdreg s22  }
0x18: {  	s21 =	simm.s32 $0x5300;
	s22 =	simm.s32 $0xB800;
	s0 =	simm.s32 $0x5780  }
.LBB2_1:
0x19: {  	[dreg:$0xe] =	wrdreg s9  }
0x1a: {  	s6 =	rddreg [dreg:$0xa]  }
0x1b: {  	[tilespmem:s7], [sflag:$0x3] =	stream.linear.gather [hbm4b:s6+s3], $0x5000, $0x38;
	[tilespmem:$0x12800] =	vst v63  }
0x1c: {  	_ =	swait.ge [sflag:s10], $0x5000  }
0x1d: {  	[sflag:s10] =	ssyncset.done $0x0  }
0x1e: {  	[sflag:s10] =	ssyncadd.s32 $0xFFFFB000  }
0x1f: {  	[spmem:s8] =	stream.linear.scatter [tilespmem:s7], [sflag:$0x3], $0x5000, $0x38;
	[tilespmem:$0x12800] =	vst v63  }
0x20: {  	_ =	swait.ge [sflag:s10], $0x5000  }
0x21: {  	[sflag:s10] =	ssyncset.done $0x0  }
0x22: {  	[sflag:s10] =	ssyncadd.s32 $0xFFFFB000  }
0x23: {  	[bflag:$0x0] =	sbarrier.arrive $0xFFFF  }
0x24: {  	s9 =	rddreg [dreg:$0x5]  }
0x25: {  	s6 =	sadd.s32 $0x0, s9  }
0x26: {  	[tilespmem:s11], [sflag:$0x3] =	stream.linear.gather [hbm4b:s6+s3], $0x400, $0x38;
	[tilespmem:$0x12800] =	vst v63  }
0x27: {  	_ =	swait.ge [sflag:s10], $0x400  }
0x28: {  	s7 =	rddreg [dreg:$0x4];
	[sflag:s10] =	ssyncset.done $0x0  }
0x29: {  	[sflag:s10] =	ssyncadd.s32 $0xFFFFFC00;
	s6 =	sadd.s32 $0x0, s7  }
0x2a: {  	[tilespmem:s12], [sflag:$0x3] =	stream.linear.gather [hbm4b:s6+s3], $0x400, $0x38;
	[tilespmem:$0x12800] =	vst v63  }
0x2b: {  	_ =	swait.ge [sflag:s10], $0x400  }
0x2c: {  	[sflag:s10] =	ssyncset.done $0x0  }
0x2d: {  	[sflag:s10] =	ssyncadd.s32 $0xFFFFFC00  }
0x2e: {  	[tilespmem:s14], [sflag:$0x1] =	stream.indirect.gather [hbm4b:s4+s13], $0x20, s11, s13, $0xb8;
	[tilespmem:$0x12800] =	vst v63  }
0x2f: {  	s8 =	rddreg [dreg:$0x6]  }
0x30: {  	[tilespmem:s15], [sflag:$0x1] =	stream.indirect.gather [hbm4b:s4+s13], $0x20, s8, s13, $0xb8;
	[tilespmem:$0x12800] =	vst v63  }
0x31: {  	s9 =	rddreg [dreg:$0x7]  }
0x32: {  	[tilespmem:s16], [sflag:$0x1] =	stream.indirect.gather [hbm4b:s4+s13], $0x20, s9, s13, $0xb8;
	[tilespmem:$0x12800] =	vst v63  }
0x33: {  	s7 =	rddreg [dreg:$0x8]  }
0x34: {  	[tilespmem:s17], [sflag:$0x1] =	stream.indirect.gather [hbm4b:s4+s13], $0x20, s7, s13, $0xb8;
	[tilespmem:$0x12800] =	vst v63  }
0x35: {  	s9 =	rddreg [dreg:$0x9]  }
0x36: {  	[tilespmem:s18], [sflag:$0x1] =	stream.indirect.gather [hbm4b:s4+s13], $0x20, s9, s13, $0xb8;
	[tilespmem:$0x12800] =	vst v63  }
0x37: {  	_ = 	snop  }
0x38: {  	[tilespmem:s20], [sflag:$0x1] =	stream.indirect.gather [hbm4b:s4+s13], $0x20, s19, s13, $0xb8;
	[tilespmem:$0x12800] =	vst v63  }
0x39: {  	_ = 	snop  }
0x3a: {  	[tilespmem:s22], [sflag:$0x1] =	stream.indirect.gather [hbm4b:s4+s13], $0x20, s21, s13, $0xb8;
	[tilespmem:$0x12800] =	vst v63  }
0x3b: {  	_ = 	snop  }
0x3c: {  	[tilespmem:s24], [sflag:$0x1] =	stream.indirect.gather [hbm4b:s4+s13], $0x20, s23, s13, $0xb8;
	[tilespmem:$0x12800] =	vst v63  }
0x3d: {  	_ =	swait.ge [sflag:s25], $0x1000  }
0x3e: {  	[sflag:s25] =	ssyncset.done $0x0  }
0x3f: {  	[sflag:s25] =	ssyncadd.s32 $0xFFFFF000  }
0x40: {  	_ =	swait.ge [sflag:s25], $0x1000  }
0x41: {  	[sflag:s25] =	ssyncset.done $0x0  }
0x42: {  	[sflag:s25] =	ssyncadd.s32 $0xFFFFF000  }
0x43: {  	_ =	swait.ge [sflag:s25], $0x1000  }
0x44: {  	[sflag:s25] =	ssyncset.done $0x0  }
0x45: {  	[sflag:s25] =	ssyncadd.s32 $0xFFFFF000  }
0x46: {  	_ =	swait.ge [sflag:s25], $0x1000  }
0x47: {  	[sflag:s25] =	ssyncset.done $0x0  }
0x48: {  	[sflag:s25] =	ssyncadd.s32 $0xFFFFF000  }
0x49: {  	_ =	swait.ge [sflag:s25], $0x1000  }
0x4a: {  	[sflag:s25] =	ssyncset.done $0x0  }
0x4b: {  	[sflag:s25] =	ssyncadd.s32 $0xFFFFF000  }
0x4c: {  	_ =	swait.ge [sflag:s25], $0x1000  }
0x4d: {  	[sflag:s25] =	ssyncset.done $0x0  }
0x4e: {  	[sflag:s25] =	ssyncadd.s32 $0xFFFFF000  }
0x4f: {  	_ =	swait.ge [sflag:s25], $0x1000  }
0x50: {  	[sflag:s25] =	ssyncset.done $0x0  }
0x51: {  	[sflag:s25] =	ssyncadd.s32 $0xFFFFF000  }
0x52: {  	_ =	swait.ge [sflag:s25], $0x1000  }
0x53: {  	[sflag:s25] =	ssyncset.done $0x0  }
0x54: {  	[sflag:s25] =	ssyncadd.s32 $0xFFFFF000  }
0x55: {  	[spmem:s2] =	stream.indirect.scatter.add.f32 [tilespmem:s14], [sflag:$0x2], $0x20, s12, s13, $0xb8;
	[tilespmem:$0x12800] =	vst v63  }
0x56: {  	_ = 	snop  }
0x57: {  	[spmem:s2] =	stream.indirect.scatter.add.f32 [tilespmem:s15], [sflag:$0x2], $0x20, s26, s13, $0xb8;
	[tilespmem:$0x12800] =	vst v63  }
0x58: {  	_ = 	snop  }
0x59: {  	[spmem:s2] =	stream.indirect.scatter.add.f32 [tilespmem:s16], [sflag:$0x2], $0x20, s28, s13, $0xb8;
	[tilespmem:$0x12800] =	vst v63  }
0x5a: {  	_ = 	snop  }
0x5b: {  	[spmem:s2] =	stream.indirect.scatter.add.f32 [tilespmem:s17], [sflag:$0x2], $0x20, s29, s13, $0xb8;
	[tilespmem:$0x12800] =	vst v63  }
0x5c: {  	_ = 	snop  }
0x5d: {  	[spmem:s2] =	stream.indirect.scatter.add.f32 [tilespmem:s18], [sflag:$0x2], $0x20, s30, s13, $0xb8;
	[tilespmem:$0x12800] =	vst v63  }
0x5e: {  	_ = 	snop  }
0x5f: {  	[spmem:s2] =	stream.indirect.scatter.add.f32 [tilespmem:s20], [sflag:$0x2], $0x20, s31, s13, $0xb8;
	[tilespmem:$0x12800] =	vst v63  }
0x60: {  	_ = 	snop  }
0x61: {  	[spmem:s2] =	stream.indirect.scatter.add.f32 [tilespmem:s22], [sflag:$0x2], $0x20, s1, s13, $0xb8;
	[tilespmem:$0x12800] =	vst v63  }
0x62: {  	_ = 	snop  }
0x63: {  	[spmem:s2] =	stream.indirect.scatter.add.f32 [tilespmem:s24], [sflag:$0x2], $0x20, s0, s13, $0xb8;
	[tilespmem:$0x12800] =	vst v63  }
0x64: {  	_ =	swait.ge [sflag:s5], $0x1000  }
0x65: {  	[sflag:s5] =	ssyncset.done $0x0  }
0x66: {  	[sflag:s5] =	ssyncadd.s32 $0xFFFFF000  }
0x67: {  	_ =	swait.ge [sflag:s5], $0x1000  }
0x68: {  	[sflag:s5] =	ssyncset.done $0x0  }
0x69: {  	[sflag:s5] =	ssyncadd.s32 $0xFFFFF000  }
0x6a: {  	_ =	swait.ge [sflag:s5], $0x1000  }
0x6b: {  	[sflag:s5] =	ssyncset.done $0x0  }
0x6c: {  	[sflag:s5] =	ssyncadd.s32 $0xFFFFF000  }
0x6d: {  	_ =	swait.ge [sflag:s5], $0x1000  }
0x6e: {  	[sflag:s5] =	ssyncset.done $0x0  }
0x6f: {  	[sflag:s5] =	ssyncadd.s32 $0xFFFFF000  }
0x70: {  	_ =	swait.ge [sflag:s5], $0x1000  }
0x71: {  	[sflag:s5] =	ssyncset.done $0x0  }
0x72: {  	[sflag:s5] =	ssyncadd.s32 $0xFFFFF000  }
0x73: {  	_ =	swait.ge [sflag:s5], $0x1000  }
0x74: {  	[sflag:s5] =	ssyncset.done $0x0  }
0x75: {  	[sflag:s5] =	ssyncadd.s32 $0xFFFFF000  }
0x76: {  	_ =	swait.ge [sflag:s5], $0x1000  }
0x77: {  	[sflag:s5] =	ssyncset.done $0x0  }
0x78: {  	[sflag:s5] =	ssyncadd.s32 $0xFFFFF000  }
0x79: {  	s6 =	simm.s32 $0x100;
	_ =	swait.ge [sflag:s5], $0x1000  }
0x7a: {  	s8 =	simm.s32 $0x80;
	s9 =	rddreg [dreg:$0x5];
	[sflag:s5] =	ssyncset.done $0x0  }
.LBB2_2:
0x7b: {  	[sflag:s5] =	ssyncadd.s32 $0xFFFFF000;
	s9 =	sadd.s32 s8, s9  }
0x7c: {  	[tilespmem:s11], [sflag:$0x3] =	stream.linear.gather [hbm4b:s9+s3], $0x400, $0x38;
	[tilespmem:$0x12800] =	vst v63  }
0x7d: {  	_ =	swait.ge [sflag:s10], $0x400  }
0x7e: {  	s9 =	rddreg [dreg:$0x4];
	[sflag:s10] =	ssyncset.done $0x0  }
0x7f: {  	[sflag:s10] =	ssyncadd.s32 $0xFFFFFC00;
	s9 =	sadd.s32 s8, s9  }
0x80: {  	[tilespmem:s12], [sflag:$0x3] =	stream.linear.gather [hbm4b:s9+s3], $0x400, $0x38;
	[tilespmem:$0x12800] =	vst v63  }
0x81: {  	_ =	swait.ge [sflag:s10], $0x400  }
0x82: {  	[sflag:s10] =	ssyncset.done $0x0  }
0x83: {  	s7 =	smov.u32 s6;
	[sflag:s10] =	ssyncadd.s32 $0xFFFFFC00  }
0x84: {  	[tilespmem:s14], [sflag:$0x1] =	stream.indirect.gather [hbm4b:s4+s13], $0x20, s11, s13, $0xb8;
	[tilespmem:$0x12800] =	vst v63  }
0x85: {  	s8 =	smov.u32 s7;
	s7 =	rddreg [dreg:$0x6]  }
0x86: {  	[tilespmem:s15], [sflag:$0x1] =	stream.indirect.gather [hbm4b:s4+s13], $0x20, s7, s13, $0xb8;
	[tilespmem:$0x12800] =	vst v63  }
0x87: {  	s9 =	rddreg [dreg:$0x7]  }
0x88: {  	[tilespmem:s16], [sflag:$0x1] =	stream.indirect.gather [hbm4b:s4+s13], $0x20, s9, s13, $0xb8;
	[tilespmem:$0x12800] =	vst v63  }
0x89: {  	s7 =	rddreg [dreg:$0x8]  }
0x8a: {  	[tilespmem:s17], [sflag:$0x1] =	stream.indirect.gather [hbm4b:s4+s13], $0x20, s7, s13, $0xb8;
	[tilespmem:$0x12800] =	vst v63  }
0x8b: {  	s9 =	rddreg [dreg:$0x9]  }
0x8c: {  	[tilespmem:s18], [sflag:$0x1] =	stream.indirect.gather [hbm4b:s4+s13], $0x20, s9, s13, $0xb8;
	[tilespmem:$0x12800] =	vst v63  }
0x8d: {  	_ = 	snop  }
0x8e: {  	[tilespmem:s20], [sflag:$0x1] =	stream.indirect.gather [hbm4b:s4+s13], $0x20, s19, s13, $0xb8;
	[tilespmem:$0x12800] =	vst v63  }
0x8f: {  	_ = 	snop  }
0x90: {  	[tilespmem:s22], [sflag:$0x1] =	stream.indirect.gather [hbm4b:s4+s13], $0x20, s21, s13, $0xb8;
	[tilespmem:$0x12800] =	vst v63  }
0x91: {  	_ = 	snop  }
0x92: {  	[tilespmem:s24], [sflag:$0x1] =	stream.indirect.gather [hbm4b:s4+s13], $0x20, s23, s13, $0xb8;
	[tilespmem:$0x12800] =	vst v63  }
0x93: {  	_ =	swait.ge [sflag:s25], $0x1000  }
0x94: {  	[sflag:s25] =	ssyncset.done $0x0  }
0x95: {  	[sflag:s25] =	ssyncadd.s32 $0xFFFFF000  }
0x96: {  	_ =	swait.ge [sflag:s25], $0x1000  }
0x97: {  	[sflag:s25] =	ssyncset.done $0x0  }
0x98: {  	[sflag:s25] =	ssyncadd.s32 $0xFFFFF000  }
0x99: {  	_ =	swait.ge [sflag:s25], $0x1000  }
0x9a: {  	[sflag:s25] =	ssyncset.done $0x0  }
0x9b: {  	[sflag:s25] =	ssyncadd.s32 $0xFFFFF000  }
0x9c: {  	_ =	swait.ge [sflag:s25], $0x1000  }
0x9d: {  	[sflag:s25] =	ssyncset.done $0x0  }
0x9e: {  	[sflag:s25] =	ssyncadd.s32 $0xFFFFF000  }
0x9f: {  	_ =	swait.ge [sflag:s25], $0x1000  }
0xa0: {  	[sflag:s25] =	ssyncset.done $0x0  }
0xa1: {  	[sflag:s25] =	ssyncadd.s32 $0xFFFFF000  }
0xa2: {  	_ =	swait.ge [sflag:s25], $0x1000  }
0xa3: {  	[sflag:s25] =	ssyncset.done $0x0  }
0xa4: {  	[sflag:s25] =	ssyncadd.s32 $0xFFFFF000  }
0xa5: {  	_ =	swait.ge [sflag:s25], $0x1000  }
0xa6: {  	[sflag:s25] =	ssyncset.done $0x0  }
0xa7: {  	[sflag:s25] =	ssyncadd.s32 $0xFFFFF000  }
0xa8: {  	_ =	swait.ge [sflag:s25], $0x1000  }
0xa9: {  	[sflag:s25] =	ssyncset.done $0x0  }
0xaa: {  	[sflag:s25] =	ssyncadd.s32 $0xFFFFF000  }
0xab: {  	[spmem:s2] =	stream.indirect.scatter.add.f32 [tilespmem:s14], [sflag:$0x2], $0x20, s12, s13, $0xb8;
	[tilespmem:$0x12800] =	vst v63  }
0xac: {  	_ = 	snop  }
0xad: {  	[spmem:s2] =	stream.indirect.scatter.add.f32 [tilespmem:s15], [sflag:$0x2], $0x20, s26, s13, $0xb8;
	[tilespmem:$0x12800] =	vst v63  }
0xae: {  	_ = 	snop  }
0xaf: {  	[spmem:s2] =	stream.indirect.scatter.add.f32 [tilespmem:s16], [sflag:$0x2], $0x20, s28, s13, $0xb8;
	[tilespmem:$0x12800] =	vst v63  }
0xb0: {  	_ = 	snop  }
0xb1: {  	[spmem:s2] =	stream.indirect.scatter.add.f32 [tilespmem:s17], [sflag:$0x2], $0x20, s29, s13, $0xb8;
	[tilespmem:$0x12800] =	vst v63  }
0xb2: {  	_ = 	snop  }
0xb3: {  	[spmem:s2] =	stream.indirect.scatter.add.f32 [tilespmem:s18], [sflag:$0x2], $0x20, s30, s13, $0xb8;
	[tilespmem:$0x12800] =	vst v63  }
0xb4: {  	_ = 	snop  }
0xb5: {  	[spmem:s2] =	stream.indirect.scatter.add.f32 [tilespmem:s20], [sflag:$0x2], $0x20, s31, s13, $0xb8;
	[tilespmem:$0x12800] =	vst v63  }
0xb6: {  	_ = 	snop  }
0xb7: {  	[spmem:s2] =	stream.indirect.scatter.add.f32 [tilespmem:s22], [sflag:$0x2], $0x20, s1, s13, $0xb8;
	[tilespmem:$0x12800] =	vst v63  }
0xb8: {  	_ = 	snop  }
0xb9: {  	[spmem:s2] =	stream.indirect.scatter.add.f32 [tilespmem:s24], [sflag:$0x2], $0x20, s0, s13, $0xb8;
	[tilespmem:$0x12800] =	vst v63  }
0xba: {  	_ =	swait.ge [sflag:s5], $0x1000  }
0xbb: {  	[sflag:s5] =	ssyncset.done $0x0  }
0xbc: {  	[sflag:s5] =	ssyncadd.s32 $0xFFFFF000  }
0xbd: {  	_ =	swait.ge [sflag:s5], $0x1000  }
0xbe: {  	[sflag:s5] =	ssyncset.done $0x0  }
0xbf: {  	[sflag:s5] =	ssyncadd.s32 $0xFFFFF000  }
0xc0: {  	_ =	swait.ge [sflag:s5], $0x1000  }
0xc1: {  	[sflag:s5] =	ssyncset.done $0x0  }
0xc2: {  	[sflag:s5] =	ssyncadd.s32 $0xFFFFF000  }
0xc3: {  	_ =	swait.ge [sflag:s5], $0x1000  }
0xc4: {  	[sflag:s5] =	ssyncset.done $0x0  }
0xc5: {  	[sflag:s5] =	ssyncadd.s32 $0xFFFFF000  }
0xc6: {  	_ =	swait.ge [sflag:s5], $0x1000  }
0xc7: {  	[sflag:s5] =	ssyncset.done $0x0  }
0xc8: {  	[sflag:s5] =	ssyncadd.s32 $0xFFFFF000  }
0xc9: {  	_ =	swait.ge [sflag:s5], $0x1000  }
0xca: {  	[sflag:s5] =	ssyncset.done $0x0  }
0xcb: {  	p0 =	sne.s32 s6, $0x200;
	[sflag:s5] =	ssyncadd.s32 $0xFFFFF000  }
.Ltmp0:
0xcc: {  	_ =	swait.ge [sflag:s5], $0x1000;
	(pc) =	sbr.rel @p0 .LBB2_2-.Ltmp0, $4  }
0xcd: {  	[sflag:s5] =	ssyncset.done $0x0  }
0xce: {  	[sflag:s5] =	ssyncadd.s32 $0xFFFFF000  }
0xcf: {  	_ =	swait.ge [sflag:s5], $0x1000  }
0xd0: {  	s6 =	sadd.s32 $0x80, s6;
	s9 =	rddreg [dreg:$0x5];
	[sflag:s5] =	ssyncset.done $0x0  }
0xd1: {  	[sflag:s5] =	ssyncadd.s32 $0xFFFFF000;
	s6 =	sadd.s32 s8, s9  }
0xd2: {  	[tilespmem:s11], [sflag:$0x3] =	stream.linear.gather [hbm4b:s6+s3], $0x400, $0x38;
	[tilespmem:$0x12800] =	vst v63  }
0xd3: {  	_ =	swait.ge [sflag:s10], $0x400  }
0xd4: {  	s7 =	rddreg [dreg:$0x4];
	[sflag:s10] =	ssyncset.done $0x0  }
0xd5: {  	[sflag:s10] =	ssyncadd.s32 $0xFFFFFC00;
	s6 =	sadd.s32 s8, s7  }
0xd6: {  	[tilespmem:s12], [sflag:$0x3] =	stream.linear.gather [hbm4b:s6+s3], $0x400, $0x38;
	[tilespmem:$0x12800] =	vst v63  }
0xd7: {  	_ =	swait.ge [sflag:s10], $0x400  }
0xd8: {  	[sflag:s10] =	ssyncset.done $0x0  }
0xd9: {  	[sflag:s10] =	ssyncadd.s32 $0xFFFFFC00  }
0xda: {  	[tilespmem:s14], [sflag:$0x1] =	stream.indirect.gather [hbm4b:s4+s13], $0x20, s11, s13, $0xb8;
	[tilespmem:$0x12800] =	vst v63  }
0xdb: {  	s8 =	rddreg [dreg:$0x6]  }
0xdc: {  	[tilespmem:s15], [sflag:$0x1] =	stream.indirect.gather [hbm4b:s4+s13], $0x20, s8, s13, $0xb8;
	[tilespmem:$0x12800] =	vst v63  }
0xdd: {  	s7 =	rddreg [dreg:$0x7]  }
0xde: {  	[tilespmem:s16], [sflag:$0x1] =	stream.indirect.gather [hbm4b:s4+s13], $0x20, s7, s13, $0xb8;
	[tilespmem:$0x12800] =	vst v63  }
0xdf: {  	s9 =	rddreg [dreg:$0x8]  }
0xe0: {  	[tilespmem:s17], [sflag:$0x1] =	stream.indirect.gather [hbm4b:s4+s13], $0x20, s9, s13, $0xb8;
	[tilespmem:$0x12800] =	vst v63  }
0xe1: {  	s8 =	rddreg [dreg:$0x9]  }
0xe2: {  	[tilespmem:s18], [sflag:$0x1] =	stream.indirect.gather [hbm4b:s4+s13], $0x20, s8, s13, $0xb8;
	[tilespmem:$0x12800] =	vst v63  }
0xe3: {  	_ = 	snop  }
0xe4: {  	[tilespmem:s20], [sflag:$0x1] =	stream.indirect.gather [hbm4b:s4+s13], $0x20, s19, s13, $0xb8;
	[tilespmem:$0x12800] =	vst v63  }
0xe5: {  	_ = 	snop  }
0xe6: {  	[tilespmem:s22], [sflag:$0x1] =	stream.indirect.gather [hbm4b:s4+s13], $0x20, s21, s13, $0xb8;
	[tilespmem:$0x12800] =	vst v63  }
0xe7: {  	_ = 	snop  }
0xe8: {  	[tilespmem:s24], [sflag:$0x1] =	stream.indirect.gather [hbm4b:s4+s13], $0x20, s23, s13, $0xb8;
	[tilespmem:$0x12800] =	vst v63  }
0xe9: {  	_ =	swait.ge [sflag:s25], $0x1000  }
0xea: {  	[sflag:s25] =	ssyncset.done $0x0  }
0xeb: {  	[sflag:s25] =	ssyncadd.s32 $0xFFFFF000  }
0xec: {  	_ =	swait.ge [sflag:s25], $0x1000  }
0xed: {  	[sflag:s25] =	ssyncset.done $0x0  }
0xee: {  	[sflag:s25] =	ssyncadd.s32 $0xFFFFF000  }
0xef: {  	_ =	swait.ge [sflag:s25], $0x1000  }
0xf0: {  	[sflag:s25] =	ssyncset.done $0x0  }
0xf1: {  	[sflag:s25] =	ssyncadd.s32 $0xFFFFF000  }
0xf2: {  	_ =	swait.ge [sflag:s25], $0x1000  }
0xf3: {  	[sflag:s25] =	ssyncset.done $0x0  }
0xf4: {  	[sflag:s25] =	ssyncadd.s32 $0xFFFFF000  }
0xf5: {  	_ =	swait.ge [sflag:s25], $0x1000  }
0xf6: {  	[sflag:s25] =	ssyncset.done $0x0  }
0xf7: {  	[sflag:s25] =	ssyncadd.s32 $0xFFFFF000  }
0xf8: {  	_ =	swait.ge [sflag:s25], $0x1000  }
0xf9: {  	[sflag:s25] =	ssyncset.done $0x0  }
0xfa: {  	[sflag:s25] =	ssyncadd.s32 $0xFFFFF000  }
0xfb: {  	_ =	swait.ge [sflag:s25], $0x1000  }
0xfc: {  	[sflag:s25] =	ssyncset.done $0x0  }
0xfd: {  	[sflag:s25] =	ssyncadd.s32 $0xFFFFF000  }
0xfe: {  	_ =	swait.ge [sflag:s25], $0x1000  }
0xff: {  	[sflag:s25] =	ssyncset.done $0x0  }
0x100: {  	[sflag:s25] =	ssyncadd.s32 $0xFFFFF000  }
0x101: {  	[spmem:s2] =	stream.indirect.scatter.add.f32 [tilespmem:s14], [sflag:$0x2], $0x20, s12, s13, $0xb8;
	[tilespmem:$0x12800] =	vst v63  }
0x102: {  	_ = 	snop  }
0x103: {  	[spmem:s2] =	stream.indirect.scatter.add.f32 [tilespmem:s15], [sflag:$0x2], $0x20, s26, s13, $0xb8;
	[tilespmem:$0x12800] =	vst v63  }
0x104: {  	_ = 	snop  }
0x105: {  	[spmem:s2] =	stream.indirect.scatter.add.f32 [tilespmem:s16], [sflag:$0x2], $0x20, s28, s13, $0xb8;
	[tilespmem:$0x12800] =	vst v63  }
0x106: {  	_ = 	snop  }
0x107: {  	[spmem:s2] =	stream.indirect.scatter.add.f32 [tilespmem:s17], [sflag:$0x2], $0x20, s29, s13, $0xb8;
	[tilespmem:$0x12800] =	vst v63  }
0x108: {  	_ = 	snop  }
0x109: {  	[spmem:s2] =	stream.indirect.scatter.add.f32 [tilespmem:s18], [sflag:$0x2], $0x20, s30, s13, $0xb8;
	[tilespmem:$0x12800] =	vst v63  }
0x10a: {  	_ = 	snop  }
0x10b: {  	[spmem:s2] =	stream.indirect.scatter.add.f32 [tilespmem:s20], [sflag:$0x2], $0x20, s31, s13, $0xb8;
	[tilespmem:$0x12800] =	vst v63  }
0x10c: {  	_ = 	snop  }
0x10d: {  	[spmem:s2] =	stream.indirect.scatter.add.f32 [tilespmem:s22], [sflag:$0x2], $0x20, s1, s13, $0xb8;
	[tilespmem:$0x12800] =	vst v63  }
0x10e: {  	_ = 	snop  }
0x10f: {  	[spmem:s2] =	stream.indirect.scatter.add.f32 [tilespmem:s24], [sflag:$0x2], $0x20, s0, s13, $0xb8;
	[tilespmem:$0x12800] =	vst v63  }
0x110: {  	_ =	swait.ge [sflag:s5], $0x1000  }
0x111: {  	[sflag:s5] =	ssyncset.done $0x0  }
0x112: {  	[sflag:s5] =	ssyncadd.s32 $0xFFFFF000  }
0x113: {  	_ =	swait.ge [sflag:s5], $0x1000  }
0x114: {  	[sflag:s5] =	ssyncset.done $0x0  }
0x115: {  	[sflag:s5] =	ssyncadd.s32 $0xFFFFF000  }
0x116: {  	_ =	swait.ge [sflag:s5], $0x1000  }
0x117: {  	[sflag:s5] =	ssyncset.done $0x0  }
0x118: {  	[sflag:s5] =	ssyncadd.s32 $0xFFFFF000  }
0x119: {  	_ =	swait.ge [sflag:s5], $0x1000  }
0x11a: {  	[sflag:s5] =	ssyncset.done $0x0  }
0x11b: {  	[sflag:s5] =	ssyncadd.s32 $0xFFFFF000  }
0x11c: {  	_ =	swait.ge [sflag:s5], $0x1000  }
0x11d: {  	[sflag:s5] =	ssyncset.done $0x0  }
0x11e: {  	[sflag:s5] =	ssyncadd.s32 $0xFFFFF000  }
0x11f: {  	_ =	swait.ge [sflag:s5], $0x1000  }
0x120: {  	[sflag:s5] =	ssyncset.done $0x0  }
0x121: {  	[sflag:s5] =	ssyncadd.s32 $0xFFFFF000  }
0x122: {  	_ =	swait.ge [sflag:s5], $0x1000  }
0x123: {  	[sflag:s5] =	ssyncset.done $0x0  }
0x124: {  	[sflag:s5] =	ssyncadd.s32 $0xFFFFF000  }
0x125: {  	_ =	swait.ge [sflag:s5], $0x1000  }
0x126: {  	[sflag:s5] =	ssyncset.done $0x0  }
0x127: {  	[sflag:s5] =	ssyncadd.s32 $0xFFFFF000  }
0x128: {  	[bflag:$0x0] =	sbarrier.arrive $0xFFFF  }
0x129: {  	s7 =	simm.s32 $0xD800;
	s8 =	rddreg [dreg:$0xb]  }
0x12a: {  	[tilespmem:s7], [sflag:$0x3] =	stream.linear.gather [spmem:s8], $0x5000, $0x38;
	[tilespmem:$0x12800] =	vst v63  }
0x12b: {  	_ =	swait.ge [sflag:s10], $0x5000  }
0x12c: {  	[sflag:s10] =	ssyncset.done $0x0  }
0x12d: {  	s9 =	rddreg [dreg:$0xc];
	[sflag:s10] =	ssyncadd.s32 $0xFFFFB000  }
0x12e: {  	[hbm4b:s9+s3] =	stream.linear.scatter [tilespmem:s7], [sflag:$0x3], $0x5000, $0x38;
	[tilespmem:$0x12800] =	vst v63  }
0x12f: {  	_ =	swait.ge [sflag:s10], $0x5000  }
0x130: {  	s6 =	rddreg [dreg:$0xe]  }
0x131: {  	s9 =	sadd.s32 $0x1, s6;
	s6 =	rddreg [dreg:$0xd]  }
0x132: {  	p0 =	sne.s32 s9, s6  }
.Ltmp1:
0x133: {  	_ = 	snop;
	(pc) =	sbr.rel @p0 .LBB2_1-.Ltmp1, $3  }
0x134: {  	_ =	sdelay $0x1  }
0x135: {  	[sflag:s10] =	ssyncset.done $0x0  }
0x136: {  	[sflag:s10] =	ssyncadd.s32 $0xFFFFB000  }
0x137: {  	_ =	sfence.sel $0x180000  }
0x138: {  	[bflag:$0x0] =	sbarrier.arrive $0xFFFF  }
0x139: {  	_ =	strace $0x9000004D  }
0x13a: {  	s0 =	stileid.u32;
	[bflag:$0x2] =	sbarrier.arrive $0xFFFF  }
0x13b: {  	p0 =	sne.s32 s0, $0x0;
	s0 =	rddreg [dreg:$0x3]  }
0x13c: {  	s0 =	sadd.s32 @!p0 $0x100000, s0  }
0x13d: {  	[sflag:s0] =	ssyncadd.tile.s32 @!p0 $0x1;
	_ =	shalt  }
.Lfunc_end2:
_tile_overlayer_lowered:
.L_overlay_start_2:
0x13e: {  	(tag) =	ssettag $0x2  }
0x13f: {  	s0 =	rddreg [dreg:$0x0];
	s2 =	stileid.u32  }
0x140: {  	s1 =	rddreg [dreg:$0x1];
	p0 =	sne.s32 s2, $0x0  }
0x141: {  	s3 =	rddreg [dreg:$0x2];
	[bflag:$0x3] =	sbarrier.arrive $0xFFFF;
	s2 =	simm.s32 @!p0 $0x1C03  }
0x142: {  	[timem:s3], [sflag:s2] =	dma.local @!p0 [hbm:s0], s1  }
0x143: {  	s0 =	simm.s32 @!p0 $0x3  }
0x144: {  	_ =	swait.ge @!p0 [sflag:s0], s1  }
0x145: {  	s1 =	ssub.s32 @!p0 $0x0, s1;
	[sflag:s0] =	ssyncset.done @!p0 $0x0  }
0x146: {  	[sflag:s0] =	ssyncadd.s32 @!p0 s1  }
0x147: {  	[bflag:$0x3] =	sbarrier.arrive $0xFFFF  }
0x148: {  	_ =	shalt  }

// kernel: kernel.9.cloned.1.call-start
scs
__scs_entry_jumppad:
0x0: {  	(pc) =	sbr.rel $0x88, $3  }
0x1: {  	(tag) =	ssettag $0x0;
	lr =	simm.s32 $0x1  }
0x2: {  	[smem:$0x3F98] =	sst lr;
	_ =	strace $0xD0000000  }
0x3: {  	_ = 	snop  }
0x4: {  	_ = 	snop  }
0x5: {  	_ = 	snop  }
0x6: {  	_ = 	snop  }
0x7: {  	_ = 	snop  }
__scs_overlays_trampoline_lowered:
0x8: {  	[smem:$0x3FA7] =	sst s0  }
0x9: {  	[smem:$0x3FA8] =	sst s1  }
0xa: {  	[smem:$0x3FA9] =	sst s2  }
0xb: {  	[smem:$0x3FAA] =	sst s3  }
0xc: {  	[smem:$0x3FAB] =	sst s4  }
0xd: {  	[smem:$0x3FAC] =	sst s5  }
0xe: {  	[smem:$0x3FAD] =	sst s6  }
0xf: {  	[smem:$0x3FAE] =	sst s7  }
0x10: {  	[smem:$0x3FAF] =	sst s8  }
0x11: {  	[smem:$0x3FB0] =	sst s9;
	s0 =	simm.s32 @!p0 $0x0  }
0x12: {  	s1 =	sld [smem:$0x3F96];
	s0 =	simm.s32 @p0 $0x1  }
0x13: {  	[smem:$0x3FB1] =	sst s0;
	s0 =	simm.s32 @!p1 $0x0  }
0x14: {  	s2 =	sld [smem:$0x3F95];
	s0 =	simm.s32 @p1 $0x1  }
0x15: {  	[smem:$0x3FB2] =	sst s0;
	s0 =	simm.s32 @!p2 $0x0  }
0x16: {  	s3 =	sld [smem:$0x3FDB];
	s0 =	simm.s32 @p2 $0x1  }
0x17: {  	s4 =	simm.s32 $0x1BF5;
	[smem:$0x3FB4] =	sst s0  }
0x18: {  	s0 =	sld [smem:$0x3F97];
	_ =	swait.ge [sflag:s4], $0x0  }
0x19: {  	s7 =	sld [smem:$0x3F98]  }
0x1a: {  	s8 =	sadd.s32 $0xFFFFE003, lr  }
0x1b: {  	s9 =	sadd.s32 $0xFFFFFEF7, lr;
	s5 =	simm.s32 $0xFFFFFFFF;
	p2 =	slt.u32 s8, $0xFFFFF086  }
0x1c: {  	p1 =	slt.u32 s9, $0xF7A;
	s5 =	simm.s32 @!p2 $0x0  }
0x1d: {  	s5 =	simm.s32 @p1 $0x1;
	p0 =	seq.s32 s7, s2  }
0x1e: {  	s7 =	smul.u32 @!p0 $0xF7A, s2;
	p2 =	seq.s32 @!p0 s5, $0x0  }
0x1f: {  	s9 =	smul.u32 $0xF7A, s1;
	s8 =	simm.s32 @!p0 $0x1BF5;
	p2 =	por !p2, p0  }
0x20: {  	[sflag:s8] =	ssyncset.s32 @!p0 $0xFFFFF086;
	s6 =	sadd.s32 @!p0 s3, s7;
	s7 =	simm.s32 @!p0 $0x108  }
0x21: {  	s3 =	sadd.s32 s3, s9;
	s6 =	sadd.s32 @!p0 $0x88, s6;
	s7 =	simm.s32 @p2 $0x1082  }
0x22: {  	[simem:s7], [sflag:s8] =	dma.local @!p0 [hbm:s6], $0xF7A  }
0x23: {  	s9 =	sor.u32 $0xD0000000, s2;
	s6 =	simm.s32 $0x108;
	_ =	swait.ge @!p0 [sflag:s8], $0x0  }
0x24: {  	s3 =	sadd.s32 $0x88, s3;
	s6 =	simm.s32 @!p1 $0x1082;
	[sflag:s4] =	ssyncset.s32 $0xFFFFF086  }
0x25: {  	[simem:s6], [sflag:s4] =	dma.local [hbm:s3], $0xF7A  }
0x26: {  	[smem:$0x3F98] =	sst s1;
	(tag) =	ssettag s2;
	_ =	strace s9  }
0x27: {  	s1 =	sld [smem:$0x3FA8]  }
0x28: {  	s2 =	sld [smem:$0x3FA9]  }
0x29: {  	s4 =	sld [smem:$0x3FAB]  }
0x2a: {  	p0 =	seq.s32 s5, $0x0;
	s5 =	sld [smem:$0x3FAC]  }
0x2b: {  	s6 =	sld [smem:$0x3FAD]  }
0x2c: {  	s7 =	sld [smem:$0x3FAE]  }
0x2d: {  	s3 =	simm.s32 $0x108;
	s8 =	sld [smem:$0x3FAF]  }
0x2e: {  	s3 =	simm.s32 @!p0 $0x1082;
	s9 =	sld [smem:$0x3FB0]  }
0x2f: {  	lr =	sadd.s32 s0, s3;
	s0 =	sld [smem:$0x3FA7]  }
0x30: {  	s3 =	sld [smem:$0x3FAA]  }
0x31: {  	[smem:$0x3FB3] =	sst s10  }
0x32: {  	s10 =	sld [smem:$0x3FB1];
	_ =	sdelay $0x3  }
0x33: {  	p0 =	seq.s32 s10, $0x1;
	s10 =	sld [smem:$0x3FB3];
	_ =	sdelay $0x3  }
0x34: {  	[smem:$0x3FB3] =	sst s10  }
0x35: {  	s10 =	sld [smem:$0x3FB2];
	_ =	sdelay $0x3  }
0x36: {  	p1 =	seq.s32 s10, $0x1;
	s10 =	sld [smem:$0x3FB3];
	_ =	sdelay $0x3  }
0x37: {  	[smem:$0x3FB3] =	sst s10  }
0x38: {  	s10 =	sld [smem:$0x3FB4]  }
0x39: {  	_ = 	snop;
	(pc) =	sbr.ind lr, $3  }
0x3a: {  	_ = 	snop  }
0x3b: {  	_ = 	snop  }
0x3c: {  	p2 =	seq.s32 s10, $0x1;
	s10 =	sld [smem:$0x3FB3]  }
0x3d: {  	_ =	shalt  }
0x3e: {  	_ =	shalt  }
0x3f: {  	_ =	shalt  }
0x40: {  	_ =	shalt  }
0x41: {  	_ =	shalt  }
0x42: {  	_ =	shalt  }
0x43: {  	_ =	shalt  }
0x44: {  	_ =	shalt  }
0x45: {  	_ =	shalt  }
0x46: {  	_ =	shalt  }
0x47: {  	_ =	shalt  }
0x48: {  	_ =	shalt  }
0x49: {  	_ =	shalt  }
0x4a: {  	_ =	shalt  }
0x4b: {  	_ =	shalt  }
0x4c: {  	_ =	shalt  }
0x4d: {  	_ =	shalt  }
0x4e: {  	_ =	shalt  }
0x4f: {  	_ =	shalt  }
0x50: {  	_ =	shalt  }
0x51: {  	_ =	shalt  }
0x52: {  	_ =	shalt  }
0x53: {  	_ =	shalt  }
0x54: {  	_ =	shalt  }
0x55: {  	_ =	shalt  }
0x56: {  	_ =	shalt  }
0x57: {  	_ =	shalt  }
0x58: {  	_ =	shalt  }
0x59: {  	_ =	shalt  }
0x5a: {  	_ =	shalt  }
0x5b: {  	_ =	shalt  }
0x5c: {  	_ =	shalt  }
0x5d: {  	_ =	shalt  }
0x5e: {  	_ =	shalt  }
0x5f: {  	_ =	shalt  }
0x60: {  	_ =	shalt  }
0x61: {  	_ =	shalt  }
0x62: {  	_ =	shalt  }
0x63: {  	_ =	shalt  }
0x64: {  	_ =	shalt  }
0x65: {  	_ =	shalt  }
0x66: {  	_ =	shalt  }
0x67: {  	_ =	shalt  }
0x68: {  	_ =	shalt  }
0x69: {  	_ =	shalt  }
0x6a: {  	_ =	shalt  }
0x6b: {  	_ =	shalt  }
0x6c: {  	_ =	shalt  }
0x6d: {  	_ =	shalt  }
0x6e: {  	_ =	shalt  }
0x6f: {  	_ =	shalt  }
0x70: {  	_ =	shalt  }
0x71: {  	_ =	shalt  }
0x72: {  	_ =	shalt  }
0x73: {  	_ =	shalt  }
0x74: {  	_ =	shalt  }
0x75: {  	_ =	shalt  }
0x76: {  	_ =	shalt  }
0x77: {  	_ =	shalt  }
0x78: {  	_ =	shalt  }
0x79: {  	_ =	shalt  }
0x7a: {  	_ =	shalt  }
0x7b: {  	_ =	shalt  }
0x7c: {  	_ =	shalt  }
0x7d: {  	_ =	shalt  }
0x7e: {  	_ =	shalt  }
0x7f: {  	_ =	shalt  }
0x80: {  	_ =	shalt  }
0x81: {  	_ =	shalt  }
0x82: {  	_ =	shalt  }
0x83: {  	_ =	shalt  }
0x84: {  	_ =	shalt  }
0x85: {  	_ =	shalt  }
0x86: {  	_ =	shalt  }
0x87: {  	_ =	shalt  }
.Lfunc_end0:
.L_simem_size_0:
called_computation_lowered:
.L_overlay_start_0:
0x88: {  	s2 =	sld [smem:$0x3FD9]  }
0x89: {  	s3 =	sld [smem:$0x3FFE];
	_ =	sdelay $0x1  }
0x8a: {  	s1 =	srdreg.scid  }
0x8b: {  	s0 =	sand.u32 $0x1, s1  }
0x8c: {  	s17 =	sshll.u32 s0, $0xA;
	s2 =	sadd.s32 s3, s2  }
0x8d: {  	s2 =	sadd.s32 s2, s17  }
0x8e: {  	[smem:$0x3FBF] =	sst s2  }
0x8f: {  	_ = 	snop  }
0x90: {  	s2 =	sld [smem:$0x3FD0];
	(tm) =	ssettm $0x1  }
0x91: {  	s18 =	sld [smem:$0x3FFB];
	_ =	sdelay $0x3  }
0x92: {  	_ =	strace s18  }
0x93: {  	s3 =	sld [smem:$0x3FFC];
	_ =	sdelay $0x3  }
0x94: {  	_ =	strace s3  }
0x95: {  	s3 =	sld [smem:$0x3FFD];
	_ =	sdelay $0x3  }
0x96: {  	_ =	strace s3  }
0x97: {  	_ =	strace $0x8FFFFFFF  }
0x98: {  	s19 =	sld [smem:$0x3FDB];
	_ =	sdelay $0x1  }
0x99: {  	s4 =	simm.s32 $_scs_section_size  }
0x9a: {  	s5 =	simm.s32 $_size__tile_overlayer_lowered;
	s6 =	simm.s32 $_tile_overlayer_lowered  }
0x9b: {  	s22 =	simm.s32 $0x1BFF;
	s21 =	sshll.u32 s6, $0x1;
	s3 =	sadd.s32 s4, s19  }
0x9c: {  	s7 =	simm.s32 $0x0;
	s20 =	sshll.u32 s5, $0x1;
	s5 =	sadd.s32 s21, s3  }
0x9d: {  	[timem:s7], [sflag:s22] =	dma.local [hbm:s5], s20  }
0x9e: {  	_ =	swait.ge [sflag:s22], s20  }
0x9f: {  	s4 =	ssub.s32 $0x0, s20;
	[sflag:s22] =	ssyncset.done $0x0  }
0xa0: {  	[sflag:s22] =	ssyncadd.s32 s4;
	_ =	sdelay $0x1  }
0xa1: {  	s23 =	simm.s32 $0x1B8B  }
0xa2: {  	_ =	swait.ge [sflag:s23], $0x1  }
0xa3: {  	[sflag:s23] =	ssyncset.done $0x0  }
0xa4: {  	s25 =	simm.s32 $0x1B8E;
	s24 =	sld [smem:$0x3FFE];
	[sflag:s23] =	ssyncadd.s32 $0xFFFFFFFF  }
0xa5: {  	s26 =	simm.s32 $execute0_lowered;
	[smem:$0x3FD2] =	sst s25  }
0xa6: {  	s5 =	sshll.u32 s26, $0x1;
	_ =	strace $0x80000046;
	[dreg:$0x1] =	wrdreg $0xFFFFFFFF  }
0xa7: {  	s28 =	simm.s32 $_size_execute0_lowered;
	s3 =	sadd.s32 s3, s5;
	[dreg:$0x0] =	wrdreg $0x0  }
0xa8: {  	s5 =	sshll.u32 s28, $0x1;
	[dreg:$0x2] =	wrdreg s3  }
0xa9: {  	[dreg:$0x3] =	wrdreg s5  }
0xaa: {  	[dreg:$0x4] =	wrdreg $0xC0  }
0xab: {  	_ =	task [dreg:s7], $0x5FFFF  }
0xac: {  	[dreg:$0x1] =	wrdreg $0xFFFFFFFF  }
0xad: {  	[dreg:$0x0] =	wrdreg $0x60  }
0xae: {  	[dreg:$0x2] =	wrdreg s24  }
0xaf: {  	[dreg:$0x3] =	wrdreg s2  }
0xb0: {  	[dreg:$0x4] =	wrdreg $0x9  }
0xb1: {  	_ =	task.clear_ibuf [dreg:s7], $0x5FFFF;
	_ =	strace $0x90000046  }
0xb2: {  	s29 =	simm.s32 $0x9;
	_ =	strace $0x80000048  }
0xb3: {  	_ =	swait.ge [sflag:s29], $0x1  }
0xb4: {  	[sflag:s29] =	ssyncadd.s32 $0xFFFFFFFF  }
0xb5: {  	_ =	strace $0x90000048  }
0xb6: {  	_ =	sfence  }
0xb7: {  	s30 =	sld [smem:$0x0];
	_ =	sdelay $0x2  }
0xb8: {  	s31 =	sshll.u32 s1, $0xD;
	s1 =	sshrl.u32 s1, $0x2  }
0xb9: {  	s3 =	sand.u32 $0x4000, s31;
	s1 =	sadd.s32 s1, s30  }
0xba: {  	s0 =	sor.u32 s3, s0;
	s1 =	sshll.u32 s1, $0x11  }
0xbb: {  	s0 =	sor.u32 s1, s0  }
0xbc: {  	s0 =	sadd.s32 $0x8F2B, s0  }
0xbd: {  	[sflag:s0] =	ssyncadd.remote.s32 $0x1  }
0xbe: {  	_ =	sfence.sel $0xFFFF  }
0xbf: {  	[dreg:$0x0] =	wrdreg $0xFFFFFFFF;
	(pc) =	sbr.abs _section_cstart, $3  }
0xc0: {  	[dreg:$0x1] =	wrdreg $0xFFFFFFFF  }
0xc1: {  	_ =	task.clear_ibuf [dreg:s7], $0x2FFFF;
	_ =	strace $0x9FFFFFFF  }
0xc2: {  	(tm) =	ssettm $0x7FFFFFFF  }
0xc3: {  	_ =	shalt  }
tec
execute0_lowered:
.L_overlay_start_1:
0x0: {  	(tag) =	ssettag $0x1  }
0x1: {  	s3 =	rddreg [dreg:$0x0]  }
0x2: {  	s1 =	srdreg.scid;
	s0 =	stileid.u32  }
0x3: {  	s6 =	rddreg [dreg:$0x1];
	s2 =	simm.s32 $0x0;
	s10 =	simm.s32 $0x6400  }
0x4: {  	s11 =	simm.s32 $0x80;
	s12 =	simm.s32 $0x400;
	s13 =	simm.s32 $0x0  }
0x5: {  	s4 =	sand.u32 $0x1, s1;
	s5 =	sshll.u32 s0, $0x1;
	s1 =	rddreg [dreg:$0x2]  }
0x6: {  	[smem:$0x7FF] =	sst s2;
	s8 =	sshrl.u32 s0, $0x2;
	s5 =	sor.u32 s4, s5  }
0x7: {  	_ =	strace $0x80000047;
	s8 =	smul.u32 $0x28000, s8;
	s4 =	ssub.s32 $0x2, s4  }
0x8: {  	s7 =	smul.u32 $0x280, s5;
	s5 =	sshll.u32 s5, $0x7;
	s9 =	sshrl.u32 s4, $0x1  }
0x9: {  	s5 =	sand.u32 $0x380, s5;
	s30 =	ssub.s32 s4, s9;
	s9 =	simm.s32 $0x5000  }
0xa: {  	s7 =	sadd.s32 s7, s3;
	s3 =	sadd.s32 $0xBC00, s3;
	s5 =	sor.u32 s8, s5  }
0xb: {  	s8 =	simm.s32 $0x1;
	s4 =	sadd.s32 $0x6C00, s7;
	s31 =	sshrl.u32 s5, $0x3  }
0xc: {  	v0 =	vimm.f32 $1.000000000e+00;
	s5 =	sadd.s32 $0x1C00, s7;
	s7 =	smax.u32 s30, $0x1;
	s6 =	sadd.s32 s6, s31  }
.LBB2_1:
0xd: {  	[tilespmem:s2], [sflag:$0x1] =	stream.linear.gather [hbm4b:s3+s2], $0x5000, $0x38;
	[tilespmem:$0x7800] =	vst v63  }
0xe: {  	_ =	swait.ge [sflag:s8], $0x5000  }
0xf: {  	[sflag:s8] =	ssyncset.done $0x0  }
0x10: {  	[sflag:s8] =	ssyncadd.s32 $0xFFFFB000  }
0x11: {  	[tilespmem:s9], [sflag:$0x1] =	stream.linear.gather [hbm4b:s4+s2], $0x1400, $0x38;
	[tilespmem:$0x7800] =	vst v63  }
0x12: {  	_ =	swait.ge [sflag:s8], $0x1400  }
0x13: {  	[sflag:s8] =	ssyncset.done $0x0  }
0x14: {  	[sflag:s8] =	ssyncadd.s32 $0xFFFFEC00  }
0x15: {  	[tilespmem:s10], [sflag:$0x1] =	stream.linear.gather [hbm4b:s5+s2], $0x1400, $0x38;
	[tilespmem:$0x7800] =	vst v63  }
0x16: {  	_ =	swait.ge [sflag:s8], $0x1400  }
0x17: {  	[sflag:s8] =	ssyncset.done $0x0  }
0x18: {  	s14 =	simm.s32 $0x0;
	[sflag:s8] =	ssyncadd.s32 $0xFFFFEC00  }
.LBB2_2:
0x19: {  	s15 =	sshra.s32 s14, $0x2  }
0x1a: {  	v1 =	vld [tilespmem:s15+$0x5000];
	_ =	sdelay $0x7  }
0x1b: {  	[tilespmem:v1+s2+$0x0] =	vst.idx.add.f32.msk $0xffff, v0  }
0x1c: {  	v1 =	vld [tilespmem:s15+$0x6400];
	_ =	sdelay $0x4  }
0x1d: {  	p0 =	sne.s32 s14, $0x4FC0;
	v1 =	vadd.s32 $0x2800, v1  }
.Ltmp0:
0x1e: {  	_ = 	snop;
	(pc) =	sbr.rel @p0 .LBB2_2-.Ltmp0, $2  }
0x1f: {  	_ =	sdelay $0x2  }
0x20: {  	s14 =	sadd.s32 $0x40, s14;
	[tilespmem:v1+s2+$0x0] =	vst.idx.add.f32.msk $0xffff, v0  }
0x21: {  	s13 =	sadd.s32 $0x1, s13  }
0x22: {  	p0 =	sne.s32 s13, s7  }
.Ltmp1:
0x23: {  	_ = 	snop;
	(pc) =	sbr.rel @p0 .LBB2_1-.Ltmp1, $4  }
0x24: {  	[hbm4b:s6+s11] =	stream.strided.scatter [tilespmem:s2], [sflag:$0x1], $0x5000, s12, s11, $0x38;
	[tilespmem:$0x7800] =	vst v63  }
0x25: {  	_ =	swait.ge [sflag:s8], $0x5000  }
0x26: {  	[sflag:s8] =	ssyncset.done $0x0  }
0x27: {  	[sflag:s8] =	ssyncadd.s32 $0xFFFFB000  }
0x28: {  	_ =	sfence.sel $0x180000  }
0x29: {  	[bflag:$0x0] =	sbarrier.arrive $0xFFFF  }
0x2a: {  	p0 =	sne.s32 s0, $0x0;
	_ =	strace $0x90000047  }
0x2b: {  	s0 =	sadd.s32 @!p0 $0x100000, s1;
	[bflag:$0x2] =	sbarrier.arrive $0xFFFF  }
0x2c: {  	[sflag:s0] =	ssyncadd.tile.s32 @!p0 $0x1;
	_ =	shalt  }
.Lfunc_end2:
_tile_overlayer_lowered:
.L_overlay_start_2:
0x2d: {  	(tag) =	ssettag $0x2  }
0x2e: {  	s0 =	rddreg [dreg:$0x0];
	s2 =	stileid.u32  }
0x2f: {  	s1 =	rddreg [dreg:$0x1];
	p0 =	sne.s32 s2, $0x0  }
0x30: {  	s3 =	rddreg [dreg:$0x2];
	[bflag:$0x3] =	sbarrier.arrive $0xFFFF;
	s2 =	simm.s32 @!p0 $0x1C01  }
0x31: {  	[timem:s3], [sflag:s2] =	dma.local @!p0 [hbm:s0], s1  }
0x32: {  	s0 =	simm.s32 @!p0 $0x1  }
0x33: {  	_ =	swait.ge @!p0 [sflag:s0], s1  }
0x34: {  	s1 =	ssub.s32 @!p0 $0x0, s1;
	[sflag:s0] =	ssyncset.done @!p0 $0x0  }
0x35: {  	[sflag:s0] =	ssyncadd.s32 @!p0 s1  }
0x36: {  	[bflag:$0x3] =	sbarrier.arrive $0xFFFF  }
0x37: {  	_ =	shalt  }

</sc_bundles>
